<compile_context>
chip_gen: v7x
topology: tpu7x:2x2x1
jax: 0.10.2.dev20260603
libtpu: 0.0.44.dev20260713+nightly
codegen_flags: <defaults>
</compile_context>

<pallas_src>
import functools

import jax
import jax.numpy as jnp
from jax import lax
from jax.experimental import pallas as pl
from jax.experimental.pallas import tpu as pltpu
from jax.experimental.pallas import tpu_sc as plsc

HIDDEN = 1024
B = 4 * 4096
NC = 2
NS = 16
NW = NC * NS
RPW = B // NW
CH = 64
PPC = CH // 2
NCHUNK = RPW // CH
L = 16
NT = HIDDEN // L

_mesh = plsc.VectorSubcoreMesh(core_axis_name="c", subcore_axis_name="s")


@functools.partial(
    pl.kernel,
    out_type=jax.ShapeDtypeStruct((B, HIDDEN), jnp.float16),
    mesh=_mesh,
    compiler_params=pltpu.CompilerParams(use_tc_tiling_on_sc=True),
    scratch_types=[
        pltpu.VMEM((RPW, L), jnp.float16),
        pltpu.VMEM((2, HIDDEN), jnp.float16),
        pltpu.VMEM((2, HIDDEN), jnp.float16),
        pltpu.VMEM((CH, HIDDEN), jnp.float16),
        pltpu.VMEM((CH, HIDDEN), jnp.float16),
        pltpu.SemaphoreType.DMA,
        pltpu.SemaphoreType.DMA,
    ],
)
def _lookup(m_hbm, t0_hbm, t1_hbm, out_hbm, m_v, t0_v, t1_v, buf0, buf1,
            s0, s1):
    wid = lax.axis_index("s") * NC + lax.axis_index("c")
    rbase = wid * RPW
    pltpu.sync_copy(m_hbm.at[pl.ds(rbase, RPW)], m_v)
    pltpu.sync_copy(t0_hbm, t0_v)
    pltpu.sync_copy(t1_hbm, t1_v)

    bufs = (buf0, buf1)
    ssems = (s0, s1)

    def build(buf, c0):
        def pair(jp, carry):
            r = 2 * (c0 * PPC + jp)
            pred = m_v[pl.ds(r, 2), :] != jnp.zeros((2, L), jnp.float16)
            for t in range(NT):
                sl = pl.ds(t * L, L)
                buf[pl.ds(2 * jp, 2), sl] = jnp.where(
                    pred, t1_v[:, sl], t0_v[:, sl])
            return carry
        lax.fori_loop(0, PPC, pair, 0)

    def wait_out(b):
        pltpu.make_async_copy(
            bufs[b], out_hbm.at[pl.ds(0, CH)], ssems[b]).wait()

    for b in range(2):
        def body(cp, carry, b=b):
            c0 = 2 * cp + b

            @pl.when(cp >= 1)
            def _():
                wait_out(b)

            build(bufs[b], c0)
            pltpu.async_copy(
                bufs[b], out_hbm.at[pl.ds(rbase + c0 * CH, CH)], ssems[b])
            return carry

        lax.fori_loop(0, NCHUNK // 2, body, 0)
    wait_out(0)
    wait_out(1)


def kernel(token_type_ids, token_type_table):
    ids = jnp.reshape(token_type_ids, (B,)).astype(jnp.int32)
    m = jnp.broadcast_to(ids.astype(jnp.float16)[:, None], (B, L))
    t0 = jnp.broadcast_to(token_type_table[0], (2, HIDDEN))
    t1 = jnp.broadcast_to(token_type_table[1], (2, HIDDEN))
    return _lookup(m, t0, t1)

# --- scband reference (transcript-rebuilt; emitter-appended) ---
"""Pipeline reference for scband-token-type-encoding-91027536872038 (READ-ONLY COPY).

The authoritative reference and input builder live on the scoring server;
editing this copy changes nothing except your own understanding.
"""

import jax, jax.numpy as jnp
import numpy as np

TYPE_VOCAB_SIZE = 2
HIDDEN_SIZE = 1024
BATCH = 4
SEQ_LEN = 4096

def setup_inputs(seed: int = 0) -> dict:
    key = jax.random.key(seed)
    k1, k2 = jax.random.split(key)
    token_type_ids = jax.random.randint(k1, (BATCH, SEQ_LEN), 0, TYPE_VOCAB_SIZE, dtype=jnp.int64 if jax.config.jax_enable_x64 else jnp.int32)
    # truncated-normal-ish init, stddev=0.02, stored in float16 as in the original module
    token_type_table = (jax.random.truncated_normal(k2, -2.0, 2.0, (TYPE_VOCAB_SIZE, HIDDEN_SIZE), dtype=jnp.float32) * 0.02).astype(jnp.float16)
    return {"token_type_ids": token_type_ids, "token_type_table": token_type_table}

def reference(token_type_ids, token_type_table):
    flat_token_type_ids = jnp.reshape(token_type_ids, (-1,))
    one_hot_ids = jax.nn.one_hot(flat_token_type_ids, TYPE_VOCAB_SIZE, dtype=jnp.float16)
    token_type_embeddings = jnp.matmul(one_hot_ids, token_type_table)
    return token_type_embeddings

if __name__ == "__main__":
    import jax
    _d = setup_inputs()
    print(jax.jit(kernel)(*tuple(_d.values())))

</pallas_src>

<mosaic_0001>
#map = affine_map<(d0, d1) -> (0, 0)>
module attributes {stable_mosaic.version = 14 : i64} {
  func.func @_lookup(%arg0: i32, %arg1: i32, %arg2: memref<16384x16xf16, #tpu.memory_space<hbm>>, %arg3: memref<2x1024xf16, #tpu.memory_space<hbm>>, %arg4: memref<2x1024xf16, #tpu.memory_space<hbm>>, %arg5: memref<16384x1024xf16, #tpu.memory_space<hbm>>, %arg6: memref<512x16xf16, #tpu.memory_space<vmem>>, %arg7: memref<2x1024xf16, #tpu.memory_space<vmem>>, %arg8: memref<2x1024xf16, #tpu.memory_space<vmem>>, %arg9: memref<64x1024xf16, #tpu.memory_space<vmem>>, %arg10: memref<64x1024xf16, #tpu.memory_space<vmem>>, %arg11: memref<!tpu.dma_semaphore, #tpu.memory_space<semaphore_mem>>, %arg12: memref<!tpu.dma_semaphore, #tpu.memory_space<semaphore_mem>>) attributes {dimension_semantics = [#tpu.dimension_semantics<core_parallel>, #tpu.dimension_semantics<subcore_parallel>], iteration_bounds = array<i64: 2, 16>, scalar_prefetch = 0 : i64, scratch_operands = 7 : i64, tpu.core_type = #tpu.core_type<sc_vector_subcore>, window_params = [{transform_indices = #map}, {transform_indices = #map}, {transform_indices = #map}, {transform_indices = #map}]} {
    %mul3A = arith.constant 2 : i32
    %mul3A_0 = arith.muli %arg1, %mul3A : i32
    %add3A = arith.addi %mul3A_0, %arg0 : i32
    %mul3A_1 = arith.constant 512 : i32
    %mul3A_2 = arith.muli %add3A, %mul3A_1 : i32
    "tpu.region"() ({
      %run_scoped3A = tpu.sem_alloc : memref<!tpu.dma_semaphore, #tpu.memory_space<semaphore_mem>>
      %dma_start3A = arith.constant 0 : i32
      %dma_start3A_25 = tpu.memref_slice %arg2[%mul3A_2, %dma_start3A] : memref<16384x16xf16, #tpu.memory_space<hbm>> -> memref<512x16xf16, #tpu.memory_space<hbm>>
      %dma_start3A_26 = arith.constant 0 : i32
      %dma_start3A_27 = tpu.memref_slice %arg2[%mul3A_2, %dma_start3A_26] : memref<16384x16xf16, #tpu.memory_space<hbm>> -> memref<512x16xf16, #tpu.memory_space<hbm>>
      tpu.enqueue_dma source(%dma_start3A_27 : memref<512x16xf16, #tpu.memory_space<hbm>>) target(%arg6 : memref<512x16xf16, #tpu.memory_space<vmem>>) target_semaphore(%run_scoped3A : memref<!tpu.dma_semaphore, #tpu.memory_space<semaphore_mem>>)
      %dma_wait3A_28 = arith.constant 0 : i32
      %dma_wait3A_29 = tpu.memref_slice %arg2[%mul3A_2, %dma_wait3A_28] : memref<16384x16xf16, #tpu.memory_space<hbm>> -> memref<512x16xf16, #tpu.memory_space<hbm>>
      %dma_wait3A_30 = arith.constant 0 : i32
      %dma_wait3A_31 = tpu.memref_slice %arg2[%mul3A_2, %dma_wait3A_30] : memref<16384x16xf16, #tpu.memory_space<hbm>> -> memref<512x16xf16, #tpu.memory_space<hbm>>
      tpu.wait_dma2 semaphore(%run_scoped3A : memref<!tpu.dma_semaphore, #tpu.memory_space<semaphore_mem>>) src(%dma_wait3A_31 : memref<512x16xf16, #tpu.memory_space<hbm>>) dst(%arg6 : memref<512x16xf16, #tpu.memory_space<vmem>>)
      tpu.yield
    }) : () -> ()
    "tpu.region"() ({
      %run_scoped3A = tpu.sem_alloc : memref<!tpu.dma_semaphore, #tpu.memory_space<semaphore_mem>>
      tpu.enqueue_dma source(%arg3 : memref<2x1024xf16, #tpu.memory_space<hbm>>) target(%arg7 : memref<2x1024xf16, #tpu.memory_space<vmem>>) target_semaphore(%run_scoped3A : memref<!tpu.dma_semaphore, #tpu.memory_space<semaphore_mem>>)
      tpu.wait_dma2 semaphore(%run_scoped3A : memref<!tpu.dma_semaphore, #tpu.memory_space<semaphore_mem>>) src(%arg3 : memref<2x1024xf16, #tpu.memory_space<hbm>>) dst(%arg7 : memref<2x1024xf16, #tpu.memory_space<vmem>>)
      tpu.yield
    }) : () -> ()
    "tpu.region"() ({
      %run_scoped3A = tpu.sem_alloc : memref<!tpu.dma_semaphore, #tpu.memory_space<semaphore_mem>>
      tpu.enqueue_dma source(%arg4 : memref<2x1024xf16, #tpu.memory_space<hbm>>) target(%arg8 : memref<2x1024xf16, #tpu.memory_space<vmem>>) target_semaphore(%run_scoped3A : memref<!tpu.dma_semaphore, #tpu.memory_space<semaphore_mem>>)
      tpu.wait_dma2 semaphore(%run_scoped3A : memref<!tpu.dma_semaphore, #tpu.memory_space<semaphore_mem>>) src(%arg4 : memref<2x1024xf16, #tpu.memory_space<hbm>>) dst(%arg8 : memref<2x1024xf16, #tpu.memory_space<vmem>>)
      tpu.yield
    }) : () -> ()
    %scan3A = arith.constant 0 : i32
    %scan3A_3 = arith.constant 0 : i32
    %scan3A_4 = arith.constant 4 : i32
    %scan3A_5 = arith.addi %scan3A_3, %scan3A_4 : i32
    %scan3A_6 = arith.constant 1 : i32
    scf.for %scan3A_25 = %scan3A_3 to %scan3A_5 step %scan3A_6  : i32 {
      %mul3A_26 = arith.constant 2 : i32
      %mul3A_27 = arith.muli %mul3A_26, %scan3A_25 : i32
      %add3A_28 = arith.constant 0 : i32
      %add3A_29 = arith.addi %mul3A_27, %add3A_28 : i32
      %ge3A = arith.constant 1 : i32
      %ge3A_30 = arith.cmpi sge, %scan3A_25, %ge3A : i32
      %convert_element_type3A = arith.extui %ge3A_30 : i1 to i32
      %cond3A = arith.constant 0 : i32
      %cond3A_31 = arith.cmpi ne, %convert_element_type3A, %cond3A : i32
      scf.if %cond3A_31 {
        %dma_wait3A_44 = arith.constant 0 : i32
        %dma_wait3A_45 = arith.constant 0 : i32
        %dma_wait3A_46 = tpu.memref_slice %arg5[%dma_wait3A_44, %dma_wait3A_45] : memref<16384x1024xf16, #tpu.memory_space<hbm>> -> memref<64x1024xf16, #tpu.memory_space<hbm>>
        %dma_wait3A_47 = arith.constant 0 : i32
        %dma_wait3A_48 = arith.constant 0 : i32
        %dma_wait3A_49 = tpu.memref_slice %arg5[%dma_wait3A_47, %dma_wait3A_48] : memref<16384x1024xf16, #tpu.memory_space<hbm>> -> memref<64x1024xf16, #tpu.memory_space<hbm>>
        tpu.wait_dma2 semaphore(%arg11 : memref<!tpu.dma_semaphore, #tpu.memory_space<semaphore_mem>>) src(%arg9 : memref<64x1024xf16, #tpu.memory_space<vmem>>) dst(%dma_wait3A_49 : memref<64x1024xf16, #tpu.memory_space<hbm>>)
      } else {
      }
      %scan3A_32 = arith.constant 0 : i32
      %scan3A_33 = arith.constant 0 : i32
      %scan3A_34 = arith.constant 32 : i32
      %scan3A_35 = arith.addi %scan3A_33, %scan3A_34 : i32
      %scan3A_36 = arith.constant 1 : i32
      scf.for %scan3A_44 = %scan3A_33 to %scan3A_35 step %scan3A_36  : i32 {
        %mul3A_45 = arith.constant 32 : i32
        %mul3A_46 = arith.muli %add3A_29, %mul3A_45 : i32
        %add3A_47 = arith.addi %mul3A_46, %scan3A_44 : i32
        %mul3A_48 = arith.constant 2 : i32
        %mul3A_49 = arith.muli %mul3A_48, %add3A_47 : i32
        %get3A = arith.index_cast %mul3A_49 : i32 to index
        %get3A_50 = arith.constant 0 : index
        %get3A_51 = tpu.vector_load %arg6[%get3A, %get3A_50] {strides = array<i32>} : memref<512x16xf16, #tpu.memory_space<vmem>>, vector<2x16xf16>,
        %get3A_52 = vector.shape_cast %get3A_51 : vector<2x16xf16> to vector<2x16xf16>
        %broadcast_in_dim3A = arith.constant 0.000000e+00 : f16
        %broadcast_in_dim3A_53 = vector.broadcast %broadcast_in_dim3A : f16 to vector<2x16xf16>
        %ne3A = arith.cmpf one, %get3A_52, %broadcast_in_dim3A_53 : vector<2x16xf16>
        %get3A_54 = arith.constant 0 : index
        %get3A_55 = arith.constant 0 : index
        %get3A_56 = tpu.vector_load %arg8[%get3A_54, %get3A_55] {strides = array<i32>} : memref<2x1024xf16, #tpu.memory_space<vmem>>, vector<2x16xf16>,
        %get3A_57 = vector.shape_cast %get3A_56 : vector<2x16xf16> to vector<2x16xf16>
        %get3A_58 = arith.constant 0 : index
        %get3A_59 = arith.constant 0 : index
        %get3A_60 = tpu.vector_load %arg7[%get3A_58, %get3A_59] {strides = array<i32>} : memref<2x1024xf16, #tpu.memory_space<vmem>>, vector<2x16xf16>,
        %get3A_61 = vector.shape_cast %get3A_60 : vector<2x16xf16> to vector<2x16xf16>
        %select_n3A = arith.select %ne3A, %get3A_57, %get3A_61 : vector<2x16xi1>, vector<2x16xf16>
        %mul3A_62 = arith.constant 2 : i32
        %mul3A_63 = arith.muli %mul3A_62, %scan3A_44 : i32
        %swap3A = arith.index_cast %mul3A_63 : i32 to index
        %swap3A_64 = arith.constant 0 : index
        %swap3A_65 = tpu.vector_load %arg9[%swap3A, %swap3A_64] {strides = array<i32>} : memref<64x1024xf16, #tpu.memory_space<vmem>>, vector<2x16xf16>,
        %swap3A_66 = vector.shape_cast %swap3A_65 : vector<2x16xf16> to vector<2x16xf16>
        %swap3A_67 = vector.shape_cast %select_n3A : vector<2x16xf16> to vector<2x16xf16>
        tpu.vector_store %arg9[%swap3A, %swap3A_64], %swap3A_67 {strides = array<i32>} : memref<64x1024xf16, #tpu.memory_space<vmem>>, vector<2x16xf16>,
        %get3A_68 = arith.constant 0 : index
        %get3A_69 = arith.constant 16 : index
        %get3A_70 = tpu.vector_load %arg8[%get3A_68, %get3A_69] {strides = array<i32>} : memref<2x1024xf16, #tpu.memory_space<vmem>>, vector<2x16xf16>,
        %get3A_71 = vector.shape_cast %get3A_70 : vector<2x16xf16> to vector<2x16xf16>
        %get3A_72 = arith.constant 0 : index
        %get3A_73 = arith.constant 16 : index
        %get3A_74 = tpu.vector_load %arg7[%get3A_72, %get3A_73] {strides = array<i32>} : memref<2x1024xf16, #tpu.memory_space<vmem>>, vector<2x16xf16>,
        %get3A_75 = vector.shape_cast %get3A_74 : vector<2x16xf16> to vector<2x16xf16>
        %select_n3A_76 = arith.select %ne3A, %get3A_71, %get3A_75 : vector<2x16xi1>, vector<2x16xf16>
        %mul3A_77 = arith.constant 2 : i32
        %mul3A_78 = arith.muli %mul3A_77, %scan3A_44 : i32
        %swap3A_79 = arith.index_cast %mul3A_78 : i32 to index
        %swap3A_80 = arith.constant 16 : index
        %swap3A_81 = tpu.vector_load %arg9[%swap3A_79, %swap3A_80] {strides = array<i32>} : memref<64x1024xf16, #tpu.memory_space<vmem>>, vector<2x16xf16>,
        %swap3A_82 = vector.shape_cast %swap3A_81 : vector<2x16xf16> to vector<2x16xf16>
        %swap3A_83 = vector.shape_cast %select_n3A_76 : vector<2x16xf16> to vector<2x16xf16>
        tpu.vector_store %arg9[%swap3A_79, %swap3A_80], %swap3A_83 {strides = array<i32>} : memref<64x1024xf16, #tpu.memory_space<vmem>>, vector<2x16xf16>,
        %get3A_84 = arith.constant 0 : index
        %get3A_85 = arith.constant 32 : index
        %get3A_86 = tpu.vector_load %arg8[%get3A_84, %get3A_85] {strides = array<i32>} : memref<2x1024xf16, #tpu.memory_space<vmem>>, vector<2x16xf16>,
        %get3A_87 = vector.shape_cast %get3A_86 : vector<2x16xf16> to vector<2x16xf16>
        %get3A_88 = arith.constant 0 : index
        %get3A_89 = arith.constant 32 : index
        %get3A_90 = tpu.vector_load %arg7[%get3A_88, %get3A_89] {strides = array<i32>} : memref<2x1024xf16, #tpu.memory_space<vmem>>, vector<2x16xf16>,
        %get3A_91 = vector.shape_cast %get3A_90 : vector<2x16xf16> to vector<2x16xf16>
        %select_n3A_92 = arith.select %ne3A, %get3A_87, %get3A_91 : vector<2x16xi1>, vector<2x16xf16>
        %mul3A_93 = arith.constant 2 : i32
        %mul3A_94 = arith.muli %mul3A_93, %scan3A_44 : i32
        %swap3A_95 = arith.index_cast %mul3A_94 : i32 to index
        %swap3A_96 = arith.constant 32 : index
        %swap3A_97 = tpu.vector_load %arg9[%swap3A_95, %swap3A_96] {strides = array<i32>} : memref<64x1024xf16, #tpu.memory_space<vmem>>, vector<2x16xf16>,
        %swap3A_98 = vector.shape_cast %swap3A_97 : vector<2x16xf16> to vector<2x16xf16>
        %swap3A_99 = vector.shape_cast %select_n3A_92 : vector<2x16xf16> to vector<2x16xf16>
        tpu.vector_store %arg9[%swap3A_95, %swap3A_96], %swap3A_99 {strides = array<i32>} : memref<64x1024xf16, #tpu.memory_space<vmem>>, vector<2x16xf16>,
        %get3A_100 = arith.constant 0 : index
        %get3A_101 = arith.constant 48 : index
        %get3A_102 = tpu.vector_load %arg8[%get3A_100, %get3A_101] {strides = array<i32>} : memref<2x1024xf16, #tpu.memory_space<vmem>>, vector<2x16xf16>,
        %get3A_103 = vector.shape_cast %get3A_102 : vector<2x16xf16> to vector<2x16xf16>
        %get3A_104 = arith.constant 0 : index
        %get3A_105 = arith.constant 48 : index
        %get3A_106 = tpu.vector_load %arg7[%get3A_104, %get3A_105] {strides = array<i32>} : memref<2x1024xf16, #tpu.memory_space<vmem>>, vector<2x16xf16>,
        %get3A_107 = vector.shape_cast %get3A_106 : vector<2x16xf16> to vector<2x16xf16>
        %select_n3A_108 = arith.select %ne3A, %get3A_103, %get3A_107 : vector<2x16xi1>, vector<2x16xf16>
        %mul3A_109 = arith.constant 2 : i32
        %mul3A_110 = arith.muli %mul3A_109, %scan3A_44 : i32
        %swap3A_111 = arith.index_cast %mul3A_110 : i32 to index
        %swap3A_112 = arith.constant 48 : index
        %swap3A_113 = tpu.vector_load %arg9[%swap3A_111, %swap3A_112] {strides = array<i32>} : memref<64x1024xf16, #tpu.memory_space<vmem>>, vector<2x16xf16>,
        %swap3A_114 = vector.shape_cast %swap3A_113 : vector<2x16xf16> to vector<2x16xf16>
        %swap3A_115 = vector.shape_cast %select_n3A_108 : vector<2x16xf16> to vector<2x16xf16>
        tpu.vector_store %arg9[%swap3A_111, %swap3A_112], %swap3A_115 {strides = array<i32>} : memref<64x1024xf16, #tpu.memory_space<vmem>>, vector<2x16xf16>,
        %get3A_116 = arith.constant 0 : index
        %get3A_117 = arith.constant 64 : index
        %get3A_118 = tpu.vector_load %arg8[%get3A_116, %get3A_117] {strides = array<i32>} : memref<2x1024xf16, #tpu.memory_space<vmem>>, vector<2x16xf16>,
        %get3A_119 = vector.shape_cast %get3A_118 : vector<2x16xf16> to vector<2x16xf16>
        %get3A_120 = arith.constant 0 : index
        %get3A_121 = arith.constant 64 : index
        %get3A_122 = tpu.vector_load %arg7[%get3A_120, %get3A_121] {strides = array<i32>} : memref<2x1024xf16, #tpu.memory_space<vmem>>, vector<2x16xf16>,
        %get3A_123 = vector.shape_cast %get3A_122 : vector<2x16xf16> to vector<2x16xf16>
        %select_n3A_124 = arith.select %ne3A, %get3A_119, %get3A_123 : vector<2x16xi1>, vector<2x16xf16>
        %mul3A_125 = arith.constant 2 : i32
        %mul3A_126 = arith.muli %mul3A_125, %scan3A_44 : i32
        %swap3A_127 = arith.index_cast %mul3A_126 : i32 to index
        %swap3A_128 = arith.constant 64 : index
        %swap3A_129 = tpu.vector_load %arg9[%swap3A_127, %swap3A_128] {strides = array<i32>} : memref<64x1024xf16, #tpu.memory_space<vmem>>, vector<2x16xf16>,
        %swap3A_130 = vector.shape_cast %swap3A_129 : vector<2x16xf16> to vector<2x16xf16>
        %swap3A_131 = vector.shape_cast %select_n3A_124 : vector<2x16xf16> to vector<2x16xf16>
        tpu.vector_store %arg9[%swap3A_127, %swap3A_128], %swap3A_131 {strides = array<i32>} : memref<64x1024xf16, #tpu.memory_space<vmem>>, vector<2x16xf16>,
        %get3A_132 = arith.constant 0 : index
        %get3A_133 = arith.constant 80 : index
        %get3A_134 = tpu.vector_load %arg8[%get3A_132, %get3A_133] {strides = array<i32>} : memref<2x1024xf16, #tpu.memory_space<vmem>>, vector<2x16xf16>,
        %get3A_135 = vector.shape_cast %get3A_134 : vector<2x16xf16> to vector<2x16xf16>
        %get3A_136 = arith.constant 0 : index
        %get3A_137 = arith.constant 80 : index
        %get3A_138 = tpu.vector_load %arg7[%get3A_136, %get3A_137] {strides = array<i32>} : memref<2x1024xf16, #tpu.memory_space<vmem>>, vector<2x16xf16>,
        %get3A_139 = vector.shape_cast %get3A_138 : vector<2x16xf16> to vector<2x16xf16>
        %select_n3A_140 = arith.select %ne3A, %get3A_135, %get3A_139 : vector<2x16xi1>, vector<2x16xf16>
        %mul3A_141 = arith.constant 2 : i32
        %mul3A_142 = arith.muli %mul3A_141, %scan3A_44 : i32
        %swap3A_143 = arith.index_cast %mul3A_142 : i32 to index
        %swap3A_144 = arith.constant 80 : index
        %swap3A_145 = tpu.vector_load %arg9[%swap3A_143, %swap3A_144] {strides = array<i32>} : memref<64x1024xf16, #tpu.memory_space<vmem>>, vector<2x16xf16>,
        %swap3A_146 = vector.shape_cast %swap3A_145 : vector<2x16xf16> to vector<2x16xf16>
        %swap3A_147 = vector.shape_cast %select_n3A_140 : vector<2x16xf16> to vector<2x16xf16>
        tpu.vector_store %arg9[%swap3A_143, %swap3A_144], %swap3A_147 {strides = array<i32>} : memref<64x1024xf16, #tpu.memory_space<vmem>>, vector<2x16xf16>,
        %get3A_148 = arith.constant 0 : index
        %get3A_149 = arith.constant 96 : index
        %get3A_150 = tpu.vector_load %arg8[%get3A_148, %get3A_149] {strides = array<i32>} : memref<2x1024xf16, #tpu.memory_space<vmem>>, vector<2x16xf16>,
        %get3A_151 = vector.shape_cast %get3A_150 : vector<2x16xf16> to vector<2x16xf16>
        %get3A_152 = arith.constant 0 : index
        %get3A_153 = arith.constant 96 : index
        %get3A_154 = tpu.vector_load %arg7[%get3A_152, %get3A_153] {strides = array<i32>} : memref<2x1024xf16, #tpu.memory_space<vmem>>, vector<2x16xf16>,
        %get3A_155 = vector.shape_cast %get3A_154 : vector<2x16xf16> to vector<2x16xf16>
        %select_n3A_156 = arith.select %ne3A, %get3A_151, %get3A_155 : vector<2x16xi1>, vector<2x16xf16>
        %mul3A_157 = arith.constant 2 : i32
        %mul3A_158 = arith.muli %mul3A_157, %scan3A_44 : i32
        %swap3A_159 = arith.index_cast %mul3A_158 : i32 to index
        %swap3A_160 = arith.constant 96 : index
        %swap3A_161 = tpu.vector_load %arg9[%swap3A_159, %swap3A_160] {strides = array<i32>} : memref<64x1024xf16, #tpu.memory_space<vmem>>, vector<2x16xf16>,
        %swap3A_162 = vector.shape_cast %swap3A_161 : vector<2x16xf16> to vector<2x16xf16>
        %swap3A_163 = vector.shape_cast %select_n3A_156 : vector<2x16xf16> to vector<2x16xf16>
        tpu.vector_store %arg9[%swap3A_159, %swap3A_160], %swap3A_163 {strides = array<i32>} : memref<64x1024xf16, #tpu.memory_space<vmem>>, vector<2x16xf16>,
        %get3A_164 = arith.constant 0 : index
        %get3A_165 = arith.constant 112 : index
        %get3A_166 = tpu.vector_load %arg8[%get3A_164, %get3A_165] {strides = array<i32>} : memref<2x1024xf16, #tpu.memory_space<vmem>>, vector<2x16xf16>,
        %get3A_167 = vector.shape_cast %get3A_166 : vector<2x16xf16> to vector<2x16xf16>
        %get3A_168 = arith.constant 0 : index
        %get3A_169 = arith.constant 112 : index
        %get3A_170 = tpu.vector_load %arg7[%get3A_168, %get3A_169] {strides = array<i32>} : memref<2x1024xf16, #tpu.memory_space<vmem>>, vector<2x16xf16>,
        %get3A_171 = vector.shape_cast %get3A_170 : vector<2x16xf16> to vector<2x16xf16>
        %select_n3A_172 = arith.select %ne3A, %get3A_167, %get3A_171 : vector<2x16xi1>, vector<2x16xf16>
        %mul3A_173 = arith.constant 2 : i32
        %mul3A_174 = arith.muli %mul3A_173, %scan3A_44 : i32
        %swap3A_175 = arith.index_cast %mul3A_174 : i32 to index
        %swap3A_176 = arith.constant 112 : index
        %swap3A_177 = tpu.vector_load %arg9[%swap3A_175, %swap3A_176] {strides = array<i32>} : memref<64x1024xf16, #tpu.memory_space<vmem>>, vector<2x16xf16>,
        %swap3A_178 = vector.shape_cast %swap3A_177 : vector<2x16xf16> to vector<2x16xf16>
        %swap3A_179 = vector.shape_cast %select_n3A_172 : vector<2x16xf16> to vector<2x16xf16>
        tpu.vector_store %arg9[%swap3A_175, %swap3A_176], %swap3A_179 {strides = array<i32>} : memref<64x1024xf16, #tpu.memory_space<vmem>>, vector<2x16xf16>,
        %get3A_180 = arith.constant 0 : index
        %get3A_181 = arith.constant 128 : index
        %get3A_182 = tpu.vector_load %arg8[%get3A_180, %get3A_181] {strides = array<i32>} : memref<2x1024xf16, #tpu.memory_space<vmem>>, vector<2x16xf16>,
        %get3A_183 = vector.shape_cast %get3A_182 : vector<2x16xf16> to vector<2x16xf16>
        %get3A_184 = arith.constant 0 : index
        %get3A_185 = arith.constant 128 : index
        %get3A_186 = tpu.vector_load %arg7[%get3A_184, %get3A_185] {strides = array<i32>} : memref<2x1024xf16, #tpu.memory_space<vmem>>, vector<2x16xf16>,
        %get3A_187 = vector.shape_cast %get3A_186 : vector<2x16xf16> to vector<2x16xf16>
        %select_n3A_188 = arith.select %ne3A, %get3A_183, %get3A_187 : vector<2x16xi1>, vector<2x16xf16>
        %mul3A_189 = arith.constant 2 : i32
        %mul3A_190 = arith.muli %mul3A_189, %scan3A_44 : i32
        %swap3A_191 = arith.index_cast %mul3A_190 : i32 to index
        %swap3A_192 = arith.constant 128 : index
        %swap3A_193 = tpu.vector_load %arg9[%swap3A_191, %swap3A_192] {strides = array<i32>} : memref<64x1024xf16, #tpu.memory_space<vmem>>, vector<2x16xf16>,
        %swap3A_194 = vector.shape_cast %swap3A_193 : vector<2x16xf16> to vector<2x16xf16>
        %swap3A_195 = vector.shape_cast %select_n3A_188 : vector<2x16xf16> to vector<2x16xf16>
        tpu.vector_store %arg9[%swap3A_191, %swap3A_192], %swap3A_195 {strides = array<i32>} : memref<64x1024xf16, #tpu.memory_space<vmem>>, vector<2x16xf16>,
        %get3A_196 = arith.constant 0 : index
        %get3A_197 = arith.constant 144 : index
        %get3A_198 = tpu.vector_load %arg8[%get3A_196, %get3A_197] {strides = array<i32>} : memref<2x1024xf16, #tpu.memory_space<vmem>>, vector<2x16xf16>,
        %get3A_199 = vector.shape_cast %get3A_198 : vector<2x16xf16> to vector<2x16xf16>
        %get3A_200 = arith.constant 0 : index
        %get3A_201 = arith.constant 144 : index
        %get3A_202 = tpu.vector_load %arg7[%get3A_200, %get3A_201] {strides = array<i32>} : memref<2x1024xf16, #tpu.memory_space<vmem>>, vector<2x16xf16>,
        %get3A_203 = vector.shape_cast %get3A_202 : vector<2x16xf16> to vector<2x16xf16>
        %select_n3A_204 = arith.select %ne3A, %get3A_199, %get3A_203 : vector<2x16xi1>, vector<2x16xf16>
        %mul3A_205 = arith.constant 2 : i32
        %mul3A_206 = arith.muli %mul3A_205, %scan3A_44 : i32
        %swap3A_207 = arith.index_cast %mul3A_206 : i32 to index
        %swap3A_208 = arith.constant 144 : index
        %swap3A_209 = tpu.vector_load %arg9[%swap3A_207, %swap3A_208] {strides = array<i32>} : memref<64x1024xf16, #tpu.memory_space<vmem>>, vector<2x16xf16>,
        %swap3A_210 = vector.shape_cast %swap3A_209 : vector<2x16xf16> to vector<2x16xf16>
        %swap3A_211 = vector.shape_cast %select_n3A_204 : vector<2x16xf16> to vector<2x16xf16>
        tpu.vector_store %arg9[%swap3A_207, %swap3A_208], %swap3A_211 {strides = array<i32>} : memref<64x1024xf16, #tpu.memory_space<vmem>>, vector<2x16xf16>,
        %get3A_212 = arith.constant 0 : index
        %get3A_213 = arith.constant 160 : index
        %get3A_214 = tpu.vector_load %arg8[%get3A_212, %get3A_213] {strides = array<i32>} : memref<2x1024xf16, #tpu.memory_space<vmem>>, vector<2x16xf16>,
        %get3A_215 = vector.shape_cast %get3A_214 : vector<2x16xf16> to vector<2x16xf16>
        %get3A_216 = arith.constant 0 : index
        %get3A_217 = arith.constant 160 : index
        %get3A_218 = tpu.vector_load %arg7[%get3A_216, %get3A_217] {strides = array<i32>} : memref<2x1024xf16, #tpu.memory_space<vmem>>, vector<2x16xf16>,
        %get3A_219 = vector.shape_cast %get3A_218 : vector<2x16xf16> to vector<2x16xf16>
        %select_n3A_220 = arith.select %ne3A, %get3A_215, %get3A_219 : vector<2x16xi1>, vector<2x16xf16>
        %mul3A_221 = arith.constant 2 : i32
        %mul3A_222 = arith.muli %mul3A_221, %scan3A_44 : i32
        %swap3A_223 = arith.index_cast %mul3A_222 : i32 to index
        %swap3A_224 = arith.constant 160 : index
        %swap3A_225 = tpu.vector_load %arg9[%swap3A_223, %swap3A_224] {strides = array<i32>} : memref<64x1024xf16, #tpu.memory_space<vmem>>, vector<2x16xf16>,
        %swap3A_226 = vector.shape_cast %swap3A_225 : vector<2x16xf16> to vector<2x16xf16>
        %swap3A_227 = vector.shape_cast %select_n3A_220 : vector<2x16xf16> to vector<2x16xf16>
        tpu.vector_store %arg9[%swap3A_223, %swap3A_224], %swap3A_227 {strides = array<i32>} : memref<64x1024xf16, #tpu.memory_space<vmem>>, vector<2x16xf16>,
        %get3A_228 = arith.constant 0 : index
        %get3A_229 = arith.constant 176 : index
        %get3A_230 = tpu.vector_load %arg8[%get3A_228, %get3A_229] {strides = array<i32>} : memref<2x1024xf16, #tpu.memory_space<vmem>>, vector<2x16xf16>,
        %get3A_231 = vector.shape_cast %get3A_230 : vector<2x16xf16> to vector<2x16xf16>
        %get3A_232 = arith.constant 0 : index
        %get3A_233 = arith.constant 176 : index
        %get3A_234 = tpu.vector_load %arg7[%get3A_232, %get3A_233] {strides = array<i32>} : memref<2x1024xf16, #tpu.memory_space<vmem>>, vector<2x16xf16>,
        %get3A_235 = vector.shape_cast %get3A_234 : vector<2x16xf16> to vector<2x16xf16>
        %select_n3A_236 = arith.select %ne3A, %get3A_231, %get3A_235 : vector<2x16xi1>, vector<2x16xf16>
        %mul3A_237 = arith.constant 2 : i32
        %mul3A_238 = arith.muli %mul3A_237, %scan3A_44 : i32
        %swap3A_239 = arith.index_cast %mul3A_238 : i32 to index
        %swap3A_240 = arith.constant 176 : index
        %swap3A_241 = tpu.vector_load %arg9[%swap3A_239, %swap3A_240] {strides = array<i32>} : memref<64x1024xf16, #tpu.memory_space<vmem>>, vector<2x16xf16>,
        %swap3A_242 = vector.shape_cast %swap3A_241 : vector<2x16xf16> to vector<2x16xf16>
        %swap3A_243 = vector.shape_cast %select_n3A_236 : vector<2x16xf16> to vector<2x16xf16>
        tpu.vector_store %arg9[%swap3A_239, %swap3A_240], %swap3A_243 {strides = array<i32>} : memref<64x1024xf16, #tpu.memory_space<vmem>>, vector<2x16xf16>,
        %get3A_244 = arith.constant 0 : index
        %get3A_245 = arith.constant 192 : index
        %get3A_246 = tpu.vector_load %arg8[%get3A_244, %get3A_245] {strides = array<i32>} : memref<2x1024xf16, #tpu.memory_space<vmem>>, vector<2x16xf16>,
        %get3A_247 = vector.shape_cast %get3A_246 : vector<2x16xf16> to vector<2x16xf16>
        %get3A_248 = arith.constant 0 : index
        %get3A_249 = arith.constant 192 : index
        %get3A_250 = tpu.vector_load %arg7[%get3A_248, %get3A_249] {strides = array<i32>} : memref<2x1024xf16, #tpu.memory_space<vmem>>, vector<2x16xf16>,
        %get3A_251 = vector.shape_cast %get3A_250 : vector<2x16xf16> to vector<2x16xf16>
        %select_n3A_252 = arith.select %ne3A, %get3A_247, %get3A_251 : vector<2x16xi1>, vector<2x16xf16>
        %mul3A_253 = arith.constant 2 : i32
        %mul3A_254 = arith.muli %mul3A_253, %scan3A_44 : i32
        %swap3A_255 = arith.index_cast %mul3A_254 : i32 to index
        %swap3A_256 = arith.constant 192 : index
        %swap3A_257 = tpu.vector_load %arg9[%swap3A_255, %swap3A_256] {strides = array<i32>} : memref<64x1024xf16, #tpu.memory_space<vmem>>, vector<2x16xf16>,
        %swap3A_258 = vector.shape_cast %swap3A_257 : vector<2x16xf16> to vector<2x16xf16>
        %swap3A_259 = vector.shape_cast %select_n3A_252 : vector<2x16xf16> to vector<2x16xf16>
        tpu.vector_store %arg9[%swap3A_255, %swap3A_256], %swap3A_259 {strides = array<i32>} : memref<64x1024xf16, #tpu.memory_space<vmem>>, vector<2x16xf16>,
        %get3A_260 = arith.constant 0 : index
        %get3A_261 = arith.constant 208 : index
        %get3A_262 = tpu.vector_load %arg8[%get3A_260, %get3A_261] {strides = array<i32>} : memref<2x1024xf16, #tpu.memory_space<vmem>>, vector<2x16xf16>,
        %get3A_263 = vector.shape_cast %get3A_262 : vector<2x16xf16> to vector<2x16xf16>
        %get3A_264 = arith.constant 0 : index
        %get3A_265 = arith.constant 208 : index
        %get3A_266 = tpu.vector_load %arg7[%get3A_264, %get3A_265] {strides = array<i32>} : memref<2x1024xf16, #tpu.memory_space<vmem>>, vector<2x16xf16>,
        %get3A_267 = vector.shape_cast %get3A_266 : vector<2x16xf16> to vector<2x16xf16>
        %select_n3A_268 = arith.select %ne3A, %get3A_263, %get3A_267 : vector<2x16xi1>, vector<2x16xf16>
        %mul3A_269 = arith.constant 2 : i32
        %mul3A_270 = arith.muli %mul3A_269, %scan3A_44 : i32
        %swap3A_271 = arith.index_cast %mul3A_270 : i32 to index
        %swap3A_272 = arith.constant 208 : index
        %swap3A_273 = tpu.vector_load %arg9[%swap3A_271, %swap3A_272] {strides = array<i32>} : memref<64x1024xf16, #tpu.memory_space<vmem>>, vector<2x16xf16>,
        %swap3A_274 = vector.shape_cast %swap3A_273 : vector<2x16xf16> to vector<2x16xf16>
        %swap3A_275 = vector.shape_cast %select_n3A_268 : vector<2x16xf16> to vector<2x16xf16>
        tpu.vector_store %arg9[%swap3A_271, %swap3A_272], %swap3A_275 {strides = array<i32>} : memref<64x1024xf16, #tpu.memory_space<vmem>>, vector<2x16xf16>,
        %get3A_276 = arith.constant 0 : index
        %get3A_277 = arith.constant 224 : index
        %get3A_278 = tpu.vector_load %arg8[%get3A_276, %get3A_277] {strides = array<i32>} : memref<2x1024xf16, #tpu.memory_space<vmem>>, vector<2x16xf16>,
        %get3A_279 = vector.shape_cast %get3A_278 : vector<2x16xf16> to vector<2x16xf16>
        %get3A_280 = arith.constant 0 : index
        %get3A_281 = arith.constant 224 : index
        %get3A_282 = tpu.vector_load %arg7[%get3A_280, %get3A_281] {strides = array<i32>} : memref<2x1024xf16, #tpu.memory_space<vmem>>, vector<2x16xf16>,
        %get3A_283 = vector.shape_cast %get3A_282 : vector<2x16xf16> to vector<2x16xf16>
        %select_n3A_284 = arith.select %ne3A, %get3A_279, %get3A_283 : vector<2x16xi1>, vector<2x16xf16>
        %mul3A_285 = arith.constant 2 : i32
        %mul3A_286 = arith.muli %mul3A_285, %scan3A_44 : i32
        %swap3A_287 = arith.index_cast %mul3A_286 : i32 to index
        %swap3A_288 = arith.constant 224 : index
        %swap3A_289 = tpu.vector_load %arg9[%swap3A_287, %swap3A_288] {strides = array<i32>} : memref<64x1024xf16, #tpu.memory_space<vmem>>, vector<2x16xf16>,
        %swap3A_290 = vector.shape_cast %swap3A_289 : vector<2x16xf16> to vector<2x16xf16>
        %swap3A_291 = vector.shape_cast %select_n3A_284 : vector<2x16xf16> to vector<2x16xf16>
        tpu.vector_store %arg9[%swap3A_287, %swap3A_288], %swap3A_291 {strides = array<i32>} : memref<64x1024xf16, #tpu.memory_space<vmem>>, vector<2x16xf16>,
        %get3A_292 = arith.constant 0 : index
        %get3A_293 = arith.constant 240 : index
        %get3A_294 = tpu.vector_load %arg8[%get3A_292, %get3A_293] {strides = array<i32>} : memref<2x1024xf16, #tpu.memory_space<vmem>>, vector<2x16xf16>,
        %get3A_295 = vector.shape_cast %get3A_294 : vector<2x16xf16> to vector<2x16xf16>
        %get3A_296 = arith.constant 0 : index
        %get3A_297 = arith.constant 240 : index
        %get3A_298 = tpu.vector_load %arg7[%get3A_296, %get3A_297] {strides = array<i32>} : memref<2x1024xf16, #tpu.memory_space<vmem>>, vector<2x16xf16>,
        %get3A_299 = vector.shape_cast %get3A_298 : vector<2x16xf16> to vector<2x16xf16>
        %select_n3A_300 = arith.select %ne3A, %get3A_295, %get3A_299 : vector<2x16xi1>, vector<2x16xf16>
        %mul3A_301 = arith.constant 2 : i32
        %mul3A_302 = arith.muli %mul3A_301, %scan3A_44 : i32
        %swap3A_303 = arith.index_cast %mul3A_302 : i32 to index
        %swap3A_304 = arith.constant 240 : index
        %swap3A_305 = tpu.vector_load %arg9[%swap3A_303, %swap3A_304] {strides = array<i32>} : memref<64x1024xf16, #tpu.memory_space<vmem>>, vector<2x16xf16>,
        %swap3A_306 = vector.shape_cast %swap3A_305 : vector<2x16xf16> to vector<2x16xf16>
        %swap3A_307 = vector.shape_cast %select_n3A_300 : vector<2x16xf16> to vector<2x16xf16>
        tpu.vector_store %arg9[%swap3A_303, %swap3A_304], %swap3A_307 {strides = array<i32>} : memref<64x1024xf16, #tpu.memory_space<vmem>>, vector<2x16xf16>,
        %get3A_308 = arith.constant 0 : index
        %get3A_309 = arith.constant 256 : index
        %get3A_310 = tpu.vector_load %arg8[%get3A_308, %get3A_309] {strides = array<i32>} : memref<2x1024xf16, #tpu.memory_space<vmem>>, vector<2x16xf16>,
        %get3A_311 = vector.shape_cast %get3A_310 : vector<2x16xf16> to vector<2x16xf16>
        %get3A_312 = arith.constant 0 : index
        %get3A_313 = arith.constant 256 : index
        %get3A_314 = tpu.vector_load %arg7[%get3A_312, %get3A_313] {strides = array<i32>} : memref<2x1024xf16, #tpu.memory_space<vmem>>, vector<2x16xf16>,
        %get3A_315 = vector.shape_cast %get3A_314 : vector<2x16xf16> to vector<2x16xf16>
        %select_n3A_316 = arith.select %ne3A, %get3A_311, %get3A_315 : vector<2x16xi1>, vector<2x16xf16>
        %mul3A_317 = arith.constant 2 : i32
        %mul3A_318 = arith.muli %mul3A_317, %scan3A_44 : i32
        %swap3A_319 = arith.index_cast %mul3A_318 : i32 to index
        %swap3A_320 = arith.constant 256 : index
        %swap3A_321 = tpu.vector_load %arg9[%swap3A_319, %swap3A_320] {strides = array<i32>} : memref<64x1024xf16, #tpu.memory_space<vmem>>, vector<2x16xf16>,
        %swap3A_322 = vector.shape_cast %swap3A_321 : vector<2x16xf16> to vector<2x16xf16>
        %swap3A_323 = vector.shape_cast %select_n3A_316 : vector<2x16xf16> to vector<2x16xf16>
        tpu.vector_store %arg9[%swap3A_319, %swap3A_320], %swap3A_323 {strides = array<i32>} : memref<64x1024xf16, #tpu.memory_space<vmem>>, vector<2x16xf16>,
        %get3A_324 = arith.constant 0 : index
        %get3A_325 = arith.constant 272 : index
        %get3A_326 = tpu.vector_load %arg8[%get3A_324, %get3A_325] {strides = array<i32>} : memref<2x1024xf16, #tpu.memory_space<vmem>>, vector<2x16xf16>,
        %get3A_327 = vector.shape_cast %get3A_326 : vector<2x16xf16> to vector<2x16xf16>
        %get3A_328 = arith.constant 0 : index
        %get3A_329 = arith.constant 272 : index
        %get3A_330 = tpu.vector_load %arg7[%get3A_328, %get3A_329] {strides = array<i32>} : memref<2x1024xf16, #tpu.memory_space<vmem>>, vector<2x16xf16>,
        %get3A_331 = vector.shape_cast %get3A_330 : vector<2x16xf16> to vector<2x16xf16>
        %select_n3A_332 = arith.select %ne3A, %get3A_327, %get3A_331 : vector<2x16xi1>, vector<2x16xf16>
        %mul3A_333 = arith.constant 2 : i32
        %mul3A_334 = arith.muli %mul3A_333, %scan3A_44 : i32
        %swap3A_335 = arith.index_cast %mul3A_334 : i32 to index
        %swap3A_336 = arith.constant 272 : index
        %swap3A_337 = tpu.vector_load %arg9[%swap3A_335, %swap3A_336] {strides = array<i32>} : memref<64x1024xf16, #tpu.memory_space<vmem>>, vector<2x16xf16>,
        %swap3A_338 = vector.shape_cast %swap3A_337 : vector<2x16xf16> to vector<2x16xf16>
        %swap3A_339 = vector.shape_cast %select_n3A_332 : vector<2x16xf16> to vector<2x16xf16>
        tpu.vector_store %arg9[%swap3A_335, %swap3A_336], %swap3A_339 {strides = array<i32>} : memref<64x1024xf16, #tpu.memory_space<vmem>>, vector<2x16xf16>,
        %get3A_340 = arith.constant 0 : index
        %get3A_341 = arith.constant 288 : index
        %get3A_342 = tpu.vector_load %arg8[%get3A_340, %get3A_341] {strides = array<i32>} : memref<2x1024xf16, #tpu.memory_space<vmem>>, vector<2x16xf16>,
        %get3A_343 = vector.shape_cast %get3A_342 : vector<2x16xf16> to vector<2x16xf16>
        %get3A_344 = arith.constant 0 : index
        %get3A_345 = arith.constant 288 : index
        %get3A_346 = tpu.vector_load %arg7[%get3A_344, %get3A_345] {strides = array<i32>} : memref<2x1024xf16, #tpu.memory_space<vmem>>, vector<2x16xf16>,
        %get3A_347 = vector.shape_cast %get3A_346 : vector<2x16xf16> to vector<2x16xf16>
        %select_n3A_348 = arith.select %ne3A, %get3A_343, %get3A_347 : vector<2x16xi1>, vector<2x16xf16>
        %mul3A_349 = arith.constant 2 : i32
        %mul3A_350 = arith.muli %mul3A_349, %scan3A_44 : i32
        %swap3A_351 = arith.index_cast %mul3A_350 : i32 to index
        %swap3A_352 = arith.constant 288 : index
        %swap3A_353 = tpu.vector_load %arg9[%swap3A_351, %swap3A_352] {strides = array<i32>} : memref<64x1024xf16, #tpu.memory_space<vmem>>, vector<2x16xf16>,
        %swap3A_354 = vector.shape_cast %swap3A_353 : vector<2x16xf16> to vector<2x16xf16>
        %swap3A_355 = vector.shape_cast %select_n3A_348 : vector<2x16xf16> to vector<2x16xf16>
        tpu.vector_store %arg9[%swap3A_351, %swap3A_352], %swap3A_355 {strides = array<i32>} : memref<64x1024xf16, #tpu.memory_space<vmem>>, vector<2x16xf16>,
        %get3A_356 = arith.constant 0 : index
        %get3A_357 = arith.constant 304 : index
        %get3A_358 = tpu.vector_load %arg8[%get3A_356, %get3A_357] {strides = array<i32>} : memref<2x1024xf16, #tpu.memory_space<vmem>>, vector<2x16xf16>,
        %get3A_359 = vector.shape_cast %get3A_358 : vector<2x16xf16> to vector<2x16xf16>
        %get3A_360 = arith.constant 0 : index
        %get3A_361 = arith.constant 304 : index
        %get3A_362 = tpu.vector_load %arg7[%get3A_360, %get3A_361] {strides = array<i32>} : memref<2x1024xf16, #tpu.memory_space<vmem>>, vector<2x16xf16>,
        %get3A_363 = vector.shape_cast %get3A_362 : vector<2x16xf16> to vector<2x16xf16>
        %select_n3A_364 = arith.select %ne3A, %get3A_359, %get3A_363 : vector<2x16xi1>, vector<2x16xf16>
        %mul3A_365 = arith.constant 2 : i32
        %mul3A_366 = arith.muli %mul3A_365, %scan3A_44 : i32
        %swap3A_367 = arith.index_cast %mul3A_366 : i32 to index
        %swap3A_368 = arith.constant 304 : index
        %swap3A_369 = tpu.vector_load %arg9[%swap3A_367, %swap3A_368] {strides = array<i32>} : memref<64x1024xf16, #tpu.memory_space<vmem>>, vector<2x16xf16>,
        %swap3A_370 = vector.shape_cast %swap3A_369 : vector<2x16xf16> to vector<2x16xf16>
        %swap3A_371 = vector.shape_cast %select_n3A_364 : vector<2x16xf16> to vector<2x16xf16>
        tpu.vector_store %arg9[%swap3A_367, %swap3A_368], %swap3A_371 {strides = array<i32>} : memref<64x1024xf16, #tpu.memory_space<vmem>>, vector<2x16xf16>,
        %get3A_372 = arith.constant 0 : index
        %get3A_373 = arith.constant 320 : index
        %get3A_374 = tpu.vector_load %arg8[%get3A_372, %get3A_373] {strides = array<i32>} : memref<2x1024xf16, #tpu.memory_space<vmem>>, vector<2x16xf16>,
        %get3A_375 = vector.shape_cast %get3A_374 : vector<2x16xf16> to vector<2x16xf16>
        %get3A_376 = arith.constant 0 : index
        %get3A_377 = arith.constant 320 : index
        %get3A_378 = tpu.vector_load %arg7[%get3A_376, %get3A_377] {strides = array<i32>} : memref<2x1024xf16, #tpu.memory_space<vmem>>, vector<2x16xf16>,
        %get3A_379 = vector.shape_cast %get3A_378 : vector<2x16xf16> to vector<2x16xf16>
        %select_n3A_380 = arith.select %ne3A, %get3A_375, %get3A_379 : vector<2x16xi1>, vector<2x16xf16>
        %mul3A_381 = arith.constant 2 : i32
        %mul3A_382 = arith.muli %mul3A_381, %scan3A_44 : i32
        %swap3A_383 = arith.index_cast %mul3A_382 : i32 to index
        %swap3A_384 = arith.constant 320 : index
        %swap3A_385 = tpu.vector_load %arg9[%swap3A_383, %swap3A_384] {strides = array<i32>} : memref<64x1024xf16, #tpu.memory_space<vmem>>, vector<2x16xf16>,
        %swap3A_386 = vector.shape_cast %swap3A_385 : vector<2x16xf16> to vector<2x16xf16>
        %swap3A_387 = vector.shape_cast %select_n3A_380 : vector<2x16xf16> to vector<2x16xf16>
        tpu.vector_store %arg9[%swap3A_383, %swap3A_384], %swap3A_387 {strides = array<i32>} : memref<64x1024xf16, #tpu.memory_space<vmem>>, vector<2x16xf16>,
        %get3A_388 = arith.constant 0 : index
        %get3A_389 = arith.constant 336 : index
        %get3A_390 = tpu.vector_load %arg8[%get3A_388, %get3A_389] {strides = array<i32>} : memref<2x1024xf16, #tpu.memory_space<vmem>>, vector<2x16xf16>,
        %get3A_391 = vector.shape_cast %get3A_390 : vector<2x16xf16> to vector<2x16xf16>
        %get3A_392 = arith.constant 0 : index
        %get3A_393 = arith.constant 336 : index
        %get3A_394 = tpu.vector_load %arg7[%get3A_392, %get3A_393] {strides = array<i32>} : memref<2x1024xf16, #tpu.memory_space<vmem>>, vector<2x16xf16>,
        %get3A_395 = vector.shape_cast %get3A_394 : vector<2x16xf16> to vector<2x16xf16>
        %select_n3A_396 = arith.select %ne3A, %get3A_391, %get3A_395 : vector<2x16xi1>, vector<2x16xf16>
        %mul3A_397 = arith.constant 2 : i32
        %mul3A_398 = arith.muli %mul3A_397, %scan3A_44 : i32
        %swap3A_399 = arith.index_cast %mul3A_398 : i32 to index
        %swap3A_400 = arith.constant 336 : index
        %swap3A_401 = tpu.vector_load %arg9[%swap3A_399, %swap3A_400] {strides = array<i32>} : memref<64x1024xf16, #tpu.memory_space<vmem>>, vector<2x16xf16>,
        %swap3A_402 = vector.shape_cast %swap3A_401 : vector<2x16xf16> to vector<2x16xf16>
        %swap3A_403 = vector.shape_cast %select_n3A_396 : vector<2x16xf16> to vector<2x16xf16>
        tpu.vector_store %arg9[%swap3A_399, %swap3A_400], %swap3A_403 {strides = array<i32>} : memref<64x1024xf16, #tpu.memory_space<vmem>>, vector<2x16xf16>,
        %get3A_404 = arith.constant 0 : index
        %get3A_405 = arith.constant 352 : index
        %get3A_406 = tpu.vector_load %arg8[%get3A_404, %get3A_405] {strides = array<i32>} : memref<2x1024xf16, #tpu.memory_space<vmem>>, vector<2x16xf16>,
        %get3A_407 = vector.shape_cast %get3A_406 : vector<2x16xf16> to vector<2x16xf16>
        %get3A_408 = arith.constant 0 : index
        %get3A_409 = arith.constant 352 : index
        %get3A_410 = tpu.vector_load %arg7[%get3A_408, %get3A_409] {strides = array<i32>} : memref<2x1024xf16, #tpu.memory_space<vmem>>, vector<2x16xf16>,
        %get3A_411 = vector.shape_cast %get3A_410 : vector<2x16xf16> to vector<2x16xf16>
        %select_n3A_412 = arith.select %ne3A, %get3A_407, %get3A_411 : vector<2x16xi1>, vector<2x16xf16>
        %mul3A_413 = arith.constant 2 : i32
        %mul3A_414 = arith.muli %mul3A_413, %scan3A_44 : i32
        %swap3A_415 = arith.index_cast %mul3A_414 : i32 to index
        %swap3A_416 = arith.constant 352 : index
        %swap3A_417 = tpu.vector_load %arg9[%swap3A_415, %swap3A_416] {strides = array<i32>} : memref<64x1024xf16, #tpu.memory_space<vmem>>, vector<2x16xf16>,
        %swap3A_418 = vector.shape_cast %swap3A_417 : vector<2x16xf16> to vector<2x16xf16>
        %swap3A_419 = vector.shape_cast %select_n3A_412 : vector<2x16xf16> to vector<2x16xf16>
        tpu.vector_store %arg9[%swap3A_415, %swap3A_416], %swap3A_419 {strides = array<i32>} : memref<64x1024xf16, #tpu.memory_space<vmem>>, vector<2x16xf16>,
        %get3A_420 = arith.constant 0 : index
        %get3A_421 = arith.constant 368 : index
        %get3A_422 = tpu.vector_load %arg8[%get3A_420, %get3A_421] {strides = array<i32>} : memref<2x1024xf16, #tpu.memory_space<vmem>>, vector<2x16xf16>,
        %get3A_423 = vector.shape_cast %get3A_422 : vector<2x16xf16> to vector<2x16xf16>
        %get3A_424 = arith.constant 0 : index
        %get3A_425 = arith.constant 368 : index
        %get3A_426 = tpu.vector_load %arg7[%get3A_424, %get3A_425] {strides = array<i32>} : memref<2x1024xf16, #tpu.memory_space<vmem>>, vector<2x16xf16>,
        %get3A_427 = vector.shape_cast %get3A_426 : vector<2x16xf16> to vector<2x16xf16>
        %select_n3A_428 = arith.select %ne3A, %get3A_423, %get3A_427 : vector<2x16xi1>, vector<2x16xf16>
        %mul3A_429 = arith.constant 2 : i32
        %mul3A_430 = arith.muli %mul3A_429, %scan3A_44 : i32
        %swap3A_431 = arith.index_cast %mul3A_430 : i32 to index
        %swap3A_432 = arith.constant 368 : index
        %swap3A_433 = tpu.vector_load %arg9[%swap3A_431, %swap3A_432] {strides = array<i32>} : memref<64x1024xf16, #tpu.memory_space<vmem>>, vector<2x16xf16>,
        %swap3A_434 = vector.shape_cast %swap3A_433 : vector<2x16xf16> to vector<2x16xf16>
        %swap3A_435 = vector.shape_cast %select_n3A_428 : vector<2x16xf16> to vector<2x16xf16>
        tpu.vector_store %arg9[%swap3A_431, %swap3A_432], %swap3A_435 {strides = array<i32>} : memref<64x1024xf16, #tpu.memory_space<vmem>>, vector<2x16xf16>,
        %get3A_436 = arith.constant 0 : index
        %get3A_437 = arith.constant 384 : index
        %get3A_438 = tpu.vector_load %arg8[%get3A_436, %get3A_437] {strides = array<i32>} : memref<2x1024xf16, #tpu.memory_space<vmem>>, vector<2x16xf16>,
        %get3A_439 = vector.shape_cast %get3A_438 : vector<2x16xf16> to vector<2x16xf16>
        %get3A_440 = arith.constant 0 : index
        %get3A_441 = arith.constant 384 : index
        %get3A_442 = tpu.vector_load %arg7[%get3A_440, %get3A_441] {strides = array<i32>} : memref<2x1024xf16, #tpu.memory_space<vmem>>, vector<2x16xf16>,
        %get3A_443 = vector.shape_cast %get3A_442 : vector<2x16xf16> to vector<2x16xf16>
        %select_n3A_444 = arith.select %ne3A, %get3A_439, %get3A_443 : vector<2x16xi1>, vector<2x16xf16>
        %mul3A_445 = arith.constant 2 : i32
        %mul3A_446 = arith.muli %mul3A_445, %scan3A_44 : i32
        %swap3A_447 = arith.index_cast %mul3A_446 : i32 to index
        %swap3A_448 = arith.constant 384 : index
        %swap3A_449 = tpu.vector_load %arg9[%swap3A_447, %swap3A_448] {strides = array<i32>} : memref<64x1024xf16, #tpu.memory_space<vmem>>, vector<2x16xf16>,
        %swap3A_450 = vector.shape_cast %swap3A_449 : vector<2x16xf16> to vector<2x16xf16>
        %swap3A_451 = vector.shape_cast %select_n3A_444 : vector<2x16xf16> to vector<2x16xf16>
        tpu.vector_store %arg9[%swap3A_447, %swap3A_448], %swap3A_451 {strides = array<i32>} : memref<64x1024xf16, #tpu.memory_space<vmem>>, vector<2x16xf16>,
        %get3A_452 = arith.constant 0 : index
        %get3A_453 = arith.constant 400 : index
        %get3A_454 = tpu.vector_load %arg8[%get3A_452, %get3A_453] {strides = array<i32>} : memref<2x1024xf16, #tpu.memory_space<vmem>>, vector<2x16xf16>,
        %get3A_455 = vector.shape_cast %get3A_454 : vector<2x16xf16> to vector<2x16xf16>
        %get3A_456 = arith.constant 0 : index
        %get3A_457 = arith.constant 400 : index
        %get3A_458 = tpu.vector_load %arg7[%get3A_456, %get3A_457] {strides = array<i32>} : memref<2x1024xf16, #tpu.memory_space<vmem>>, vector<2x16xf16>,
        %get3A_459 = vector.shape_cast %get3A_458 : vector<2x16xf16> to vector<2x16xf16>
        %select_n3A_460 = arith.select %ne3A, %get3A_455, %get3A_459 : vector<2x16xi1>, vector<2x16xf16>
        %mul3A_461 = arith.constant 2 : i32
        %mul3A_462 = arith.muli %mul3A_461, %scan3A_44 : i32
        %swap3A_463 = arith.index_cast %mul3A_462 : i32 to index
        %swap3A_464 = arith.constant 400 : index
        %swap3A_465 = tpu.vector_load %arg9[%swap3A_463, %swap3A_464] {strides = array<i32>} : memref<64x1024xf16, #tpu.memory_space<vmem>>, vector<2x16xf16>,
        %swap3A_466 = vector.shape_cast %swap3A_465 : vector<2x16xf16> to vector<2x16xf16>
        %swap3A_467 = vector.shape_cast %select_n3A_460 : vector<2x16xf16> to vector<2x16xf16>
        tpu.vector_store %arg9[%swap3A_463, %swap3A_464], %swap3A_467 {strides = array<i32>} : memref<64x1024xf16, #tpu.memory_space<vmem>>, vector<2x16xf16>,
        %get3A_468 = arith.constant 0 : index
        %get3A_469 = arith.constant 416 : index
        %get3A_470 = tpu.vector_load %arg8[%get3A_468, %get3A_469] {strides = array<i32>} : memref<2x1024xf16, #tpu.memory_space<vmem>>, vector<2x16xf16>,
        %get3A_471 = vector.shape_cast %get3A_470 : vector<2x16xf16> to vector<2x16xf16>
        %get3A_472 = arith.constant 0 : index
        %get3A_473 = arith.constant 416 : index
        %get3A_474 = tpu.vector_load %arg7[%get3A_472, %get3A_473] {strides = array<i32>} : memref<2x1024xf16, #tpu.memory_space<vmem>>, vector<2x16xf16>,
        %get3A_475 = vector.shape_cast %get3A_474 : vector<2x16xf16> to vector<2x16xf16>
        %select_n3A_476 = arith.select %ne3A, %get3A_471, %get3A_475 : vector<2x16xi1>, vector<2x16xf16>
        %mul3A_477 = arith.constant 2 : i32
        %mul3A_478 = arith.muli %mul3A_477, %scan3A_44 : i32
        %swap3A_479 = arith.index_cast %mul3A_478 : i32 to index
        %swap3A_480 = arith.constant 416 : index
        %swap3A_481 = tpu.vector_load %arg9[%swap3A_479, %swap3A_480] {strides = array<i32>} : memref<64x1024xf16, #tpu.memory_space<vmem>>, vector<2x16xf16>,
        %swap3A_482 = vector.shape_cast %swap3A_481 : vector<2x16xf16> to vector<2x16xf16>
        %swap3A_483 = vector.shape_cast %select_n3A_476 : vector<2x16xf16> to vector<2x16xf16>
        tpu.vector_store %arg9[%swap3A_479, %swap3A_480], %swap3A_483 {strides = array<i32>} : memref<64x1024xf16, #tpu.memory_space<vmem>>, vector<2x16xf16>,
        %get3A_484 = arith.constant 0 : index
        %get3A_485 = arith.constant 432 : index
        %get3A_486 = tpu.vector_load %arg8[%get3A_484, %get3A_485] {strides = array<i32>} : memref<2x1024xf16, #tpu.memory_space<vmem>>, vector<2x16xf16>,
        %get3A_487 = vector.shape_cast %get3A_486 : vector<2x16xf16> to vector<2x16xf16>
        %get3A_488 = arith.constant 0 : index
        %get3A_489 = arith.constant 432 : index
        %get3A_490 = tpu.vector_load %arg7[%get3A_488, %get3A_489] {strides = array<i32>} : memref<2x1024xf16, #tpu.memory_space<vmem>>, vector<2x16xf16>,
        %get3A_491 = vector.shape_cast %get3A_490 : vector<2x16xf16> to vector<2x16xf16>
        %select_n3A_492 = arith.select %ne3A, %get3A_487, %get3A_491 : vector<2x16xi1>, vector<2x16xf16>
        %mul3A_493 = arith.constant 2 : i32
        %mul3A_494 = arith.muli %mul3A_493, %scan3A_44 : i32
        %swap3A_495 = arith.index_cast %mul3A_494 : i32 to index
        %swap3A_496 = arith.constant 432 : index
        %swap3A_497 = tpu.vector_load %arg9[%swap3A_495, %swap3A_496] {strides = array<i32>} : memref<64x1024xf16, #tpu.memory_space<vmem>>, vector<2x16xf16>,
        %swap3A_498 = vector.shape_cast %swap3A_497 : vector<2x16xf16> to vector<2x16xf16>
        %swap3A_499 = vector.shape_cast %select_n3A_492 : vector<2x16xf16> to vector<2x16xf16>
        tpu.vector_store %arg9[%swap3A_495, %swap3A_496], %swap3A_499 {strides = array<i32>} : memref<64x1024xf16, #tpu.memory_space<vmem>>, vector<2x16xf16>,
        %get3A_500 = arith.constant 0 : index
        %get3A_501 = arith.constant 448 : index
        %get3A_502 = tpu.vector_load %arg8[%get3A_500, %get3A_501] {strides = array<i32>} : memref<2x1024xf16, #tpu.memory_space<vmem>>, vector<2x16xf16>,
        %get3A_503 = vector.shape_cast %get3A_502 : vector<2x16xf16> to vector<2x16xf16>
        %get3A_504 = arith.constant 0 : index
        %get3A_505 = arith.constant 448 : index
        %get3A_506 = tpu.vector_load %arg7[%get3A_504, %get3A_505] {strides = array<i32>} : memref<2x1024xf16, #tpu.memory_space<vmem>>, vector<2x16xf16>,
        %get3A_507 = vector.shape_cast %get3A_506 : vector<2x16xf16> to vector<2x16xf16>
        %select_n3A_508 = arith.select %ne3A, %get3A_503, %get3A_507 : vector<2x16xi1>, vector<2x16xf16>
        %mul3A_509 = arith.constant 2 : i32
        %mul3A_510 = arith.muli %mul3A_509, %scan3A_44 : i32
        %swap3A_511 = arith.index_cast %mul3A_510 : i32 to index
        %swap3A_512 = arith.constant 448 : index
        %swap3A_513 = tpu.vector_load %arg9[%swap3A_511, %swap3A_512] {strides = array<i32>} : memref<64x1024xf16, #tpu.memory_space<vmem>>, vector<2x16xf16>,
        %swap3A_514 = vector.shape_cast %swap3A_513 : vector<2x16xf16> to vector<2x16xf16>
        %swap3A_515 = vector.shape_cast %select_n3A_508 : vector<2x16xf16> to vector<2x16xf16>
        tpu.vector_store %arg9[%swap3A_511, %swap3A_512], %swap3A_515 {strides = array<i32>} : memref<64x1024xf16, #tpu.memory_space<vmem>>, vector<2x16xf16>,
        %get3A_516 = arith.constant 0 : index
        %get3A_517 = arith.constant 464 : index
        %get3A_518 = tpu.vector_load %arg8[%get3A_516, %get3A_517] {strides = array<i32>} : memref<2x1024xf16, #tpu.memory_space<vmem>>, vector<2x16xf16>,
        %get3A_519 = vector.shape_cast %get3A_518 : vector<2x16xf16> to vector<2x16xf16>
        %get3A_520 = arith.constant 0 : index
        %get3A_521 = arith.constant 464 : index
        %get3A_522 = tpu.vector_load %arg7[%get3A_520, %get3A_521] {strides = array<i32>} : memref<2x1024xf16, #tpu.memory_space<vmem>>, vector<2x16xf16>,
        %get3A_523 = vector.shape_cast %get3A_522 : vector<2x16xf16> to vector<2x16xf16>
        %select_n3A_524 = arith.select %ne3A, %get3A_519, %get3A_523 : vector<2x16xi1>, vector<2x16xf16>
        %mul3A_525 = arith.constant 2 : i32
        %mul3A_526 = arith.muli %mul3A_525, %scan3A_44 : i32
        %swap3A_527 = arith.index_cast %mul3A_526 : i32 to index
        %swap3A_528 = arith.constant 464 : index
        %swap3A_529 = tpu.vector_load %arg9[%swap3A_527, %swap3A_528] {strides = array<i32>} : memref<64x1024xf16, #tpu.memory_space<vmem>>, vector<2x16xf16>,
        %swap3A_530 = vector.shape_cast %swap3A_529 : vector<2x16xf16> to vector<2x16xf16>
        %swap3A_531 = vector.shape_cast %select_n3A_524 : vector<2x16xf16> to vector<2x16xf16>
        tpu.vector_store %arg9[%swap3A_527, %swap3A_528], %swap3A_531 {strides = array<i32>} : memref<64x1024xf16, #tpu.memory_space<vmem>>, vector<2x16xf16>,
        %get3A_532 = arith.constant 0 : index
        %get3A_533 = arith.constant 480 : index
        %get3A_534 = tpu.vector_load %arg8[%get3A_532, %get3A_533] {strides = array<i32>} : memref<2x1024xf16, #tpu.memory_space<vmem>>, vector<2x16xf16>,
        %get3A_535 = vector.shape_cast %get3A_534 : vector<2x16xf16> to vector<2x16xf16>
        %get3A_536 = arith.constant 0 : index
        %get3A_537 = arith.constant 480 : index
        %get3A_538 = tpu.vector_load %arg7[%get3A_536, %get3A_537] {strides = array<i32>} : memref<2x1024xf16, #tpu.memory_space<vmem>>, vector<2x16xf16>,
        %get3A_539 = vector.shape_cast %get3A_538 : vector<2x16xf16> to vector<2x16xf16>
        %select_n3A_540 = arith.select %ne3A, %get3A_535, %get3A_539 : vector<2x16xi1>, vector<2x16xf16>
        %mul3A_541 = arith.constant 2 : i32
        %mul3A_542 = arith.muli %mul3A_541, %scan3A_44 : i32
        %swap3A_543 = arith.index_cast %mul3A_542 : i32 to index
        %swap3A_544 = arith.constant 480 : index
        %swap3A_545 = tpu.vector_load %arg9[%swap3A_543, %swap3A_544] {strides = array<i32>} : memref<64x1024xf16, #tpu.memory_space<vmem>>, vector<2x16xf16>,
        %swap3A_546 = vector.shape_cast %swap3A_545 : vector<2x16xf16> to vector<2x16xf16>
        %swap3A_547 = vector.shape_cast %select_n3A_540 : vector<2x16xf16> to vector<2x16xf16>
        tpu.vector_store %arg9[%swap3A_543, %swap3A_544], %swap3A_547 {strides = array<i32>} : memref<64x1024xf16, #tpu.memory_space<vmem>>, vector<2x16xf16>,
        %get3A_548 = arith.constant 0 : index
        %get3A_549 = arith.constant 496 : index
        %get3A_550 = tpu.vector_load %arg8[%get3A_548, %get3A_549] {strides = array<i32>} : memref<2x1024xf16, #tpu.memory_space<vmem>>, vector<2x16xf16>,
        %get3A_551 = vector.shape_cast %get3A_550 : vector<2x16xf16> to vector<2x16xf16>
        %get3A_552 = arith.constant 0 : index
        %get3A_553 = arith.constant 496 : index
        %get3A_554 = tpu.vector_load %arg7[%get3A_552, %get3A_553] {strides = array<i32>} : memref<2x1024xf16, #tpu.memory_space<vmem>>, vector<2x16xf16>,
        %get3A_555 = vector.shape_cast %get3A_554 : vector<2x16xf16> to vector<2x16xf16>
        %select_n3A_556 = arith.select %ne3A, %get3A_551, %get3A_555 : vector<2x16xi1>, vector<2x16xf16>
        %mul3A_557 = arith.constant 2 : i32
        %mul3A_558 = arith.muli %mul3A_557, %scan3A_44 : i32
        %swap3A_559 = arith.index_cast %mul3A_558 : i32 to index
        %swap3A_560 = arith.constant 496 : index
        %swap3A_561 = tpu.vector_load %arg9[%swap3A_559, %swap3A_560] {strides = array<i32>} : memref<64x1024xf16, #tpu.memory_space<vmem>>, vector<2x16xf16>,
        %swap3A_562 = vector.shape_cast %swap3A_561 : vector<2x16xf16> to vector<2x16xf16>
        %swap3A_563 = vector.shape_cast %select_n3A_556 : vector<2x16xf16> to vector<2x16xf16>
        tpu.vector_store %arg9[%swap3A_559, %swap3A_560], %swap3A_563 {strides = array<i32>} : memref<64x1024xf16, #tpu.memory_space<vmem>>, vector<2x16xf16>,
        %get3A_564 = arith.constant 0 : index
        %get3A_565 = arith.constant 512 : index
        %get3A_566 = tpu.vector_load %arg8[%get3A_564, %get3A_565] {strides = array<i32>} : memref<2x1024xf16, #tpu.memory_space<vmem>>, vector<2x16xf16>,
        %get3A_567 = vector.shape_cast %get3A_566 : vector<2x16xf16> to vector<2x16xf16>
        %get3A_568 = arith.constant 0 : index
        %get3A_569 = arith.constant 512 : index
        %get3A_570 = tpu.vector_load %arg7[%get3A_568, %get3A_569] {strides = array<i32>} : memref<2x1024xf16, #tpu.memory_space<vmem>>, vector<2x16xf16>,
        %get3A_571 = vector.shape_cast %get3A_570 : vector<2x16xf16> to vector<2x16xf16>
        %select_n3A_572 = arith.select %ne3A, %get3A_567, %get3A_571 : vector<2x16xi1>, vector<2x16xf16>
        %mul3A_573 = arith.constant 2 : i32
        %mul3A_574 = arith.muli %mul3A_573, %scan3A_44 : i32
        %swap3A_575 = arith.index_cast %mul3A_574 : i32 to index
        %swap3A_576 = arith.constant 512 : index
        %swap3A_577 = tpu.vector_load %arg9[%swap3A_575, %swap3A_576] {strides = array<i32>} : memref<64x1024xf16, #tpu.memory_space<vmem>>, vector<2x16xf16>,
        %swap3A_578 = vector.shape_cast %swap3A_577 : vector<2x16xf16> to vector<2x16xf16>
        %swap3A_579 = vector.shape_cast %select_n3A_572 : vector<2x16xf16> to vector<2x16xf16>
        tpu.vector_store %arg9[%swap3A_575, %swap3A_576], %swap3A_579 {strides = array<i32>} : memref<64x1024xf16, #tpu.memory_space<vmem>>, vector<2x16xf16>,
        %get3A_580 = arith.constant 0 : index
        %get3A_581 = arith.constant 528 : index
        %get3A_582 = tpu.vector_load %arg8[%get3A_580, %get3A_581] {strides = array<i32>} : memref<2x1024xf16, #tpu.memory_space<vmem>>, vector<2x16xf16>,
        %get3A_583 = vector.shape_cast %get3A_582 : vector<2x16xf16> to vector<2x16xf16>
        %get3A_584 = arith.constant 0 : index
        %get3A_585 = arith.constant 528 : index
        %get3A_586 = tpu.vector_load %arg7[%get3A_584, %get3A_585] {strides = array<i32>} : memref<2x1024xf16, #tpu.memory_space<vmem>>, vector<2x16xf16>,
        %get3A_587 = vector.shape_cast %get3A_586 : vector<2x16xf16> to vector<2x16xf16>
        %select_n3A_588 = arith.select %ne3A, %get3A_583, %get3A_587 : vector<2x16xi1>, vector<2x16xf16>
        %mul3A_589 = arith.constant 2 : i32
        %mul3A_590 = arith.muli %mul3A_589, %scan3A_44 : i32
        %swap3A_591 = arith.index_cast %mul3A_590 : i32 to index
        %swap3A_592 = arith.constant 528 : index
        %swap3A_593 = tpu.vector_load %arg9[%swap3A_591, %swap3A_592] {strides = array<i32>} : memref<64x1024xf16, #tpu.memory_space<vmem>>, vector<2x16xf16>,
        %swap3A_594 = vector.shape_cast %swap3A_593 : vector<2x16xf16> to vector<2x16xf16>
        %swap3A_595 = vector.shape_cast %select_n3A_588 : vector<2x16xf16> to vector<2x16xf16>
        tpu.vector_store %arg9[%swap3A_591, %swap3A_592], %swap3A_595 {strides = array<i32>} : memref<64x1024xf16, #tpu.memory_space<vmem>>, vector<2x16xf16>,
        %get3A_596 = arith.constant 0 : index
        %get3A_597 = arith.constant 544 : index
        %get3A_598 = tpu.vector_load %arg8[%get3A_596, %get3A_597] {strides = array<i32>} : memref<2x1024xf16, #tpu.memory_space<vmem>>, vector<2x16xf16>,
        %get3A_599 = vector.shape_cast %get3A_598 : vector<2x16xf16> to vector<2x16xf16>
        %get3A_600 = arith.constant 0 : index
        %get3A_601 = arith.constant 544 : index
        %get3A_602 = tpu.vector_load %arg7[%get3A_600, %get3A_601] {strides = array<i32>} : memref<2x1024xf16, #tpu.memory_space<vmem>>, vector<2x16xf16>,
        %get3A_603 = vector.shape_cast %get3A_602 : vector<2x16xf16> to vector<2x16xf16>
        %select_n3A_604 = arith.select %ne3A, %get3A_599, %get3A_603 : vector<2x16xi1>, vector<2x16xf16>
        %mul3A_605 = arith.constant 2 : i32
        %mul3A_606 = arith.muli %mul3A_605, %scan3A_44 : i32
        %swap3A_607 = arith.index_cast %mul3A_606 : i32 to index
        %swap3A_608 = arith.constant 544 : index
        %swap3A_609 = tpu.vector_load %arg9[%swap3A_607, %swap3A_608] {strides = array<i32>} : memref<64x1024xf16, #tpu.memory_space<vmem>>, vector<2x16xf16>,
        %swap3A_610 = vector.shape_cast %swap3A_609 : vector<2x16xf16> to vector<2x16xf16>
        %swap3A_611 = vector.shape_cast %select_n3A_604 : vector<2x16xf16> to vector<2x16xf16>
        tpu.vector_store %arg9[%swap3A_607, %swap3A_608], %swap3A_611 {strides = array<i32>} : memref<64x1024xf16, #tpu.memory_space<vmem>>, vector<2x16xf16>,
        %get3A_612 = arith.constant 0 : index
        %get3A_613 = arith.constant 560 : index
        %get3A_614 = tpu.vector_load %arg8[%get3A_612, %get3A_613] {strides = array<i32>} : memref<2x1024xf16, #tpu.memory_space<vmem>>, vector<2x16xf16>,
        %get3A_615 = vector.shape_cast %get3A_614 : vector<2x16xf16> to vector<2x16xf16>
        %get3A_616 = arith.constant 0 : index
        %get3A_617 = arith.constant 560 : index
        %get3A_618 = tpu.vector_load %arg7[%get3A_616, %get3A_617] {strides = array<i32>} : memref<2x1024xf16, #tpu.memory_space<vmem>>, vector<2x16xf16>,
        %get3A_619 = vector.shape_cast %get3A_618 : vector<2x16xf16> to vector<2x16xf16>
        %select_n3A_620 = arith.select %ne3A, %get3A_615, %get3A_619 : vector<2x16xi1>, vector<2x16xf16>
        %mul3A_621 = arith.constant 2 : i32
        %mul3A_622 = arith.muli %mul3A_621, %scan3A_44 : i32
        %swap3A_623 = arith.index_cast %mul3A_622 : i32 to index
        %swap3A_624 = arith.constant 560 : index
        %swap3A_625 = tpu.vector_load %arg9[%swap3A_623, %swap3A_624] {strides = array<i32>} : memref<64x1024xf16, #tpu.memory_space<vmem>>, vector<2x16xf16>,
        %swap3A_626 = vector.shape_cast %swap3A_625 : vector<2x16xf16> to vector<2x16xf16>
        %swap3A_627 = vector.shape_cast %select_n3A_620 : vector<2x16xf16> to vector<2x16xf16>
        tpu.vector_store %arg9[%swap3A_623, %swap3A_624], %swap3A_627 {strides = array<i32>} : memref<64x1024xf16, #tpu.memory_space<vmem>>, vector<2x16xf16>,
        %get3A_628 = arith.constant 0 : index
        %get3A_629 = arith.constant 576 : index
        %get3A_630 = tpu.vector_load %arg8[%get3A_628, %get3A_629] {strides = array<i32>} : memref<2x1024xf16, #tpu.memory_space<vmem>>, vector<2x16xf16>,
        %get3A_631 = vector.shape_cast %get3A_630 : vector<2x16xf16> to vector<2x16xf16>
        %get3A_632 = arith.constant 0 : index
        %get3A_633 = arith.constant 576 : index
        %get3A_634 = tpu.vector_load %arg7[%get3A_632, %get3A_633] {strides = array<i32>} : memref<2x1024xf16, #tpu.memory_space<vmem>>, vector<2x16xf16>,
        %get3A_635 = vector.shape_cast %get3A_634 : vector<2x16xf16> to vector<2x16xf16>
        %select_n3A_636 = arith.select %ne3A, %get3A_631, %get3A_635 : vector<2x16xi1>, vector<2x16xf16>
        %mul3A_637 = arith.constant 2 : i32
        %mul3A_638 = arith.muli %mul3A_637, %scan3A_44 : i32
        %swap3A_639 = arith.index_cast %mul3A_638 : i32 to index
        %swap3A_640 = arith.constant 576 : index
        %swap3A_641 = tpu.vector_load %arg9[%swap3A_639, %swap3A_640] {strides = array<i32>} : memref<64x1024xf16, #tpu.memory_space<vmem>>, vector<2x16xf16>,
        %swap3A_642 = vector.shape_cast %swap3A_641 : vector<2x16xf16> to vector<2x16xf16>
        %swap3A_643 = vector.shape_cast %select_n3A_636 : vector<2x16xf16> to vector<2x16xf16>
        tpu.vector_store %arg9[%swap3A_639, %swap3A_640], %swap3A_643 {strides = array<i32>} : memref<64x1024xf16, #tpu.memory_space<vmem>>, vector<2x16xf16>,
        %get3A_644 = arith.constant 0 : index
        %get3A_645 = arith.constant 592 : index
        %get3A_646 = tpu.vector_load %arg8[%get3A_644, %get3A_645] {strides = array<i32>} : memref<2x1024xf16, #tpu.memory_space<vmem>>, vector<2x16xf16>,
        %get3A_647 = vector.shape_cast %get3A_646 : vector<2x16xf16> to vector<2x16xf16>
        %get3A_648 = arith.constant 0 : index
        %get3A_649 = arith.constant 592 : index
        %get3A_650 = tpu.vector_load %arg7[%get3A_648, %get3A_649] {strides = array<i32>} : memref<2x1024xf16, #tpu.memory_space<vmem>>, vector<2x16xf16>,
        %get3A_651 = vector.shape_cast %get3A_650 : vector<2x16xf16> to vector<2x16xf16>
        %select_n3A_652 = arith.select %ne3A, %get3A_647, %get3A_651 : vector<2x16xi1>, vector<2x16xf16>
        %mul3A_653 = arith.constant 2 : i32
        %mul3A_654 = arith.muli %mul3A_653, %scan3A_44 : i32
        %swap3A_655 = arith.index_cast %mul3A_654 : i32 to index
        %swap3A_656 = arith.constant 592 : index
        %swap3A_657 = tpu.vector_load %arg9[%swap3A_655, %swap3A_656] {strides = array<i32>} : memref<64x1024xf16, #tpu.memory_space<vmem>>, vector<2x16xf16>,
        %swap3A_658 = vector.shape_cast %swap3A_657 : vector<2x16xf16> to vector<2x16xf16>
        %swap3A_659 = vector.shape_cast %select_n3A_652 : vector<2x16xf16> to vector<2x16xf16>
        tpu.vector_store %arg9[%swap3A_655, %swap3A_656], %swap3A_659 {strides = array<i32>} : memref<64x1024xf16, #tpu.memory_space<vmem>>, vector<2x16xf16>,
        %get3A_660 = arith.constant 0 : index
        %get3A_661 = arith.constant 608 : index
        %get3A_662 = tpu.vector_load %arg8[%get3A_660, %get3A_661] {strides = array<i32>} : memref<2x1024xf16, #tpu.memory_space<vmem>>, vector<2x16xf16>,
        %get3A_663 = vector.shape_cast %get3A_662 : vector<2x16xf16> to vector<2x16xf16>
        %get3A_664 = arith.constant 0 : index
        %get3A_665 = arith.constant 608 : index
        %get3A_666 = tpu.vector_load %arg7[%get3A_664, %get3A_665] {strides = array<i32>} : memref<2x1024xf16, #tpu.memory_space<vmem>>, vector<2x16xf16>,
        %get3A_667 = vector.shape_cast %get3A_666 : vector<2x16xf16> to vector<2x16xf16>
        %select_n3A_668 = arith.select %ne3A, %get3A_663, %get3A_667 : vector<2x16xi1>, vector<2x16xf16>
        %mul3A_669 = arith.constant 2 : i32
        %mul3A_670 = arith.muli %mul3A_669, %scan3A_44 : i32
        %swap3A_671 = arith.index_cast %mul3A_670 : i32 to index
        %swap3A_672 = arith.constant 608 : index
        %swap3A_673 = tpu.vector_load %arg9[%swap3A_671, %swap3A_672] {strides = array<i32>} : memref<64x1024xf16, #tpu.memory_space<vmem>>, vector<2x16xf16>,
        %swap3A_674 = vector.shape_cast %swap3A_673 : vector<2x16xf16> to vector<2x16xf16>
        %swap3A_675 = vector.shape_cast %select_n3A_668 : vector<2x16xf16> to vector<2x16xf16>
        tpu.vector_store %arg9[%swap3A_671, %swap3A_672], %swap3A_675 {strides = array<i32>} : memref<64x1024xf16, #tpu.memory_space<vmem>>, vector<2x16xf16>,
        %get3A_676 = arith.constant 0 : index
        %get3A_677 = arith.constant 624 : index
        %get3A_678 = tpu.vector_load %arg8[%get3A_676, %get3A_677] {strides = array<i32>} : memref<2x1024xf16, #tpu.memory_space<vmem>>, vector<2x16xf16>,
        %get3A_679 = vector.shape_cast %get3A_678 : vector<2x16xf16> to vector<2x16xf16>
        %get3A_680 = arith.constant 0 : index
        %get3A_681 = arith.constant 624 : index
        %get3A_682 = tpu.vector_load %arg7[%get3A_680, %get3A_681] {strides = array<i32>} : memref<2x1024xf16, #tpu.memory_space<vmem>>, vector<2x16xf16>,
        %get3A_683 = vector.shape_cast %get3A_682 : vector<2x16xf16> to vector<2x16xf16>
        %select_n3A_684 = arith.select %ne3A, %get3A_679, %get3A_683 : vector<2x16xi1>, vector<2x16xf16>
        %mul3A_685 = arith.constant 2 : i32
        %mul3A_686 = arith.muli %mul3A_685, %scan3A_44 : i32
        %swap3A_687 = arith.index_cast %mul3A_686 : i32 to index
        %swap3A_688 = arith.constant 624 : index
        %swap3A_689 = tpu.vector_load %arg9[%swap3A_687, %swap3A_688] {strides = array<i32>} : memref<64x1024xf16, #tpu.memory_space<vmem>>, vector<2x16xf16>,
        %swap3A_690 = vector.shape_cast %swap3A_689 : vector<2x16xf16> to vector<2x16xf16>
        %swap3A_691 = vector.shape_cast %select_n3A_684 : vector<2x16xf16> to vector<2x16xf16>
        tpu.vector_store %arg9[%swap3A_687, %swap3A_688], %swap3A_691 {strides = array<i32>} : memref<64x1024xf16, #tpu.memory_space<vmem>>, vector<2x16xf16>,
        %get3A_692 = arith.constant 0 : index
        %get3A_693 = arith.constant 640 : index
        %get3A_694 = tpu.vector_load %arg8[%get3A_692, %get3A_693] {strides = array<i32>} : memref<2x1024xf16, #tpu.memory_space<vmem>>, vector<2x16xf16>,
        %get3A_695 = vector.shape_cast %get3A_694 : vector<2x16xf16> to vector<2x16xf16>
        %get3A_696 = arith.constant 0 : index
        %get3A_697 = arith.constant 640 : index
        %get3A_698 = tpu.vector_load %arg7[%get3A_696, %get3A_697] {strides = array<i32>} : memref<2x1024xf16, #tpu.memory_space<vmem>>, vector<2x16xf16>,
        %get3A_699 = vector.shape_cast %get3A_698 : vector<2x16xf16> to vector<2x16xf16>
        %select_n3A_700 = arith.select %ne3A, %get3A_695, %get3A_699 : vector<2x16xi1>, vector<2x16xf16>
        %mul3A_701 = arith.constant 2 : i32
        %mul3A_702 = arith.muli %mul3A_701, %scan3A_44 : i32
        %swap3A_703 = arith.index_cast %mul3A_702 : i32 to index
        %swap3A_704 = arith.constant 640 : index
        %swap3A_705 = tpu.vector_load %arg9[%swap3A_703, %swap3A_704] {strides = array<i32>} : memref<64x1024xf16, #tpu.memory_space<vmem>>, vector<2x16xf16>,
        %swap3A_706 = vector.shape_cast %swap3A_705 : vector<2x16xf16> to vector<2x16xf16>
        %swap3A_707 = vector.shape_cast %select_n3A_700 : vector<2x16xf16> to vector<2x16xf16>
        tpu.vector_store %arg9[%swap3A_703, %swap3A_704], %swap3A_707 {strides = array<i32>} : memref<64x1024xf16, #tpu.memory_space<vmem>>, vector<2x16xf16>,
        %get3A_708 = arith.constant 0 : index
        %get3A_709 = arith.constant 656 : index
        %get3A_710 = tpu.vector_load %arg8[%get3A_708, %get3A_709] {strides = array<i32>} : memref<2x1024xf16, #tpu.memory_space<vmem>>, vector<2x16xf16>,
        %get3A_711 = vector.shape_cast %get3A_710 : vector<2x16xf16> to vector<2x16xf16>
        %get3A_712 = arith.constant 0 : index
        %get3A_713 = arith.constant 656 : index
        %get3A_714 = tpu.vector_load %arg7[%get3A_712, %get3A_713] {strides = array<i32>} : memref<2x1024xf16, #tpu.memory_space<vmem>>, vector<2x16xf16>,
        %get3A_715 = vector.shape_cast %get3A_714 : vector<2x16xf16> to vector<2x16xf16>
        %select_n3A_716 = arith.select %ne3A, %get3A_711, %get3A_715 : vector<2x16xi1>, vector<2x16xf16>
        %mul3A_717 = arith.constant 2 : i32
        %mul3A_718 = arith.muli %mul3A_717, %scan3A_44 : i32
        %swap3A_719 = arith.index_cast %mul3A_718 : i32 to index
        %swap3A_720 = arith.constant 656 : index
        %swap3A_721 = tpu.vector_load %arg9[%swap3A_719, %swap3A_720] {strides = array<i32>} : memref<64x1024xf16, #tpu.memory_space<vmem>>, vector<2x16xf16>,
        %swap3A_722 = vector.shape_cast %swap3A_721 : vector<2x16xf16> to vector<2x16xf16>
        %swap3A_723 = vector.shape_cast %select_n3A_716 : vector<2x16xf16> to vector<2x16xf16>
        tpu.vector_store %arg9[%swap3A_719, %swap3A_720], %swap3A_723 {strides = array<i32>} : memref<64x1024xf16, #tpu.memory_space<vmem>>, vector<2x16xf16>,
        %get3A_724 = arith.constant 0 : index
        %get3A_725 = arith.constant 672 : index
        %get3A_726 = tpu.vector_load %arg8[%get3A_724, %get3A_725] {strides = array<i32>} : memref<2x1024xf16, #tpu.memory_space<vmem>>, vector<2x16xf16>,
        %get3A_727 = vector.shape_cast %get3A_726 : vector<2x16xf16> to vector<2x16xf16>
        %get3A_728 = arith.constant 0 : index
        %get3A_729 = arith.constant 672 : index
        %get3A_730 = tpu.vector_load %arg7[%get3A_728, %get3A_729] {strides = array<i32>} : memref<2x1024xf16, #tpu.memory_space<vmem>>, vector<2x16xf16>,
        %get3A_731 = vector.shape_cast %get3A_730 : vector<2x16xf16> to vector<2x16xf16>
        %select_n3A_732 = arith.select %ne3A, %get3A_727, %get3A_731 : vector<2x16xi1>, vector<2x16xf16>
        %mul3A_733 = arith.constant 2 : i32
        %mul3A_734 = arith.muli %mul3A_733, %scan3A_44 : i32
        %swap3A_735 = arith.index_cast %mul3A_734 : i32 to index
        %swap3A_736 = arith.constant 672 : index
        %swap3A_737 = tpu.vector_load %arg9[%swap3A_735, %swap3A_736] {strides = array<i32>} : memref<64x1024xf16, #tpu.memory_space<vmem>>, vector<2x16xf16>,
        %swap3A_738 = vector.shape_cast %swap3A_737 : vector<2x16xf16> to vector<2x16xf16>
        %swap3A_739 = vector.shape_cast %select_n3A_732 : vector<2x16xf16> to vector<2x16xf16>
        tpu.vector_store %arg9[%swap3A_735, %swap3A_736], %swap3A_739 {strides = array<i32>} : memref<64x1024xf16, #tpu.memory_space<vmem>>, vector<2x16xf16>,
        %get3A_740 = arith.constant 0 : index
        %get3A_741 = arith.constant 688 : index
        %get3A_742 = tpu.vector_load %arg8[%get3A_740, %get3A_741] {strides = array<i32>} : memref<2x1024xf16, #tpu.memory_space<vmem>>, vector<2x16xf16>,
        %get3A_743 = vector.shape_cast %get3A_742 : vector<2x16xf16> to vector<2x16xf16>
        %get3A_744 = arith.constant 0 : index
        %get3A_745 = arith.constant 688 : index
        %get3A_746 = tpu.vector_load %arg7[%get3A_744, %get3A_745] {strides = array<i32>} : memref<2x1024xf16, #tpu.memory_space<vmem>>, vector<2x16xf16>,
        %get3A_747 = vector.shape_cast %get3A_746 : vector<2x16xf16> to vector<2x16xf16>
        %select_n3A_748 = arith.select %ne3A, %get3A_743, %get3A_747 : vector<2x16xi1>, vector<2x16xf16>
        %mul3A_749 = arith.constant 2 : i32
        %mul3A_750 = arith.muli %mul3A_749, %scan3A_44 : i32
        %swap3A_751 = arith.index_cast %mul3A_750 : i32 to index
        %swap3A_752 = arith.constant 688 : index
        %swap3A_753 = tpu.vector_load %arg9[%swap3A_751, %swap3A_752] {strides = array<i32>} : memref<64x1024xf16, #tpu.memory_space<vmem>>, vector<2x16xf16>,
        %swap3A_754 = vector.shape_cast %swap3A_753 : vector<2x16xf16> to vector<2x16xf16>
        %swap3A_755 = vector.shape_cast %select_n3A_748 : vector<2x16xf16> to vector<2x16xf16>
        tpu.vector_store %arg9[%swap3A_751, %swap3A_752], %swap3A_755 {strides = array<i32>} : memref<64x1024xf16, #tpu.memory_space<vmem>>, vector<2x16xf16>,
        %get3A_756 = arith.constant 0 : index
        %get3A_757 = arith.constant 704 : index
        %get3A_758 = tpu.vector_load %arg8[%get3A_756, %get3A_757] {strides = array<i32>} : memref<2x1024xf16, #tpu.memory_space<vmem>>, vector<2x16xf16>,
        %get3A_759 = vector.shape_cast %get3A_758 : vector<2x16xf16> to vector<2x16xf16>
        %get3A_760 = arith.constant 0 : index
        %get3A_761 = arith.constant 704 : index
        %get3A_762 = tpu.vector_load %arg7[%get3A_760, %get3A_761] {strides = array<i32>} : memref<2x1024xf16, #tpu.memory_space<vmem>>, vector<2x16xf16>,
        %get3A_763 = vector.shape_cast %get3A_762 : vector<2x16xf16> to vector<2x16xf16>
        %select_n3A_764 = arith.select %ne3A, %get3A_759, %get3A_763 : vector<2x16xi1>, vector<2x16xf16>
        %mul3A_765 = arith.constant 2 : i32
        %mul3A_766 = arith.muli %mul3A_765, %scan3A_44 : i32
        %swap3A_767 = arith.index_cast %mul3A_766 : i32 to index
        %swap3A_768 = arith.constant 704 : index
        %swap3A_769 = tpu.vector_load %arg9[%swap3A_767, %swap3A_768] {strides = array<i32>} : memref<64x1024xf16, #tpu.memory_space<vmem>>, vector<2x16xf16>,
        %swap3A_770 = vector.shape_cast %swap3A_769 : vector<2x16xf16> to vector<2x16xf16>
        %swap3A_771 = vector.shape_cast %select_n3A_764 : vector<2x16xf16> to vector<2x16xf16>
        tpu.vector_store %arg9[%swap3A_767, %swap3A_768], %swap3A_771 {strides = array<i32>} : memref<64x1024xf16, #tpu.memory_space<vmem>>, vector<2x16xf16>,
        %get3A_772 = arith.constant 0 : index
        %get3A_773 = arith.constant 720 : index
        %get3A_774 = tpu.vector_load %arg8[%get3A_772, %get3A_773] {strides = array<i32>} : memref<2x1024xf16, #tpu.memory_space<vmem>>, vector<2x16xf16>,
        %get3A_775 = vector.shape_cast %get3A_774 : vector<2x16xf16> to vector<2x16xf16>
        %get3A_776 = arith.constant 0 : index
        %get3A_777 = arith.constant 720 : index
        %get3A_778 = tpu.vector_load %arg7[%get3A_776, %get3A_777] {strides = array<i32>} : memref<2x1024xf16, #tpu.memory_space<vmem>>, vector<2x16xf16>,
        %get3A_779 = vector.shape_cast %get3A_778 : vector<2x16xf16> to vector<2x16xf16>
        %select_n3A_780 = arith.select %ne3A, %get3A_775, %get3A_779 : vector<2x16xi1>, vector<2x16xf16>
        %mul3A_781 = arith.constant 2 : i32
        %mul3A_782 = arith.muli %mul3A_781, %scan3A_44 : i32
        %swap3A_783 = arith.index_cast %mul3A_782 : i32 to index
        %swap3A_784 = arith.constant 720 : index
        %swap3A_785 = tpu.vector_load %arg9[%swap3A_783, %swap3A_784] {strides = array<i32>} : memref<64x1024xf16, #tpu.memory_space<vmem>>, vector<2x16xf16>,
        %swap3A_786 = vector.shape_cast %swap3A_785 : vector<2x16xf16> to vector<2x16xf16>
        %swap3A_787 = vector.shape_cast %select_n3A_780 : vector<2x16xf16> to vector<2x16xf16>
        tpu.vector_store %arg9[%swap3A_783, %swap3A_784], %swap3A_787 {strides = array<i32>} : memref<64x1024xf16, #tpu.memory_space<vmem>>, vector<2x16xf16>,
        %get3A_788 = arith.constant 0 : index
        %get3A_789 = arith.constant 736 : index
        %get3A_790 = tpu.vector_load %arg8[%get3A_788, %get3A_789] {strides = array<i32>} : memref<2x1024xf16, #tpu.memory_space<vmem>>, vector<2x16xf16>,
        %get3A_791 = vector.shape_cast %get3A_790 : vector<2x16xf16> to vector<2x16xf16>
        %get3A_792 = arith.constant 0 : index
        %get3A_793 = arith.constant 736 : index
        %get3A_794 = tpu.vector_load %arg7[%get3A_792, %get3A_793] {strides = array<i32>} : memref<2x1024xf16, #tpu.memory_space<vmem>>, vector<2x16xf16>,
        %get3A_795 = vector.shape_cast %get3A_794 : vector<2x16xf16> to vector<2x16xf16>
        %select_n3A_796 = arith.select %ne3A, %get3A_791, %get3A_795 : vector<2x16xi1>, vector<2x16xf16>
        %mul3A_797 = arith.constant 2 : i32
        %mul3A_798 = arith.muli %mul3A_797, %scan3A_44 : i32
        %swap3A_799 = arith.index_cast %mul3A_798 : i32 to index
        %swap3A_800 = arith.constant 736 : index
        %swap3A_801 = tpu.vector_load %arg9[%swap3A_799, %swap3A_800] {strides = array<i32>} : memref<64x1024xf16, #tpu.memory_space<vmem>>, vector<2x16xf16>,
        %swap3A_802 = vector.shape_cast %swap3A_801 : vector<2x16xf16> to vector<2x16xf16>
        %swap3A_803 = vector.shape_cast %select_n3A_796 : vector<2x16xf16> to vector<2x16xf16>
        tpu.vector_store %arg9[%swap3A_799, %swap3A_800], %swap3A_803 {strides = array<i32>} : memref<64x1024xf16, #tpu.memory_space<vmem>>, vector<2x16xf16>,
        %get3A_804 = arith.constant 0 : index
        %get3A_805 = arith.constant 752 : index
        %get3A_806 = tpu.vector_load %arg8[%get3A_804, %get3A_805] {strides = array<i32>} : memref<2x1024xf16, #tpu.memory_space<vmem>>, vector<2x16xf16>,
        %get3A_807 = vector.shape_cast %get3A_806 : vector<2x16xf16> to vector<2x16xf16>
        %get3A_808 = arith.constant 0 : index
        %get3A_809 = arith.constant 752 : index
        %get3A_810 = tpu.vector_load %arg7[%get3A_808, %get3A_809] {strides = array<i32>} : memref<2x1024xf16, #tpu.memory_space<vmem>>, vector<2x16xf16>,
        %get3A_811 = vector.shape_cast %get3A_810 : vector<2x16xf16> to vector<2x16xf16>
        %select_n3A_812 = arith.select %ne3A, %get3A_807, %get3A_811 : vector<2x16xi1>, vector<2x16xf16>
        %mul3A_813 = arith.constant 2 : i32
        %mul3A_814 = arith.muli %mul3A_813, %scan3A_44 : i32
        %swap3A_815 = arith.index_cast %mul3A_814 : i32 to index
        %swap3A_816 = arith.constant 752 : index
        %swap3A_817 = tpu.vector_load %arg9[%swap3A_815, %swap3A_816] {strides = array<i32>} : memref<64x1024xf16, #tpu.memory_space<vmem>>, vector<2x16xf16>,
        %swap3A_818 = vector.shape_cast %swap3A_817 : vector<2x16xf16> to vector<2x16xf16>
        %swap3A_819 = vector.shape_cast %select_n3A_812 : vector<2x16xf16> to vector<2x16xf16>
        tpu.vector_store %arg9[%swap3A_815, %swap3A_816], %swap3A_819 {strides = array<i32>} : memref<64x1024xf16, #tpu.memory_space<vmem>>, vector<2x16xf16>,
        %get3A_820 = arith.constant 0 : index
        %get3A_821 = arith.constant 768 : index
        %get3A_822 = tpu.vector_load %arg8[%get3A_820, %get3A_821] {strides = array<i32>} : memref<2x1024xf16, #tpu.memory_space<vmem>>, vector<2x16xf16>,
        %get3A_823 = vector.shape_cast %get3A_822 : vector<2x16xf16> to vector<2x16xf16>
        %get3A_824 = arith.constant 0 : index
        %get3A_825 = arith.constant 768 : index
        %get3A_826 = tpu.vector_load %arg7[%get3A_824, %get3A_825] {strides = array<i32>} : memref<2x1024xf16, #tpu.memory_space<vmem>>, vector<2x16xf16>,
        %get3A_827 = vector.shape_cast %get3A_826 : vector<2x16xf16> to vector<2x16xf16>
        %select_n3A_828 = arith.select %ne3A, %get3A_823, %get3A_827 : vector<2x16xi1>, vector<2x16xf16>
        %mul3A_829 = arith.constant 2 : i32
        %mul3A_830 = arith.muli %mul3A_829, %scan3A_44 : i32
        %swap3A_831 = arith.index_cast %mul3A_830 : i32 to index
        %swap3A_832 = arith.constant 768 : index
        %swap3A_833 = tpu.vector_load %arg9[%swap3A_831, %swap3A_832] {strides = array<i32>} : memref<64x1024xf16, #tpu.memory_space<vmem>>, vector<2x16xf16>,
        %swap3A_834 = vector.shape_cast %swap3A_833 : vector<2x16xf16> to vector<2x16xf16>
        %swap3A_835 = vector.shape_cast %select_n3A_828 : vector<2x16xf16> to vector<2x16xf16>
        tpu.vector_store %arg9[%swap3A_831, %swap3A_832], %swap3A_835 {strides = array<i32>} : memref<64x1024xf16, #tpu.memory_space<vmem>>, vector<2x16xf16>,
        %get3A_836 = arith.constant 0 : index
        %get3A_837 = arith.constant 784 : index
        %get3A_838 = tpu.vector_load %arg8[%get3A_836, %get3A_837] {strides = array<i32>} : memref<2x1024xf16, #tpu.memory_space<vmem>>, vector<2x16xf16>,
        %get3A_839 = vector.shape_cast %get3A_838 : vector<2x16xf16> to vector<2x16xf16>
        %get3A_840 = arith.constant 0 : index
        %get3A_841 = arith.constant 784 : index
        %get3A_842 = tpu.vector_load %arg7[%get3A_840, %get3A_841] {strides = array<i32>} : memref<2x1024xf16, #tpu.memory_space<vmem>>, vector<2x16xf16>,
        %get3A_843 = vector.shape_cast %get3A_842 : vector<2x16xf16> to vector<2x16xf16>
        %select_n3A_844 = arith.select %ne3A, %get3A_839, %get3A_843 : vector<2x16xi1>, vector<2x16xf16>
        %mul3A_845 = arith.constant 2 : i32
        %mul3A_846 = arith.muli %mul3A_845, %scan3A_44 : i32
        %swap3A_847 = arith.index_cast %mul3A_846 : i32 to index
        %swap3A_848 = arith.constant 784 : index
        %swap3A_849 = tpu.vector_load %arg9[%swap3A_847, %swap3A_848] {strides = array<i32>} : memref<64x1024xf16, #tpu.memory_space<vmem>>, vector<2x16xf16>,
        %swap3A_850 = vector.shape_cast %swap3A_849 : vector<2x16xf16> to vector<2x16xf16>
        %swap3A_851 = vector.shape_cast %select_n3A_844 : vector<2x16xf16> to vector<2x16xf16>
        tpu.vector_store %arg9[%swap3A_847, %swap3A_848], %swap3A_851 {strides = array<i32>} : memref<64x1024xf16, #tpu.memory_space<vmem>>, vector<2x16xf16>,
        %get3A_852 = arith.constant 0 : index
        %get3A_853 = arith.constant 800 : index
        %get3A_854 = tpu.vector_load %arg8[%get3A_852, %get3A_853] {strides = array<i32>} : memref<2x1024xf16, #tpu.memory_space<vmem>>, vector<2x16xf16>,
        %get3A_855 = vector.shape_cast %get3A_854 : vector<2x16xf16> to vector<2x16xf16>
        %get3A_856 = arith.constant 0 : index
        %get3A_857 = arith.constant 800 : index
        %get3A_858 = tpu.vector_load %arg7[%get3A_856, %get3A_857] {strides = array<i32>} : memref<2x1024xf16, #tpu.memory_space<vmem>>, vector<2x16xf16>,
        %get3A_859 = vector.shape_cast %get3A_858 : vector<2x16xf16> to vector<2x16xf16>
        %select_n3A_860 = arith.select %ne3A, %get3A_855, %get3A_859 : vector<2x16xi1>, vector<2x16xf16>
        %mul3A_861 = arith.constant 2 : i32
        %mul3A_862 = arith.muli %mul3A_861, %scan3A_44 : i32
        %swap3A_863 = arith.index_cast %mul3A_862 : i32 to index
        %swap3A_864 = arith.constant 800 : index
        %swap3A_865 = tpu.vector_load %arg9[%swap3A_863, %swap3A_864] {strides = array<i32>} : memref<64x1024xf16, #tpu.memory_space<vmem>>, vector<2x16xf16>,
        %swap3A_866 = vector.shape_cast %swap3A_865 : vector<2x16xf16> to vector<2x16xf16>
        %swap3A_867 = vector.shape_cast %select_n3A_860 : vector<2x16xf16> to vector<2x16xf16>
        tpu.vector_store %arg9[%swap3A_863, %swap3A_864], %swap3A_867 {strides = array<i32>} : memref<64x1024xf16, #tpu.memory_space<vmem>>, vector<2x16xf16>,
        %get3A_868 = arith.constant 0 : index
        %get3A_869 = arith.constant 816 : index
        %get3A_870 = tpu.vector_load %arg8[%get3A_868, %get3A_869] {strides = array<i32>} : memref<2x1024xf16, #tpu.memory_space<vmem>>, vector<2x16xf16>,
        %get3A_871 = vector.shape_cast %get3A_870 : vector<2x16xf16> to vector<2x16xf16>
        %get3A_872 = arith.constant 0 : index
        %get3A_873 = arith.constant 816 : index
        %get3A_874 = tpu.vector_load %arg7[%get3A_872, %get3A_873] {strides = array<i32>} : memref<2x1024xf16, #tpu.memory_space<vmem>>, vector<2x16xf16>,
        %get3A_875 = vector.shape_cast %get3A_874 : vector<2x16xf16> to vector<2x16xf16>
        %select_n3A_876 = arith.select %ne3A, %get3A_871, %get3A_875 : vector<2x16xi1>, vector<2x16xf16>
        %mul3A_877 = arith.constant 2 : i32
        %mul3A_878 = arith.muli %mul3A_877, %scan3A_44 : i32
        %swap3A_879 = arith.index_cast %mul3A_878 : i32 to index
        %swap3A_880 = arith.constant 816 : index
        %swap3A_881 = tpu.vector_load %arg9[%swap3A_879, %swap3A_880] {strides = array<i32>} : memref<64x1024xf16, #tpu.memory_space<vmem>>, vector<2x16xf16>,
        %swap3A_882 = vector.shape_cast %swap3A_881 : vector<2x16xf16> to vector<2x16xf16>
        %swap3A_883 = vector.shape_cast %select_n3A_876 : vector<2x16xf16> to vector<2x16xf16>
        tpu.vector_store %arg9[%swap3A_879, %swap3A_880], %swap3A_883 {strides = array<i32>} : memref<64x1024xf16, #tpu.memory_space<vmem>>, vector<2x16xf16>,
        %get3A_884 = arith.constant 0 : index
        %get3A_885 = arith.constant 832 : index
        %get3A_886 = tpu.vector_load %arg8[%get3A_884, %get3A_885] {strides = array<i32>} : memref<2x1024xf16, #tpu.memory_space<vmem>>, vector<2x16xf16>,
        %get3A_887 = vector.shape_cast %get3A_886 : vector<2x16xf16> to vector<2x16xf16>
        %get3A_888 = arith.constant 0 : index
        %get3A_889 = arith.constant 832 : index
        %get3A_890 = tpu.vector_load %arg7[%get3A_888, %get3A_889] {strides = array<i32>} : memref<2x1024xf16, #tpu.memory_space<vmem>>, vector<2x16xf16>,
        %get3A_891 = vector.shape_cast %get3A_890 : vector<2x16xf16> to vector<2x16xf16>
        %select_n3A_892 = arith.select %ne3A, %get3A_887, %get3A_891 : vector<2x16xi1>, vector<2x16xf16>
        %mul3A_893 = arith.constant 2 : i32
        %mul3A_894 = arith.muli %mul3A_893, %scan3A_44 : i32
        %swap3A_895 = arith.index_cast %mul3A_894 : i32 to index
        %swap3A_896 = arith.constant 832 : index
        %swap3A_897 = tpu.vector_load %arg9[%swap3A_895, %swap3A_896] {strides = array<i32>} : memref<64x1024xf16, #tpu.memory_space<vmem>>, vector<2x16xf16>,
        %swap3A_898 = vector.shape_cast %swap3A_897 : vector<2x16xf16> to vector<2x16xf16>
        %swap3A_899 = vector.shape_cast %select_n3A_892 : vector<2x16xf16> to vector<2x16xf16>
        tpu.vector_store %arg9[%swap3A_895, %swap3A_896], %swap3A_899 {strides = array<i32>} : memref<64x1024xf16, #tpu.memory_space<vmem>>, vector<2x16xf16>,
        %get3A_900 = arith.constant 0 : index
        %get3A_901 = arith.constant 848 : index
        %get3A_902 = tpu.vector_load %arg8[%get3A_900, %get3A_901] {strides = array<i32>} : memref<2x1024xf16, #tpu.memory_space<vmem>>, vector<2x16xf16>,
        %get3A_903 = vector.shape_cast %get3A_902 : vector<2x16xf16> to vector<2x16xf16>
        %get3A_904 = arith.constant 0 : index
        %get3A_905 = arith.constant 848 : index
        %get3A_906 = tpu.vector_load %arg7[%get3A_904, %get3A_905] {strides = array<i32>} : memref<2x1024xf16, #tpu.memory_space<vmem>>, vector<2x16xf16>,
        %get3A_907 = vector.shape_cast %get3A_906 : vector<2x16xf16> to vector<2x16xf16>
        %select_n3A_908 = arith.select %ne3A, %get3A_903, %get3A_907 : vector<2x16xi1>, vector<2x16xf16>
        %mul3A_909 = arith.constant 2 : i32
        %mul3A_910 = arith.muli %mul3A_909, %scan3A_44 : i32
        %swap3A_911 = arith.index_cast %mul3A_910 : i32 to index
        %swap3A_912 = arith.constant 848 : index
        %swap3A_913 = tpu.vector_load %arg9[%swap3A_911, %swap3A_912] {strides = array<i32>} : memref<64x1024xf16, #tpu.memory_space<vmem>>, vector<2x16xf16>,
        %swap3A_914 = vector.shape_cast %swap3A_913 : vector<2x16xf16> to vector<2x16xf16>
        %swap3A_915 = vector.shape_cast %select_n3A_908 : vector<2x16xf16> to vector<2x16xf16>
        tpu.vector_store %arg9[%swap3A_911, %swap3A_912], %swap3A_915 {strides = array<i32>} : memref<64x1024xf16, #tpu.memory_space<vmem>>, vector<2x16xf16>,
        %get3A_916 = arith.constant 0 : index
        %get3A_917 = arith.constant 864 : index
        %get3A_918 = tpu.vector_load %arg8[%get3A_916, %get3A_917] {strides = array<i32>} : memref<2x1024xf16, #tpu.memory_space<vmem>>, vector<2x16xf16>,
        %get3A_919 = vector.shape_cast %get3A_918 : vector<2x16xf16> to vector<2x16xf16>
        %get3A_920 = arith.constant 0 : index
        %get3A_921 = arith.constant 864 : index
        %get3A_922 = tpu.vector_load %arg7[%get3A_920, %get3A_921] {strides = array<i32>} : memref<2x1024xf16, #tpu.memory_space<vmem>>, vector<2x16xf16>,
        %get3A_923 = vector.shape_cast %get3A_922 : vector<2x16xf16> to vector<2x16xf16>
        %select_n3A_924 = arith.select %ne3A, %get3A_919, %get3A_923 : vector<2x16xi1>, vector<2x16xf16>
        %mul3A_925 = arith.constant 2 : i32
        %mul3A_926 = arith.muli %mul3A_925, %scan3A_44 : i32
        %swap3A_927 = arith.index_cast %mul3A_926 : i32 to index
        %swap3A_928 = arith.constant 864 : index
        %swap3A_929 = tpu.vector_load %arg9[%swap3A_927, %swap3A_928] {strides = array<i32>} : memref<64x1024xf16, #tpu.memory_space<vmem>>, vector<2x16xf16>,
        %swap3A_930 = vector.shape_cast %swap3A_929 : vector<2x16xf16> to vector<2x16xf16>
        %swap3A_931 = vector.shape_cast %select_n3A_924 : vector<2x16xf16> to vector<2x16xf16>
        tpu.vector_store %arg9[%swap3A_927, %swap3A_928], %swap3A_931 {strides = array<i32>} : memref<64x1024xf16, #tpu.memory_space<vmem>>, vector<2x16xf16>,
        %get3A_932 = arith.constant 0 : index
        %get3A_933 = arith.constant 880 : index
        %get3A_934 = tpu.vector_load %arg8[%get3A_932, %get3A_933] {strides = array<i32>} : memref<2x1024xf16, #tpu.memory_space<vmem>>, vector<2x16xf16>,
        %get3A_935 = vector.shape_cast %get3A_934 : vector<2x16xf16> to vector<2x16xf16>
        %get3A_936 = arith.constant 0 : index
        %get3A_937 = arith.constant 880 : index
        %get3A_938 = tpu.vector_load %arg7[%get3A_936, %get3A_937] {strides = array<i32>} : memref<2x1024xf16, #tpu.memory_space<vmem>>, vector<2x16xf16>,
        %get3A_939 = vector.shape_cast %get3A_938 : vector<2x16xf16> to vector<2x16xf16>
        %select_n3A_940 = arith.select %ne3A, %get3A_935, %get3A_939 : vector<2x16xi1>, vector<2x16xf16>
        %mul3A_941 = arith.constant 2 : i32
        %mul3A_942 = arith.muli %mul3A_941, %scan3A_44 : i32
        %swap3A_943 = arith.index_cast %mul3A_942 : i32 to index
        %swap3A_944 = arith.constant 880 : index
        %swap3A_945 = tpu.vector_load %arg9[%swap3A_943, %swap3A_944] {strides = array<i32>} : memref<64x1024xf16, #tpu.memory_space<vmem>>, vector<2x16xf16>,
        %swap3A_946 = vector.shape_cast %swap3A_945 : vector<2x16xf16> to vector<2x16xf16>
        %swap3A_947 = vector.shape_cast %select_n3A_940 : vector<2x16xf16> to vector<2x16xf16>
        tpu.vector_store %arg9[%swap3A_943, %swap3A_944], %swap3A_947 {strides = array<i32>} : memref<64x1024xf16, #tpu.memory_space<vmem>>, vector<2x16xf16>,
        %get3A_948 = arith.constant 0 : index
        %get3A_949 = arith.constant 896 : index
        %get3A_950 = tpu.vector_load %arg8[%get3A_948, %get3A_949] {strides = array<i32>} : memref<2x1024xf16, #tpu.memory_space<vmem>>, vector<2x16xf16>,
        %get3A_951 = vector.shape_cast %get3A_950 : vector<2x16xf16> to vector<2x16xf16>
        %get3A_952 = arith.constant 0 : index
        %get3A_953 = arith.constant 896 : index
        %get3A_954 = tpu.vector_load %arg7[%get3A_952, %get3A_953] {strides = array<i32>} : memref<2x1024xf16, #tpu.memory_space<vmem>>, vector<2x16xf16>,
        %get3A_955 = vector.shape_cast %get3A_954 : vector<2x16xf16> to vector<2x16xf16>
        %select_n3A_956 = arith.select %ne3A, %get3A_951, %get3A_955 : vector<2x16xi1>, vector<2x16xf16>
        %mul3A_957 = arith.constant 2 : i32
        %mul3A_958 = arith.muli %mul3A_957, %scan3A_44 : i32
        %swap3A_959 = arith.index_cast %mul3A_958 : i32 to index
        %swap3A_960 = arith.constant 896 : index
        %swap3A_961 = tpu.vector_load %arg9[%swap3A_959, %swap3A_960] {strides = array<i32>} : memref<64x1024xf16, #tpu.memory_space<vmem>>, vector<2x16xf16>,
        %swap3A_962 = vector.shape_cast %swap3A_961 : vector<2x16xf16> to vector<2x16xf16>
        %swap3A_963 = vector.shape_cast %select_n3A_956 : vector<2x16xf16> to vector<2x16xf16>
        tpu.vector_store %arg9[%swap3A_959, %swap3A_960], %swap3A_963 {strides = array<i32>} : memref<64x1024xf16, #tpu.memory_space<vmem>>, vector<2x16xf16>,
        %get3A_964 = arith.constant 0 : index
        %get3A_965 = arith.constant 912 : index
        %get3A_966 = tpu.vector_load %arg8[%get3A_964, %get3A_965] {strides = array<i32>} : memref<2x1024xf16, #tpu.memory_space<vmem>>, vector<2x16xf16>,
        %get3A_967 = vector.shape_cast %get3A_966 : vector<2x16xf16> to vector<2x16xf16>
        %get3A_968 = arith.constant 0 : index
        %get3A_969 = arith.constant 912 : index
        %get3A_970 = tpu.vector_load %arg7[%get3A_968, %get3A_969] {strides = array<i32>} : memref<2x1024xf16, #tpu.memory_space<vmem>>, vector<2x16xf16>,
        %get3A_971 = vector.shape_cast %get3A_970 : vector<2x16xf16> to vector<2x16xf16>
        %select_n3A_972 = arith.select %ne3A, %get3A_967, %get3A_971 : vector<2x16xi1>, vector<2x16xf16>
        %mul3A_973 = arith.constant 2 : i32
        %mul3A_974 = arith.muli %mul3A_973, %scan3A_44 : i32
        %swap3A_975 = arith.index_cast %mul3A_974 : i32 to index
        %swap3A_976 = arith.constant 912 : index
        %swap3A_977 = tpu.vector_load %arg9[%swap3A_975, %swap3A_976] {strides = array<i32>} : memref<64x1024xf16, #tpu.memory_space<vmem>>, vector<2x16xf16>,
        %swap3A_978 = vector.shape_cast %swap3A_977 : vector<2x16xf16> to vector<2x16xf16>
        %swap3A_979 = vector.shape_cast %select_n3A_972 : vector<2x16xf16> to vector<2x16xf16>
        tpu.vector_store %arg9[%swap3A_975, %swap3A_976], %swap3A_979 {strides = array<i32>} : memref<64x1024xf16, #tpu.memory_space<vmem>>, vector<2x16xf16>,
        %get3A_980 = arith.constant 0 : index
        %get3A_981 = arith.constant 928 : index
        %get3A_982 = tpu.vector_load %arg8[%get3A_980, %get3A_981] {strides = array<i32>} : memref<2x1024xf16, #tpu.memory_space<vmem>>, vector<2x16xf16>,
        %get3A_983 = vector.shape_cast %get3A_982 : vector<2x16xf16> to vector<2x16xf16>
        %get3A_984 = arith.constant 0 : index
        %get3A_985 = arith.constant 928 : index
        %get3A_986 = tpu.vector_load %arg7[%get3A_984, %get3A_985] {strides = array<i32>} : memref<2x1024xf16, #tpu.memory_space<vmem>>, vector<2x16xf16>,
        %get3A_987 = vector.shape_cast %get3A_986 : vector<2x16xf16> to vector<2x16xf16>
        %select_n3A_988 = arith.select %ne3A, %get3A_983, %get3A_987 : vector<2x16xi1>, vector<2x16xf16>
        %mul3A_989 = arith.constant 2 : i32
        %mul3A_990 = arith.muli %mul3A_989, %scan3A_44 : i32
        %swap3A_991 = arith.index_cast %mul3A_990 : i32 to index
        %swap3A_992 = arith.constant 928 : index
        %swap3A_993 = tpu.vector_load %arg9[%swap3A_991, %swap3A_992] {strides = array<i32>} : memref<64x1024xf16, #tpu.memory_space<vmem>>, vector<2x16xf16>,
        %swap3A_994 = vector.shape_cast %swap3A_993 : vector<2x16xf16> to vector<2x16xf16>
        %swap3A_995 = vector.shape_cast %select_n3A_988 : vector<2x16xf16> to vector<2x16xf16>
        tpu.vector_store %arg9[%swap3A_991, %swap3A_992], %swap3A_995 {strides = array<i32>} : memref<64x1024xf16, #tpu.memory_space<vmem>>, vector<2x16xf16>,
        %get3A_996 = arith.constant 0 : index
        %get3A_997 = arith.constant 944 : index
        %get3A_998 = tpu.vector_load %arg8[%get3A_996, %get3A_997] {strides = array<i32>} : memref<2x1024xf16, #tpu.memory_space<vmem>>, vector<2x16xf16>,
        %get3A_999 = vector.shape_cast %get3A_998 : vector<2x16xf16> to vector<2x16xf16>
        %get3A_1000 = arith.constant 0 : index
        %get3A_1001 = arith.constant 944 : index
        %get3A_1002 = tpu.vector_load %arg7[%get3A_1000, %get3A_1001] {strides = array<i32>} : memref<2x1024xf16, #tpu.memory_space<vmem>>, vector<2x16xf16>,
        %get3A_1003 = vector.shape_cast %get3A_1002 : vector<2x16xf16> to vector<2x16xf16>
        %select_n3A_1004 = arith.select %ne3A, %get3A_999, %get3A_1003 : vector<2x16xi1>, vector<2x16xf16>
        %mul3A_1005 = arith.constant 2 : i32
        %mul3A_1006 = arith.muli %mul3A_1005, %scan3A_44 : i32
        %swap3A_1007 = arith.index_cast %mul3A_1006 : i32 to index
        %swap3A_1008 = arith.constant 944 : index
        %swap3A_1009 = tpu.vector_load %arg9[%swap3A_1007, %swap3A_1008] {strides = array<i32>} : memref<64x1024xf16, #tpu.memory_space<vmem>>, vector<2x16xf16>,
        %swap3A_1010 = vector.shape_cast %swap3A_1009 : vector<2x16xf16> to vector<2x16xf16>
        %swap3A_1011 = vector.shape_cast %select_n3A_1004 : vector<2x16xf16> to vector<2x16xf16>
        tpu.vector_store %arg9[%swap3A_1007, %swap3A_1008], %swap3A_1011 {strides = array<i32>} : memref<64x1024xf16, #tpu.memory_space<vmem>>, vector<2x16xf16>,
        %get3A_1012 = arith.constant 0 : index
        %get3A_1013 = arith.constant 960 : index
        %get3A_1014 = tpu.vector_load %arg8[%get3A_1012, %get3A_1013] {strides = array<i32>} : memref<2x1024xf16, #tpu.memory_space<vmem>>, vector<2x16xf16>,
        %get3A_1015 = vector.shape_cast %get3A_1014 : vector<2x16xf16> to vector<2x16xf16>
        %get3A_1016 = arith.constant 0 : index
        %get3A_1017 = arith.constant 960 : index
        %get3A_1018 = tpu.vector_load %arg7[%get3A_1016, %get3A_1017] {strides = array<i32>} : memref<2x1024xf16, #tpu.memory_space<vmem>>, vector<2x16xf16>,
        %get3A_1019 = vector.shape_cast %get3A_1018 : vector<2x16xf16> to vector<2x16xf16>
        %select_n3A_1020 = arith.select %ne3A, %get3A_1015, %get3A_1019 : vector<2x16xi1>, vector<2x16xf16>
        %mul3A_1021 = arith.constant 2 : i32
        %mul3A_1022 = arith.muli %mul3A_1021, %scan3A_44 : i32
        %swap3A_1023 = arith.index_cast %mul3A_1022 : i32 to index
        %swap3A_1024 = arith.constant 960 : index
        %swap3A_1025 = tpu.vector_load %arg9[%swap3A_1023, %swap3A_1024] {strides = array<i32>} : memref<64x1024xf16, #tpu.memory_space<vmem>>, vector<2x16xf16>,
        %swap3A_1026 = vector.shape_cast %swap3A_1025 : vector<2x16xf16> to vector<2x16xf16>
        %swap3A_1027 = vector.shape_cast %select_n3A_1020 : vector<2x16xf16> to vector<2x16xf16>
        tpu.vector_store %arg9[%swap3A_1023, %swap3A_1024], %swap3A_1027 {strides = array<i32>} : memref<64x1024xf16, #tpu.memory_space<vmem>>, vector<2x16xf16>,
        %get3A_1028 = arith.constant 0 : index
        %get3A_1029 = arith.constant 976 : index
        %get3A_1030 = tpu.vector_load %arg8[%get3A_1028, %get3A_1029] {strides = array<i32>} : memref<2x1024xf16, #tpu.memory_space<vmem>>, vector<2x16xf16>,
        %get3A_1031 = vector.shape_cast %get3A_1030 : vector<2x16xf16> to vector<2x16xf16>
        %get3A_1032 = arith.constant 0 : index
        %get3A_1033 = arith.constant 976 : index
        %get3A_1034 = tpu.vector_load %arg7[%get3A_1032, %get3A_1033] {strides = array<i32>} : memref<2x1024xf16, #tpu.memory_space<vmem>>, vector<2x16xf16>,
        %get3A_1035 = vector.shape_cast %get3A_1034 : vector<2x16xf16> to vector<2x16xf16>
        %select_n3A_1036 = arith.select %ne3A, %get3A_1031, %get3A_1035 : vector<2x16xi1>, vector<2x16xf16>
        %mul3A_1037 = arith.constant 2 : i32
        %mul3A_1038 = arith.muli %mul3A_1037, %scan3A_44 : i32
        %swap3A_1039 = arith.index_cast %mul3A_1038 : i32 to index
        %swap3A_1040 = arith.constant 976 : index
        %swap3A_1041 = tpu.vector_load %arg9[%swap3A_1039, %swap3A_1040] {strides = array<i32>} : memref<64x1024xf16, #tpu.memory_space<vmem>>, vector<2x16xf16>,
        %swap3A_1042 = vector.shape_cast %swap3A_1041 : vector<2x16xf16> to vector<2x16xf16>
        %swap3A_1043 = vector.shape_cast %select_n3A_1036 : vector<2x16xf16> to vector<2x16xf16>
        tpu.vector_store %arg9[%swap3A_1039, %swap3A_1040], %swap3A_1043 {strides = array<i32>} : memref<64x1024xf16, #tpu.memory_space<vmem>>, vector<2x16xf16>,
        %get3A_1044 = arith.constant 0 : index
        %get3A_1045 = arith.constant 992 : index
        %get3A_1046 = tpu.vector_load %arg8[%get3A_1044, %get3A_1045] {strides = array<i32>} : memref<2x1024xf16, #tpu.memory_space<vmem>>, vector<2x16xf16>,
        %get3A_1047 = vector.shape_cast %get3A_1046 : vector<2x16xf16> to vector<2x16xf16>
        %get3A_1048 = arith.constant 0 : index
        %get3A_1049 = arith.constant 992 : index
        %get3A_1050 = tpu.vector_load %arg7[%get3A_1048, %get3A_1049] {strides = array<i32>} : memref<2x1024xf16, #tpu.memory_space<vmem>>, vector<2x16xf16>,
        %get3A_1051 = vector.shape_cast %get3A_1050 : vector<2x16xf16> to vector<2x16xf16>
        %select_n3A_1052 = arith.select %ne3A, %get3A_1047, %get3A_1051 : vector<2x16xi1>, vector<2x16xf16>
        %mul3A_1053 = arith.constant 2 : i32
        %mul3A_1054 = arith.muli %mul3A_1053, %scan3A_44 : i32
        %swap3A_1055 = arith.index_cast %mul3A_1054 : i32 to index
        %swap3A_1056 = arith.constant 992 : index
        %swap3A_1057 = tpu.vector_load %arg9[%swap3A_1055, %swap3A_1056] {strides = array<i32>} : memref<64x1024xf16, #tpu.memory_space<vmem>>, vector<2x16xf16>,
        %swap3A_1058 = vector.shape_cast %swap3A_1057 : vector<2x16xf16> to vector<2x16xf16>
        %swap3A_1059 = vector.shape_cast %select_n3A_1052 : vector<2x16xf16> to vector<2x16xf16>
        tpu.vector_store %arg9[%swap3A_1055, %swap3A_1056], %swap3A_1059 {strides = array<i32>} : memref<64x1024xf16, #tpu.memory_space<vmem>>, vector<2x16xf16>,
        %get3A_1060 = arith.constant 0 : index
        %get3A_1061 = arith.constant 1008 : index
        %get3A_1062 = tpu.vector_load %arg8[%get3A_1060, %get3A_1061] {strides = array<i32>} : memref<2x1024xf16, #tpu.memory_space<vmem>>, vector<2x16xf16>,
        %get3A_1063 = vector.shape_cast %get3A_1062 : vector<2x16xf16> to vector<2x16xf16>
        %get3A_1064 = arith.constant 0 : index
        %get3A_1065 = arith.constant 1008 : index
        %get3A_1066 = tpu.vector_load %arg7[%get3A_1064, %get3A_1065] {strides = array<i32>} : memref<2x1024xf16, #tpu.memory_space<vmem>>, vector<2x16xf16>,
        %get3A_1067 = vector.shape_cast %get3A_1066 : vector<2x16xf16> to vector<2x16xf16>
        %select_n3A_1068 = arith.select %ne3A, %get3A_1063, %get3A_1067 : vector<2x16xi1>, vector<2x16xf16>
        %mul3A_1069 = arith.constant 2 : i32
        %mul3A_1070 = arith.muli %mul3A_1069, %scan3A_44 : i32
        %swap3A_1071 = arith.index_cast %mul3A_1070 : i32 to index
        %swap3A_1072 = arith.constant 1008 : index
        %swap3A_1073 = tpu.vector_load %arg9[%swap3A_1071, %swap3A_1072] {strides = array<i32>} : memref<64x1024xf16, #tpu.memory_space<vmem>>, vector<2x16xf16>,
        %swap3A_1074 = vector.shape_cast %swap3A_1073 : vector<2x16xf16> to vector<2x16xf16>
        %swap3A_1075 = vector.shape_cast %select_n3A_1068 : vector<2x16xf16> to vector<2x16xf16>
        tpu.vector_store %arg9[%swap3A_1071, %swap3A_1072], %swap3A_1075 {strides = array<i32>} : memref<64x1024xf16, #tpu.memory_space<vmem>>, vector<2x16xf16>,
      }
      %scan3A_37 = arith.constant 32 : i32
      %mul3A_38 = arith.constant 64 : i32
      %mul3A_39 = arith.muli %add3A_29, %mul3A_38 : i32
      %add3A_40 = arith.addi %mul3A_2, %mul3A_39 : i32
      %dma_start3A = arith.constant 0 : i32
      %dma_start3A_41 = tpu.memref_slice %arg5[%add3A_40, %dma_start3A] : memref<16384x1024xf16, #tpu.memory_space<hbm>> -> memref<64x1024xf16, #tpu.memory_space<hbm>>
      %dma_start3A_42 = arith.constant 0 : i32
      %dma_start3A_43 = tpu.memref_slice %arg5[%add3A_40, %dma_start3A_42] : memref<16384x1024xf16, #tpu.memory_space<hbm>> -> memref<64x1024xf16, #tpu.memory_space<hbm>>
      tpu.enqueue_dma source(%arg9 : memref<64x1024xf16, #tpu.memory_space<vmem>>) target(%dma_start3A_43 : memref<64x1024xf16, #tpu.memory_space<hbm>>) target_semaphore(%arg11 : memref<!tpu.dma_semaphore, #tpu.memory_space<semaphore_mem>>)
    }
    %scan3A_7 = arith.constant 4 : i32
    %scan3A_8 = arith.constant 0 : i32
    %scan3A_9 = arith.constant 0 : i32
    %scan3A_10 = arith.constant 4 : i32
    %scan3A_11 = arith.addi %scan3A_9, %scan3A_10 : i32
    %scan3A_12 = arith.constant 1 : i32
    scf.for %scan3A_25 = %scan3A_9 to %scan3A_11 step %scan3A_12  : i32 {
      %mul3A_26 = arith.constant 2 : i32
      %mul3A_27 = arith.muli %mul3A_26, %scan3A_25 : i32
      %add3A_28 = arith.constant 1 : i32
      %add3A_29 = arith.addi %mul3A_27, %add3A_28 : i32
      %ge3A = arith.constant 1 : i32
      %ge3A_30 = arith.cmpi sge, %scan3A_25, %ge3A : i32
      %convert_element_type3A = arith.extui %ge3A_30 : i1 to i32
      %cond3A = arith.constant 0 : i32
      %cond3A_31 = arith.cmpi ne, %convert_element_type3A, %cond3A : i32
      scf.if %cond3A_31 {
        %dma_wait3A_44 = arith.constant 0 : i32
        %dma_wait3A_45 = arith.constant 0 : i32
        %dma_wait3A_46 = tpu.memref_slice %arg5[%dma_wait3A_44, %dma_wait3A_45] : memref<16384x1024xf16, #tpu.memory_space<hbm>> -> memref<64x1024xf16, #tpu.memory_space<hbm>>
        %dma_wait3A_47 = arith.constant 0 : i32
        %dma_wait3A_48 = arith.constant 0 : i32
        %dma_wait3A_49 = tpu.memref_slice %arg5[%dma_wait3A_47, %dma_wait3A_48] : memref<16384x1024xf16, #tpu.memory_space<hbm>> -> memref<64x1024xf16, #tpu.memory_space<hbm>>
        tpu.wait_dma2 semaphore(%arg12 : memref<!tpu.dma_semaphore, #tpu.memory_space<semaphore_mem>>) src(%arg10 : memref<64x1024xf16, #tpu.memory_space<vmem>>) dst(%dma_wait3A_49 : memref<64x1024xf16, #tpu.memory_space<hbm>>)
      } else {
      }
      %scan3A_32 = arith.constant 0 : i32
      %scan3A_33 = arith.constant 0 : i32
      %scan3A_34 = arith.constant 32 : i32
      %scan3A_35 = arith.addi %scan3A_33, %scan3A_34 : i32
      %scan3A_36 = arith.constant 1 : i32
      scf.for %scan3A_44 = %scan3A_33 to %scan3A_35 step %scan3A_36  : i32 {
        %mul3A_45 = arith.constant 32 : i32
        %mul3A_46 = arith.muli %add3A_29, %mul3A_45 : i32
        %add3A_47 = arith.addi %mul3A_46, %scan3A_44 : i32
        %mul3A_48 = arith.constant 2 : i32
        %mul3A_49 = arith.muli %mul3A_48, %add3A_47 : i32
        %get3A = arith.index_cast %mul3A_49 : i32 to index
        %get3A_50 = arith.constant 0 : index
        %get3A_51 = tpu.vector_load %arg6[%get3A, %get3A_50] {strides = array<i32>} : memref<512x16xf16, #tpu.memory_space<vmem>>, vector<2x16xf16>,
        %get3A_52 = vector.shape_cast %get3A_51 : vector<2x16xf16> to vector<2x16xf16>
        %broadcast_in_dim3A = arith.constant 0.000000e+00 : f16
        %broadcast_in_dim3A_53 = vector.broadcast %broadcast_in_dim3A : f16 to vector<2x16xf16>
        %ne3A = arith.cmpf one, %get3A_52, %broadcast_in_dim3A_53 : vector<2x16xf16>
        %get3A_54 = arith.constant 0 : index
        %get3A_55 = arith.constant 0 : index
        %get3A_56 = tpu.vector_load %arg8[%get3A_54, %get3A_55] {strides = array<i32>} : memref<2x1024xf16, #tpu.memory_space<vmem>>, vector<2x16xf16>,
        %get3A_57 = vector.shape_cast %get3A_56 : vector<2x16xf16> to vector<2x16xf16>
        %get3A_58 = arith.constant 0 : index
        %get3A_59 = arith.constant 0 : index
        %get3A_60 = tpu.vector_load %arg7[%get3A_58, %get3A_59] {strides = array<i32>} : memref<2x1024xf16, #tpu.memory_space<vmem>>, vector<2x16xf16>,
        %get3A_61 = vector.shape_cast %get3A_60 : vector<2x16xf16> to vector<2x16xf16>
        %select_n3A = arith.select %ne3A, %get3A_57, %get3A_61 : vector<2x16xi1>, vector<2x16xf16>
        %mul3A_62 = arith.constant 2 : i32
        %mul3A_63 = arith.muli %mul3A_62, %scan3A_44 : i32
        %swap3A = arith.index_cast %mul3A_63 : i32 to index
        %swap3A_64 = arith.constant 0 : index
        %swap3A_65 = tpu.vector_load %arg10[%swap3A, %swap3A_64] {strides = array<i32>} : memref<64x1024xf16, #tpu.memory_space<vmem>>, vector<2x16xf16>,
        %swap3A_66 = vector.shape_cast %swap3A_65 : vector<2x16xf16> to vector<2x16xf16>
        %swap3A_67 = vector.shape_cast %select_n3A : vector<2x16xf16> to vector<2x16xf16>
        tpu.vector_store %arg10[%swap3A, %swap3A_64], %swap3A_67 {strides = array<i32>} : memref<64x1024xf16, #tpu.memory_space<vmem>>, vector<2x16xf16>,
        %get3A_68 = arith.constant 0 : index
        %get3A_69 = arith.constant 16 : index
        %get3A_70 = tpu.vector_load %arg8[%get3A_68, %get3A_69] {strides = array<i32>} : memref<2x1024xf16, #tpu.memory_space<vmem>>, vector<2x16xf16>,
        %get3A_71 = vector.shape_cast %get3A_70 : vector<2x16xf16> to vector<2x16xf16>
        %get3A_72 = arith.constant 0 : index
        %get3A_73 = arith.constant 16 : index
        %get3A_74 = tpu.vector_load %arg7[%get3A_72, %get3A_73] {strides = array<i32>} : memref<2x1024xf16, #tpu.memory_space<vmem>>, vector<2x16xf16>,
        %get3A_75 = vector.shape_cast %get3A_74 : vector<2x16xf16> to vector<2x16xf16>
        %select_n3A_76 = arith.select %ne3A, %get3A_71, %get3A_75 : vector<2x16xi1>, vector<2x16xf16>
        %mul3A_77 = arith.constant 2 : i32
        %mul3A_78 = arith.muli %mul3A_77, %scan3A_44 : i32
        %swap3A_79 = arith.index_cast %mul3A_78 : i32 to index
        %swap3A_80 = arith.constant 16 : index
        %swap3A_81 = tpu.vector_load %arg10[%swap3A_79, %swap3A_80] {strides = array<i32>} : memref<64x1024xf16, #tpu.memory_space<vmem>>, vector<2x16xf16>,
        %swap3A_82 = vector.shape_cast %swap3A_81 : vector<2x16xf16> to vector<2x16xf16>
        %swap3A_83 = vector.shape_cast %select_n3A_76 : vector<2x16xf16> to vector<2x16xf16>
        tpu.vector_store %arg10[%swap3A_79, %swap3A_80], %swap3A_83 {strides = array<i32>} : memref<64x1024xf16, #tpu.memory_space<vmem>>, vector<2x16xf16>,
        %get3A_84 = arith.constant 0 : index
        %get3A_85 = arith.constant 32 : index
        %get3A_86 = tpu.vector_load %arg8[%get3A_84, %get3A_85] {strides = array<i32>} : memref<2x1024xf16, #tpu.memory_space<vmem>>, vector<2x16xf16>,
        %get3A_87 = vector.shape_cast %get3A_86 : vector<2x16xf16> to vector<2x16xf16>
        %get3A_88 = arith.constant 0 : index
        %get3A_89 = arith.constant 32 : index
        %get3A_90 = tpu.vector_load %arg7[%get3A_88, %get3A_89] {strides = array<i32>} : memref<2x1024xf16, #tpu.memory_space<vmem>>, vector<2x16xf16>,
        %get3A_91 = vector.shape_cast %get3A_90 : vector<2x16xf16> to vector<2x16xf16>
        %select_n3A_92 = arith.select %ne3A, %get3A_87, %get3A_91 : vector<2x16xi1>, vector<2x16xf16>
        %mul3A_93 = arith.constant 2 : i32
        %mul3A_94 = arith.muli %mul3A_93, %scan3A_44 : i32
        %swap3A_95 = arith.index_cast %mul3A_94 : i32 to index
        %swap3A_96 = arith.constant 32 : index
        %swap3A_97 = tpu.vector_load %arg10[%swap3A_95, %swap3A_96] {strides = array<i32>} : memref<64x1024xf16, #tpu.memory_space<vmem>>, vector<2x16xf16>,
        %swap3A_98 = vector.shape_cast %swap3A_97 : vector<2x16xf16> to vector<2x16xf16>
        %swap3A_99 = vector.shape_cast %select_n3A_92 : vector<2x16xf16> to vector<2x16xf16>
        tpu.vector_store %arg10[%swap3A_95, %swap3A_96], %swap3A_99 {strides = array<i32>} : memref<64x1024xf16, #tpu.memory_space<vmem>>, vector<2x16xf16>,
        %get3A_100 = arith.constant 0 : index
        %get3A_101 = arith.constant 48 : index
        %get3A_102 = tpu.vector_load %arg8[%get3A_100, %get3A_101] {strides = array<i32>} : memref<2x1024xf16, #tpu.memory_space<vmem>>, vector<2x16xf16>,
        %get3A_103 = vector.shape_cast %get3A_102 : vector<2x16xf16> to vector<2x16xf16>
        %get3A_104 = arith.constant 0 : index
        %get3A_105 = arith.constant 48 : index
        %get3A_106 = tpu.vector_load %arg7[%get3A_104, %get3A_105] {strides = array<i32>} : memref<2x1024xf16, #tpu.memory_space<vmem>>, vector<2x16xf16>,
        %get3A_107 = vector.shape_cast %get3A_106 : vector<2x16xf16> to vector<2x16xf16>
        %select_n3A_108 = arith.select %ne3A, %get3A_103, %get3A_107 : vector<2x16xi1>, vector<2x16xf16>
        %mul3A_109 = arith.constant 2 : i32
        %mul3A_110 = arith.muli %mul3A_109, %scan3A_44 : i32
        %swap3A_111 = arith.index_cast %mul3A_110 : i32 to index
        %swap3A_112 = arith.constant 48 : index
        %swap3A_113 = tpu.vector_load %arg10[%swap3A_111, %swap3A_112] {strides = array<i32>} : memref<64x1024xf16, #tpu.memory_space<vmem>>, vector<2x16xf16>,
        %swap3A_114 = vector.shape_cast %swap3A_113 : vector<2x16xf16> to vector<2x16xf16>
        %swap3A_115 = vector.shape_cast %select_n3A_108 : vector<2x16xf16> to vector<2x16xf16>
        tpu.vector_store %arg10[%swap3A_111, %swap3A_112], %swap3A_115 {strides = array<i32>} : memref<64x1024xf16, #tpu.memory_space<vmem>>, vector<2x16xf16>,
        %get3A_116 = arith.constant 0 : index
        %get3A_117 = arith.constant 64 : index
        %get3A_118 = tpu.vector_load %arg8[%get3A_116, %get3A_117] {strides = array<i32>} : memref<2x1024xf16, #tpu.memory_space<vmem>>, vector<2x16xf16>,
        %get3A_119 = vector.shape_cast %get3A_118 : vector<2x16xf16> to vector<2x16xf16>
        %get3A_120 = arith.constant 0 : index
        %get3A_121 = arith.constant 64 : index
        %get3A_122 = tpu.vector_load %arg7[%get3A_120, %get3A_121] {strides = array<i32>} : memref<2x1024xf16, #tpu.memory_space<vmem>>, vector<2x16xf16>,
        %get3A_123 = vector.shape_cast %get3A_122 : vector<2x16xf16> to vector<2x16xf16>
        %select_n3A_124 = arith.select %ne3A, %get3A_119, %get3A_123 : vector<2x16xi1>, vector<2x16xf16>
        %mul3A_125 = arith.constant 2 : i32
        %mul3A_126 = arith.muli %mul3A_125, %scan3A_44 : i32
        %swap3A_127 = arith.index_cast %mul3A_126 : i32 to index
        %swap3A_128 = arith.constant 64 : index
        %swap3A_129 = tpu.vector_load %arg10[%swap3A_127, %swap3A_128] {strides = array<i32>} : memref<64x1024xf16, #tpu.memory_space<vmem>>, vector<2x16xf16>,
        %swap3A_130 = vector.shape_cast %swap3A_129 : vector<2x16xf16> to vector<2x16xf16>
        %swap3A_131 = vector.shape_cast %select_n3A_124 : vector<2x16xf16> to vector<2x16xf16>
        tpu.vector_store %arg10[%swap3A_127, %swap3A_128], %swap3A_131 {strides = array<i32>} : memref<64x1024xf16, #tpu.memory_space<vmem>>, vector<2x16xf16>,
        %get3A_132 = arith.constant 0 : index
        %get3A_133 = arith.constant 80 : index
        %get3A_134 = tpu.vector_load %arg8[%get3A_132, %get3A_133] {strides = array<i32>} : memref<2x1024xf16, #tpu.memory_space<vmem>>, vector<2x16xf16>,
        %get3A_135 = vector.shape_cast %get3A_134 : vector<2x16xf16> to vector<2x16xf16>
        %get3A_136 = arith.constant 0 : index
        %get3A_137 = arith.constant 80 : index
        %get3A_138 = tpu.vector_load %arg7[%get3A_136, %get3A_137] {strides = array<i32>} : memref<2x1024xf16, #tpu.memory_space<vmem>>, vector<2x16xf16>,
        %get3A_139 = vector.shape_cast %get3A_138 : vector<2x16xf16> to vector<2x16xf16>
        %select_n3A_140 = arith.select %ne3A, %get3A_135, %get3A_139 : vector<2x16xi1>, vector<2x16xf16>
        %mul3A_141 = arith.constant 2 : i32
        %mul3A_142 = arith.muli %mul3A_141, %scan3A_44 : i32
        %swap3A_143 = arith.index_cast %mul3A_142 : i32 to index
        %swap3A_144 = arith.constant 80 : index
        %swap3A_145 = tpu.vector_load %arg10[%swap3A_143, %swap3A_144] {strides = array<i32>} : memref<64x1024xf16, #tpu.memory_space<vmem>>, vector<2x16xf16>,
        %swap3A_146 = vector.shape_cast %swap3A_145 : vector<2x16xf16> to vector<2x16xf16>
        %swap3A_147 = vector.shape_cast %select_n3A_140 : vector<2x16xf16> to vector<2x16xf16>
        tpu.vector_store %arg10[%swap3A_143, %swap3A_144], %swap3A_147 {strides = array<i32>} : memref<64x1024xf16, #tpu.memory_space<vmem>>, vector<2x16xf16>,
        %get3A_148 = arith.constant 0 : index
        %get3A_149 = arith.constant 96 : index
        %get3A_150 = tpu.vector_load %arg8[%get3A_148, %get3A_149] {strides = array<i32>} : memref<2x1024xf16, #tpu.memory_space<vmem>>, vector<2x16xf16>,
        %get3A_151 = vector.shape_cast %get3A_150 : vector<2x16xf16> to vector<2x16xf16>
        %get3A_152 = arith.constant 0 : index
        %get3A_153 = arith.constant 96 : index
        %get3A_154 = tpu.vector_load %arg7[%get3A_152, %get3A_153] {strides = array<i32>} : memref<2x1024xf16, #tpu.memory_space<vmem>>, vector<2x16xf16>,
        %get3A_155 = vector.shape_cast %get3A_154 : vector<2x16xf16> to vector<2x16xf16>
        %select_n3A_156 = arith.select %ne3A, %get3A_151, %get3A_155 : vector<2x16xi1>, vector<2x16xf16>
        %mul3A_157 = arith.constant 2 : i32
        %mul3A_158 = arith.muli %mul3A_157, %scan3A_44 : i32
        %swap3A_159 = arith.index_cast %mul3A_158 : i32 to index
        %swap3A_160 = arith.constant 96 : index
        %swap3A_161 = tpu.vector_load %arg10[%swap3A_159, %swap3A_160] {strides = array<i32>} : memref<64x1024xf16, #tpu.memory_space<vmem>>, vector<2x16xf16>,
        %swap3A_162 = vector.shape_cast %swap3A_161 : vector<2x16xf16> to vector<2x16xf16>
        %swap3A_163 = vector.shape_cast %select_n3A_156 : vector<2x16xf16> to vector<2x16xf16>
        tpu.vector_store %arg10[%swap3A_159, %swap3A_160], %swap3A_163 {strides = array<i32>} : memref<64x1024xf16, #tpu.memory_space<vmem>>, vector<2x16xf16>,
        %get3A_164 = arith.constant 0 : index
        %get3A_165 = arith.constant 112 : index
        %get3A_166 = tpu.vector_load %arg8[%get3A_164, %get3A_165] {strides = array<i32>} : memref<2x1024xf16, #tpu.memory_space<vmem>>, vector<2x16xf16>,
        %get3A_167 = vector.shape_cast %get3A_166 : vector<2x16xf16> to vector<2x16xf16>
        %get3A_168 = arith.constant 0 : index
        %get3A_169 = arith.constant 112 : index
        %get3A_170 = tpu.vector_load %arg7[%get3A_168, %get3A_169] {strides = array<i32>} : memref<2x1024xf16, #tpu.memory_space<vmem>>, vector<2x16xf16>,
        %get3A_171 = vector.shape_cast %get3A_170 : vector<2x16xf16> to vector<2x16xf16>
        %select_n3A_172 = arith.select %ne3A, %get3A_167, %get3A_171 : vector<2x16xi1>, vector<2x16xf16>
        %mul3A_173 = arith.constant 2 : i32
        %mul3A_174 = arith.muli %mul3A_173, %scan3A_44 : i32
        %swap3A_175 = arith.index_cast %mul3A_174 : i32 to index
        %swap3A_176 = arith.constant 112 : index
        %swap3A_177 = tpu.vector_load %arg10[%swap3A_175, %swap3A_176] {strides = array<i32>} : memref<64x1024xf16, #tpu.memory_space<vmem>>, vector<2x16xf16>,
        %swap3A_178 = vector.shape_cast %swap3A_177 : vector<2x16xf16> to vector<2x16xf16>
        %swap3A_179 = vector.shape_cast %select_n3A_172 : vector<2x16xf16> to vector<2x16xf16>
        tpu.vector_store %arg10[%swap3A_175, %swap3A_176], %swap3A_179 {strides = array<i32>} : memref<64x1024xf16, #tpu.memory_space<vmem>>, vector<2x16xf16>,
        %get3A_180 = arith.constant 0 : index
        %get3A_181 = arith.constant 128 : index
        %get3A_182 = tpu.vector_load %arg8[%get3A_180, %get3A_181] {strides = array<i32>} : memref<2x1024xf16, #tpu.memory_space<vmem>>, vector<2x16xf16>,
        %get3A_183 = vector.shape_cast %get3A_182 : vector<2x16xf16> to vector<2x16xf16>
        %get3A_184 = arith.constant 0 : index
        %get3A_185 = arith.constant 128 : index
        %get3A_186 = tpu.vector_load %arg7[%get3A_184, %get3A_185] {strides = array<i32>} : memref<2x1024xf16, #tpu.memory_space<vmem>>, vector<2x16xf16>,
        %get3A_187 = vector.shape_cast %get3A_186 : vector<2x16xf16> to vector<2x16xf16>
        %select_n3A_188 = arith.select %ne3A, %get3A_183, %get3A_187 : vector<2x16xi1>, vector<2x16xf16>
        %mul3A_189 = arith.constant 2 : i32
        %mul3A_190 = arith.muli %mul3A_189, %scan3A_44 : i32
        %swap3A_191 = arith.index_cast %mul3A_190 : i32 to index
        %swap3A_192 = arith.constant 128 : index
        %swap3A_193 = tpu.vector_load %arg10[%swap3A_191, %swap3A_192] {strides = array<i32>} : memref<64x1024xf16, #tpu.memory_space<vmem>>, vector<2x16xf16>,
        %swap3A_194 = vector.shape_cast %swap3A_193 : vector<2x16xf16> to vector<2x16xf16>
        %swap3A_195 = vector.shape_cast %select_n3A_188 : vector<2x16xf16> to vector<2x16xf16>
        tpu.vector_store %arg10[%swap3A_191, %swap3A_192], %swap3A_195 {strides = array<i32>} : memref<64x1024xf16, #tpu.memory_space<vmem>>, vector<2x16xf16>,
        %get3A_196 = arith.constant 0 : index
        %get3A_197 = arith.constant 144 : index
        %get3A_198 = tpu.vector_load %arg8[%get3A_196, %get3A_197] {strides = array<i32>} : memref<2x1024xf16, #tpu.memory_space<vmem>>, vector<2x16xf16>,
        %get3A_199 = vector.shape_cast %get3A_198 : vector<2x16xf16> to vector<2x16xf16>
        %get3A_200 = arith.constant 0 : index
        %get3A_201 = arith.constant 144 : index
        %get3A_202 = tpu.vector_load %arg7[%get3A_200, %get3A_201] {strides = array<i32>} : memref<2x1024xf16, #tpu.memory_space<vmem>>, vector<2x16xf16>,
        %get3A_203 = vector.shape_cast %get3A_202 : vector<2x16xf16> to vector<2x16xf16>
        %select_n3A_204 = arith.select %ne3A, %get3A_199, %get3A_203 : vector<2x16xi1>, vector<2x16xf16>
        %mul3A_205 = arith.constant 2 : i32
        %mul3A_206 = arith.muli %mul3A_205, %scan3A_44 : i32
        %swap3A_207 = arith.index_cast %mul3A_206 : i32 to index
        %swap3A_208 = arith.constant 144 : index
        %swap3A_209 = tpu.vector_load %arg10[%swap3A_207, %swap3A_208] {strides = array<i32>} : memref<64x1024xf16, #tpu.memory_space<vmem>>, vector<2x16xf16>,
        %swap3A_210 = vector.shape_cast %swap3A_209 : vector<2x16xf16> to vector<2x16xf16>
        %swap3A_211 = vector.shape_cast %select_n3A_204 : vector<2x16xf16> to vector<2x16xf16>
        tpu.vector_store %arg10[%swap3A_207, %swap3A_208], %swap3A_211 {strides = array<i32>} : memref<64x1024xf16, #tpu.memory_space<vmem>>, vector<2x16xf16>,
        %get3A_212 = arith.constant 0 : index
        %get3A_213 = arith.constant 160 : index
        %get3A_214 = tpu.vector_load %arg8[%get3A_212, %get3A_213] {strides = array<i32>} : memref<2x1024xf16, #tpu.memory_space<vmem>>, vector<2x16xf16>,
        %get3A_215 = vector.shape_cast %get3A_214 : vector<2x16xf16> to vector<2x16xf16>
        %get3A_216 = arith.constant 0 : index
        %get3A_217 = arith.constant 160 : index
        %get3A_218 = tpu.vector_load %arg7[%get3A_216, %get3A_217] {strides = array<i32>} : memref<2x1024xf16, #tpu.memory_space<vmem>>, vector<2x16xf16>,
        %get3A_219 = vector.shape_cast %get3A_218 : vector<2x16xf16> to vector<2x16xf16>
        %select_n3A_220 = arith.select %ne3A, %get3A_215, %get3A_219 : vector<2x16xi1>, vector<2x16xf16>
        %mul3A_221 = arith.constant 2 : i32
        %mul3A_222 = arith.muli %mul3A_221, %scan3A_44 : i32
        %swap3A_223 = arith.index_cast %mul3A_222 : i32 to index
        %swap3A_224 = arith.constant 160 : index
        %swap3A_225 = tpu.vector_load %arg10[%swap3A_223, %swap3A_224] {strides = array<i32>} : memref<64x1024xf16, #tpu.memory_space<vmem>>, vector<2x16xf16>,
        %swap3A_226 = vector.shape_cast %swap3A_225 : vector<2x16xf16> to vector<2x16xf16>
        %swap3A_227 = vector.shape_cast %select_n3A_220 : vector<2x16xf16> to vector<2x16xf16>
        tpu.vector_store %arg10[%swap3A_223, %swap3A_224], %swap3A_227 {strides = array<i32>} : memref<64x1024xf16, #tpu.memory_space<vmem>>, vector<2x16xf16>,
        %get3A_228 = arith.constant 0 : index
        %get3A_229 = arith.constant 176 : index
        %get3A_230 = tpu.vector_load %arg8[%get3A_228, %get3A_229] {strides = array<i32>} : memref<2x1024xf16, #tpu.memory_space<vmem>>, vector<2x16xf16>,
        %get3A_231 = vector.shape_cast %get3A_230 : vector<2x16xf16> to vector<2x16xf16>
        %get3A_232 = arith.constant 0 : index
        %get3A_233 = arith.constant 176 : index
        %get3A_234 = tpu.vector_load %arg7[%get3A_232, %get3A_233] {strides = array<i32>} : memref<2x1024xf16, #tpu.memory_space<vmem>>, vector<2x16xf16>,
        %get3A_235 = vector.shape_cast %get3A_234 : vector<2x16xf16> to vector<2x16xf16>
        %select_n3A_236 = arith.select %ne3A, %get3A_231, %get3A_235 : vector<2x16xi1>, vector<2x16xf16>
        %mul3A_237 = arith.constant 2 : i32
        %mul3A_238 = arith.muli %mul3A_237, %scan3A_44 : i32
        %swap3A_239 = arith.index_cast %mul3A_238 : i32 to index
        %swap3A_240 = arith.constant 176 : index
        %swap3A_241 = tpu.vector_load %arg10[%swap3A_239, %swap3A_240] {strides = array<i32>} : memref<64x1024xf16, #tpu.memory_space<vmem>>, vector<2x16xf16>,
        %swap3A_242 = vector.shape_cast %swap3A_241 : vector<2x16xf16> to vector<2x16xf16>
        %swap3A_243 = vector.shape_cast %select_n3A_236 : vector<2x16xf16> to vector<2x16xf16>
        tpu.vector_store %arg10[%swap3A_239, %swap3A_240], %swap3A_243 {strides = array<i32>} : memref<64x1024xf16, #tpu.memory_space<vmem>>, vector<2x16xf16>,
        %get3A_244 = arith.constant 0 : index
        %get3A_245 = arith.constant 192 : index
        %get3A_246 = tpu.vector_load %arg8[%get3A_244, %get3A_245] {strides = array<i32>} : memref<2x1024xf16, #tpu.memory_space<vmem>>, vector<2x16xf16>,
        %get3A_247 = vector.shape_cast %get3A_246 : vector<2x16xf16> to vector<2x16xf16>
        %get3A_248 = arith.constant 0 : index
        %get3A_249 = arith.constant 192 : index
        %get3A_250 = tpu.vector_load %arg7[%get3A_248, %get3A_249] {strides = array<i32>} : memref<2x1024xf16, #tpu.memory_space<vmem>>, vector<2x16xf16>,
        %get3A_251 = vector.shape_cast %get3A_250 : vector<2x16xf16> to vector<2x16xf16>
        %select_n3A_252 = arith.select %ne3A, %get3A_247, %get3A_251 : vector<2x16xi1>, vector<2x16xf16>
        %mul3A_253 = arith.constant 2 : i32
        %mul3A_254 = arith.muli %mul3A_253, %scan3A_44 : i32
        %swap3A_255 = arith.index_cast %mul3A_254 : i32 to index
        %swap3A_256 = arith.constant 192 : index
        %swap3A_257 = tpu.vector_load %arg10[%swap3A_255, %swap3A_256] {strides = array<i32>} : memref<64x1024xf16, #tpu.memory_space<vmem>>, vector<2x16xf16>,
        %swap3A_258 = vector.shape_cast %swap3A_257 : vector<2x16xf16> to vector<2x16xf16>
        %swap3A_259 = vector.shape_cast %select_n3A_252 : vector<2x16xf16> to vector<2x16xf16>
        tpu.vector_store %arg10[%swap3A_255, %swap3A_256], %swap3A_259 {strides = array<i32>} : memref<64x1024xf16, #tpu.memory_space<vmem>>, vector<2x16xf16>,
        %get3A_260 = arith.constant 0 : index
        %get3A_261 = arith.constant 208 : index
        %get3A_262 = tpu.vector_load %arg8[%get3A_260, %get3A_261] {strides = array<i32>} : memref<2x1024xf16, #tpu.memory_space<vmem>>, vector<2x16xf16>,
        %get3A_263 = vector.shape_cast %get3A_262 : vector<2x16xf16> to vector<2x16xf16>
        %get3A_264 = arith.constant 0 : index
        %get3A_265 = arith.constant 208 : index
        %get3A_266 = tpu.vector_load %arg7[%get3A_264, %get3A_265] {strides = array<i32>} : memref<2x1024xf16, #tpu.memory_space<vmem>>, vector<2x16xf16>,
        %get3A_267 = vector.shape_cast %get3A_266 : vector<2x16xf16> to vector<2x16xf16>
        %select_n3A_268 = arith.select %ne3A, %get3A_263, %get3A_267 : vector<2x16xi1>, vector<2x16xf16>
        %mul3A_269 = arith.constant 2 : i32
        %mul3A_270 = arith.muli %mul3A_269, %scan3A_44 : i32
        %swap3A_271 = arith.index_cast %mul3A_270 : i32 to index
        %swap3A_272 = arith.constant 208 : index
        %swap3A_273 = tpu.vector_load %arg10[%swap3A_271, %swap3A_272] {strides = array<i32>} : memref<64x1024xf16, #tpu.memory_space<vmem>>, vector<2x16xf16>,
        %swap3A_274 = vector.shape_cast %swap3A_273 : vector<2x16xf16> to vector<2x16xf16>
        %swap3A_275 = vector.shape_cast %select_n3A_268 : vector<2x16xf16> to vector<2x16xf16>
        tpu.vector_store %arg10[%swap3A_271, %swap3A_272], %swap3A_275 {strides = array<i32>} : memref<64x1024xf16, #tpu.memory_space<vmem>>, vector<2x16xf16>,
        %get3A_276 = arith.constant 0 : index
        %get3A_277 = arith.constant 224 : index
        %get3A_278 = tpu.vector_load %arg8[%get3A_276, %get3A_277] {strides = array<i32>} : memref<2x1024xf16, #tpu.memory_space<vmem>>, vector<2x16xf16>,
        %get3A_279 = vector.shape_cast %get3A_278 : vector<2x16xf16> to vector<2x16xf16>
        %get3A_280 = arith.constant 0 : index
        %get3A_281 = arith.constant 224 : index
        %get3A_282 = tpu.vector_load %arg7[%get3A_280, %get3A_281] {strides = array<i32>} : memref<2x1024xf16, #tpu.memory_space<vmem>>, vector<2x16xf16>,
        %get3A_283 = vector.shape_cast %get3A_282 : vector<2x16xf16> to vector<2x16xf16>
        %select_n3A_284 = arith.select %ne3A, %get3A_279, %get3A_283 : vector<2x16xi1>, vector<2x16xf16>
        %mul3A_285 = arith.constant 2 : i32
        %mul3A_286 = arith.muli %mul3A_285, %scan3A_44 : i32
        %swap3A_287 = arith.index_cast %mul3A_286 : i32 to index
        %swap3A_288 = arith.constant 224 : index
        %swap3A_289 = tpu.vector_load %arg10[%swap3A_287, %swap3A_288] {strides = array<i32>} : memref<64x1024xf16, #tpu.memory_space<vmem>>, vector<2x16xf16>,
        %swap3A_290 = vector.shape_cast %swap3A_289 : vector<2x16xf16> to vector<2x16xf16>
        %swap3A_291 = vector.shape_cast %select_n3A_284 : vector<2x16xf16> to vector<2x16xf16>
        tpu.vector_store %arg10[%swap3A_287, %swap3A_288], %swap3A_291 {strides = array<i32>} : memref<64x1024xf16, #tpu.memory_space<vmem>>, vector<2x16xf16>,
        %get3A_292 = arith.constant 0 : index
        %get3A_293 = arith.constant 240 : index
        %get3A_294 = tpu.vector_load %arg8[%get3A_292, %get3A_293] {strides = array<i32>} : memref<2x1024xf16, #tpu.memory_space<vmem>>, vector<2x16xf16>,
        %get3A_295 = vector.shape_cast %get3A_294 : vector<2x16xf16> to vector<2x16xf16>
        %get3A_296 = arith.constant 0 : index
        %get3A_297 = arith.constant 240 : index
        %get3A_298 = tpu.vector_load %arg7[%get3A_296, %get3A_297] {strides = array<i32>} : memref<2x1024xf16, #tpu.memory_space<vmem>>, vector<2x16xf16>,
        %get3A_299 = vector.shape_cast %get3A_298 : vector<2x16xf16> to vector<2x16xf16>
        %select_n3A_300 = arith.select %ne3A, %get3A_295, %get3A_299 : vector<2x16xi1>, vector<2x16xf16>
        %mul3A_301 = arith.constant 2 : i32
        %mul3A_302 = arith.muli %mul3A_301, %scan3A_44 : i32
        %swap3A_303 = arith.index_cast %mul3A_302 : i32 to index
        %swap3A_304 = arith.constant 240 : index
        %swap3A_305 = tpu.vector_load %arg10[%swap3A_303, %swap3A_304] {strides = array<i32>} : memref<64x1024xf16, #tpu.memory_space<vmem>>, vector<2x16xf16>,
        %swap3A_306 = vector.shape_cast %swap3A_305 : vector<2x16xf16> to vector<2x16xf16>
        %swap3A_307 = vector.shape_cast %select_n3A_300 : vector<2x16xf16> to vector<2x16xf16>
        tpu.vector_store %arg10[%swap3A_303, %swap3A_304], %swap3A_307 {strides = array<i32>} : memref<64x1024xf16, #tpu.memory_space<vmem>>, vector<2x16xf16>,
        %get3A_308 = arith.constant 0 : index
        %get3A_309 = arith.constant 256 : index
        %get3A_310 = tpu.vector_load %arg8[%get3A_308, %get3A_309] {strides = array<i32>} : memref<2x1024xf16, #tpu.memory_space<vmem>>, vector<2x16xf16>,
        %get3A_311 = vector.shape_cast %get3A_310 : vector<2x16xf16> to vector<2x16xf16>
        %get3A_312 = arith.constant 0 : index
        %get3A_313 = arith.constant 256 : index
        %get3A_314 = tpu.vector_load %arg7[%get3A_312, %get3A_313] {strides = array<i32>} : memref<2x1024xf16, #tpu.memory_space<vmem>>, vector<2x16xf16>,
        %get3A_315 = vector.shape_cast %get3A_314 : vector<2x16xf16> to vector<2x16xf16>
        %select_n3A_316 = arith.select %ne3A, %get3A_311, %get3A_315 : vector<2x16xi1>, vector<2x16xf16>
        %mul3A_317 = arith.constant 2 : i32
        %mul3A_318 = arith.muli %mul3A_317, %scan3A_44 : i32
        %swap3A_319 = arith.index_cast %mul3A_318 : i32 to index
        %swap3A_320 = arith.constant 256 : index
        %swap3A_321 = tpu.vector_load %arg10[%swap3A_319, %swap3A_320] {strides = array<i32>} : memref<64x1024xf16, #tpu.memory_space<vmem>>, vector<2x16xf16>,
        %swap3A_322 = vector.shape_cast %swap3A_321 : vector<2x16xf16> to vector<2x16xf16>
        %swap3A_323 = vector.shape_cast %select_n3A_316 : vector<2x16xf16> to vector<2x16xf16>
        tpu.vector_store %arg10[%swap3A_319, %swap3A_320], %swap3A_323 {strides = array<i32>} : memref<64x1024xf16, #tpu.memory_space<vmem>>, vector<2x16xf16>,
        %get3A_324 = arith.constant 0 : index
        %get3A_325 = arith.constant 272 : index
        %get3A_326 = tpu.vector_load %arg8[%get3A_324, %get3A_325] {strides = array<i32>} : memref<2x1024xf16, #tpu.memory_space<vmem>>, vector<2x16xf16>,
        %get3A_327 = vector.shape_cast %get3A_326 : vector<2x16xf16> to vector<2x16xf16>
        %get3A_328 = arith.constant 0 : index
        %get3A_329 = arith.constant 272 : index
        %get3A_330 = tpu.vector_load %arg7[%get3A_328, %get3A_329] {strides = array<i32>} : memref<2x1024xf16, #tpu.memory_space<vmem>>, vector<2x16xf16>,
        %get3A_331 = vector.shape_cast %get3A_330 : vector<2x16xf16> to vector<2x16xf16>
        %select_n3A_332 = arith.select %ne3A, %get3A_327, %get3A_331 : vector<2x16xi1>, vector<2x16xf16>
        %mul3A_333 = arith.constant 2 : i32
        %mul3A_334 = arith.muli %mul3A_333, %scan3A_44 : i32
        %swap3A_335 = arith.index_cast %mul3A_334 : i32 to index
        %swap3A_336 = arith.constant 272 : index
        %swap3A_337 = tpu.vector_load %arg10[%swap3A_335, %swap3A_336] {strides = array<i32>} : memref<64x1024xf16, #tpu.memory_space<vmem>>, vector<2x16xf16>,
        %swap3A_338 = vector.shape_cast %swap3A_337 : vector<2x16xf16> to vector<2x16xf16>
        %swap3A_339 = vector.shape_cast %select_n3A_332 : vector<2x16xf16> to vector<2x16xf16>
        tpu.vector_store %arg10[%swap3A_335, %swap3A_336], %swap3A_339 {strides = array<i32>} : memref<64x1024xf16, #tpu.memory_space<vmem>>, vector<2x16xf16>,
        %get3A_340 = arith.constant 0 : index
        %get3A_341 = arith.constant 288 : index
        %get3A_342 = tpu.vector_load %arg8[%get3A_340, %get3A_341] {strides = array<i32>} : memref<2x1024xf16, #tpu.memory_space<vmem>>, vector<2x16xf16>,
        %get3A_343 = vector.shape_cast %get3A_342 : vector<2x16xf16> to vector<2x16xf16>
        %get3A_344 = arith.constant 0 : index
        %get3A_345 = arith.constant 288 : index
        %get3A_346 = tpu.vector_load %arg7[%get3A_344, %get3A_345] {strides = array<i32>} : memref<2x1024xf16, #tpu.memory_space<vmem>>, vector<2x16xf16>,
        %get3A_347 = vector.shape_cast %get3A_346 : vector<2x16xf16> to vector<2x16xf16>
        %select_n3A_348 = arith.select %ne3A, %get3A_343, %get3A_347 : vector<2x16xi1>, vector<2x16xf16>
        %mul3A_349 = arith.constant 2 : i32
        %mul3A_350 = arith.muli %mul3A_349, %scan3A_44 : i32
        %swap3A_351 = arith.index_cast %mul3A_350 : i32 to index
        %swap3A_352 = arith.constant 288 : index
        %swap3A_353 = tpu.vector_load %arg10[%swap3A_351, %swap3A_352] {strides = array<i32>} : memref<64x1024xf16, #tpu.memory_space<vmem>>, vector<2x16xf16>,
        %swap3A_354 = vector.shape_cast %swap3A_353 : vector<2x16xf16> to vector<2x16xf16>
        %swap3A_355 = vector.shape_cast %select_n3A_348 : vector<2x16xf16> to vector<2x16xf16>
        tpu.vector_store %arg10[%swap3A_351, %swap3A_352], %swap3A_355 {strides = array<i32>} : memref<64x1024xf16, #tpu.memory_space<vmem>>, vector<2x16xf16>,
        %get3A_356 = arith.constant 0 : index
        %get3A_357 = arith.constant 304 : index
        %get3A_358 = tpu.vector_load %arg8[%get3A_356, %get3A_357] {strides = array<i32>} : memref<2x1024xf16, #tpu.memory_space<vmem>>, vector<2x16xf16>,
        %get3A_359 = vector.shape_cast %get3A_358 : vector<2x16xf16> to vector<2x16xf16>
        %get3A_360 = arith.constant 0 : index
        %get3A_361 = arith.constant 304 : index
        %get3A_362 = tpu.vector_load %arg7[%get3A_360, %get3A_361] {strides = array<i32>} : memref<2x1024xf16, #tpu.memory_space<vmem>>, vector<2x16xf16>,
        %get3A_363 = vector.shape_cast %get3A_362 : vector<2x16xf16> to vector<2x16xf16>
        %select_n3A_364 = arith.select %ne3A, %get3A_359, %get3A_363 : vector<2x16xi1>, vector<2x16xf16>
        %mul3A_365 = arith.constant 2 : i32
        %mul3A_366 = arith.muli %mul3A_365, %scan3A_44 : i32
        %swap3A_367 = arith.index_cast %mul3A_366 : i32 to index
        %swap3A_368 = arith.constant 304 : index
        %swap3A_369 = tpu.vector_load %arg10[%swap3A_367, %swap3A_368] {strides = array<i32>} : memref<64x1024xf16, #tpu.memory_space<vmem>>, vector<2x16xf16>,
        %swap3A_370 = vector.shape_cast %swap3A_369 : vector<2x16xf16> to vector<2x16xf16>
        %swap3A_371 = vector.shape_cast %select_n3A_364 : vector<2x16xf16> to vector<2x16xf16>
        tpu.vector_store %arg10[%swap3A_367, %swap3A_368], %swap3A_371 {strides = array<i32>} : memref<64x1024xf16, #tpu.memory_space<vmem>>, vector<2x16xf16>,
        %get3A_372 = arith.constant 0 : index
        %get3A_373 = arith.constant 320 : index
        %get3A_374 = tpu.vector_load %arg8[%get3A_372, %get3A_373] {strides = array<i32>} : memref<2x1024xf16, #tpu.memory_space<vmem>>, vector<2x16xf16>,
        %get3A_375 = vector.shape_cast %get3A_374 : vector<2x16xf16> to vector<2x16xf16>
        %get3A_376 = arith.constant 0 : index
        %get3A_377 = arith.constant 320 : index
        %get3A_378 = tpu.vector_load %arg7[%get3A_376, %get3A_377] {strides = array<i32>} : memref<2x1024xf16, #tpu.memory_space<vmem>>, vector<2x16xf16>,
        %get3A_379 = vector.shape_cast %get3A_378 : vector<2x16xf16> to vector<2x16xf16>
        %select_n3A_380 = arith.select %ne3A, %get3A_375, %get3A_379 : vector<2x16xi1>, vector<2x16xf16>
        %mul3A_381 = arith.constant 2 : i32
        %mul3A_382 = arith.muli %mul3A_381, %scan3A_44 : i32
        %swap3A_383 = arith.index_cast %mul3A_382 : i32 to index
        %swap3A_384 = arith.constant 320 : index
        %swap3A_385 = tpu.vector_load %arg10[%swap3A_383, %swap3A_384] {strides = array<i32>} : memref<64x1024xf16, #tpu.memory_space<vmem>>, vector<2x16xf16>,
        %swap3A_386 = vector.shape_cast %swap3A_385 : vector<2x16xf16> to vector<2x16xf16>
        %swap3A_387 = vector.shape_cast %select_n3A_380 : vector<2x16xf16> to vector<2x16xf16>
        tpu.vector_store %arg10[%swap3A_383, %swap3A_384], %swap3A_387 {strides = array<i32>} : memref<64x1024xf16, #tpu.memory_space<vmem>>, vector<2x16xf16>,
        %get3A_388 = arith.constant 0 : index
        %get3A_389 = arith.constant 336 : index
        %get3A_390 = tpu.vector_load %arg8[%get3A_388, %get3A_389] {strides = array<i32>} : memref<2x1024xf16, #tpu.memory_space<vmem>>, vector<2x16xf16>,
        %get3A_391 = vector.shape_cast %get3A_390 : vector<2x16xf16> to vector<2x16xf16>
        %get3A_392 = arith.constant 0 : index
        %get3A_393 = arith.constant 336 : index
        %get3A_394 = tpu.vector_load %arg7[%get3A_392, %get3A_393] {strides = array<i32>} : memref<2x1024xf16, #tpu.memory_space<vmem>>, vector<2x16xf16>,
        %get3A_395 = vector.shape_cast %get3A_394 : vector<2x16xf16> to vector<2x16xf16>
        %select_n3A_396 = arith.select %ne3A, %get3A_391, %get3A_395 : vector<2x16xi1>, vector<2x16xf16>
        %mul3A_397 = arith.constant 2 : i32
        %mul3A_398 = arith.muli %mul3A_397, %scan3A_44 : i32
        %swap3A_399 = arith.index_cast %mul3A_398 : i32 to index
        %swap3A_400 = arith.constant 336 : index
        %swap3A_401 = tpu.vector_load %arg10[%swap3A_399, %swap3A_400] {strides = array<i32>} : memref<64x1024xf16, #tpu.memory_space<vmem>>, vector<2x16xf16>,
        %swap3A_402 = vector.shape_cast %swap3A_401 : vector<2x16xf16> to vector<2x16xf16>
        %swap3A_403 = vector.shape_cast %select_n3A_396 : vector<2x16xf16> to vector<2x16xf16>
        tpu.vector_store %arg10[%swap3A_399, %swap3A_400], %swap3A_403 {strides = array<i32>} : memref<64x1024xf16, #tpu.memory_space<vmem>>, vector<2x16xf16>,
        %get3A_404 = arith.constant 0 : index
        %get3A_405 = arith.constant 352 : index
        %get3A_406 = tpu.vector_load %arg8[%get3A_404, %get3A_405] {strides = array<i32>} : memref<2x1024xf16, #tpu.memory_space<vmem>>, vector<2x16xf16>,
        %get3A_407 = vector.shape_cast %get3A_406 : vector<2x16xf16> to vector<2x16xf16>
        %get3A_408 = arith.constant 0 : index
        %get3A_409 = arith.constant 352 : index
        %get3A_410 = tpu.vector_load %arg7[%get3A_408, %get3A_409] {strides = array<i32>} : memref<2x1024xf16, #tpu.memory_space<vmem>>, vector<2x16xf16>,
        %get3A_411 = vector.shape_cast %get3A_410 : vector<2x16xf16> to vector<2x16xf16>
        %select_n3A_412 = arith.select %ne3A, %get3A_407, %get3A_411 : vector<2x16xi1>, vector<2x16xf16>
        %mul3A_413 = arith.constant 2 : i32
        %mul3A_414 = arith.muli %mul3A_413, %scan3A_44 : i32
        %swap3A_415 = arith.index_cast %mul3A_414 : i32 to index
        %swap3A_416 = arith.constant 352 : index
        %swap3A_417 = tpu.vector_load %arg10[%swap3A_415, %swap3A_416] {strides = array<i32>} : memref<64x1024xf16, #tpu.memory_space<vmem>>, vector<2x16xf16>,
        %swap3A_418 = vector.shape_cast %swap3A_417 : vector<2x16xf16> to vector<2x16xf16>
        %swap3A_419 = vector.shape_cast %select_n3A_412 : vector<2x16xf16> to vector<2x16xf16>
        tpu.vector_store %arg10[%swap3A_415, %swap3A_416], %swap3A_419 {strides = array<i32>} : memref<64x1024xf16, #tpu.memory_space<vmem>>, vector<2x16xf16>,
        %get3A_420 = arith.constant 0 : index
        %get3A_421 = arith.constant 368 : index
        %get3A_422 = tpu.vector_load %arg8[%get3A_420, %get3A_421] {strides = array<i32>} : memref<2x1024xf16, #tpu.memory_space<vmem>>, vector<2x16xf16>,
        %get3A_423 = vector.shape_cast %get3A_422 : vector<2x16xf16> to vector<2x16xf16>
        %get3A_424 = arith.constant 0 : index
        %get3A_425 = arith.constant 368 : index
        %get3A_426 = tpu.vector_load %arg7[%get3A_424, %get3A_425] {strides = array<i32>} : memref<2x1024xf16, #tpu.memory_space<vmem>>, vector<2x16xf16>,
        %get3A_427 = vector.shape_cast %get3A_426 : vector<2x16xf16> to vector<2x16xf16>
        %select_n3A_428 = arith.select %ne3A, %get3A_423, %get3A_427 : vector<2x16xi1>, vector<2x16xf16>
        %mul3A_429 = arith.constant 2 : i32
        %mul3A_430 = arith.muli %mul3A_429, %scan3A_44 : i32
        %swap3A_431 = arith.index_cast %mul3A_430 : i32 to index
        %swap3A_432 = arith.constant 368 : index
        %swap3A_433 = tpu.vector_load %arg10[%swap3A_431, %swap3A_432] {strides = array<i32>} : memref<64x1024xf16, #tpu.memory_space<vmem>>, vector<2x16xf16>,
        %swap3A_434 = vector.shape_cast %swap3A_433 : vector<2x16xf16> to vector<2x16xf16>
        %swap3A_435 = vector.shape_cast %select_n3A_428 : vector<2x16xf16> to vector<2x16xf16>
        tpu.vector_store %arg10[%swap3A_431, %swap3A_432], %swap3A_435 {strides = array<i32>} : memref<64x1024xf16, #tpu.memory_space<vmem>>, vector<2x16xf16>,
        %get3A_436 = arith.constant 0 : index
        %get3A_437 = arith.constant 384 : index
        %get3A_438 = tpu.vector_load %arg8[%get3A_436, %get3A_437] {strides = array<i32>} : memref<2x1024xf16, #tpu.memory_space<vmem>>, vector<2x16xf16>,
        %get3A_439 = vector.shape_cast %get3A_438 : vector<2x16xf16> to vector<2x16xf16>
        %get3A_440 = arith.constant 0 : index
        %get3A_441 = arith.constant 384 : index
        %get3A_442 = tpu.vector_load %arg7[%get3A_440, %get3A_441] {strides = array<i32>} : memref<2x1024xf16, #tpu.memory_space<vmem>>, vector<2x16xf16>,
        %get3A_443 = vector.shape_cast %get3A_442 : vector<2x16xf16> to vector<2x16xf16>
        %select_n3A_444 = arith.select %ne3A, %get3A_439, %get3A_443 : vector<2x16xi1>, vector<2x16xf16>
        %mul3A_445 = arith.constant 2 : i32
        %mul3A_446 = arith.muli %mul3A_445, %scan3A_44 : i32
        %swap3A_447 = arith.index_cast %mul3A_446 : i32 to index
        %swap3A_448 = arith.constant 384 : index
        %swap3A_449 = tpu.vector_load %arg10[%swap3A_447, %swap3A_448] {strides = array<i32>} : memref<64x1024xf16, #tpu.memory_space<vmem>>, vector<2x16xf16>,
        %swap3A_450 = vector.shape_cast %swap3A_449 : vector<2x16xf16> to vector<2x16xf16>
        %swap3A_451 = vector.shape_cast %select_n3A_444 : vector<2x16xf16> to vector<2x16xf16>
        tpu.vector_store %arg10[%swap3A_447, %swap3A_448], %swap3A_451 {strides = array<i32>} : memref<64x1024xf16, #tpu.memory_space<vmem>>, vector<2x16xf16>,
        %get3A_452 = arith.constant 0 : index
        %get3A_453 = arith.constant 400 : index
        %get3A_454 = tpu.vector_load %arg8[%get3A_452, %get3A_453] {strides = array<i32>} : memref<2x1024xf16, #tpu.memory_space<vmem>>, vector<2x16xf16>,
        %get3A_455 = vector.shape_cast %get3A_454 : vector<2x16xf16> to vector<2x16xf16>
        %get3A_456 = arith.constant 0 : index
        %get3A_457 = arith.constant 400 : index
        %get3A_458 = tpu.vector_load %arg7[%get3A_456, %get3A_457] {strides = array<i32>} : memref<2x1024xf16, #tpu.memory_space<vmem>>, vector<2x16xf16>,
        %get3A_459 = vector.shape_cast %get3A_458 : vector<2x16xf16> to vector<2x16xf16>
        %select_n3A_460 = arith.select %ne3A, %get3A_455, %get3A_459 : vector<2x16xi1>, vector<2x16xf16>
        %mul3A_461 = arith.constant 2 : i32
        %mul3A_462 = arith.muli %mul3A_461, %scan3A_44 : i32
        %swap3A_463 = arith.index_cast %mul3A_462 : i32 to index
        %swap3A_464 = arith.constant 400 : index
        %swap3A_465 = tpu.vector_load %arg10[%swap3A_463, %swap3A_464] {strides = array<i32>} : memref<64x1024xf16, #tpu.memory_space<vmem>>, vector<2x16xf16>,
        %swap3A_466 = vector.shape_cast %swap3A_465 : vector<2x16xf16> to vector<2x16xf16>
        %swap3A_467 = vector.shape_cast %select_n3A_460 : vector<2x16xf16> to vector<2x16xf16>
        tpu.vector_store %arg10[%swap3A_463, %swap3A_464], %swap3A_467 {strides = array<i32>} : memref<64x1024xf16, #tpu.memory_space<vmem>>, vector<2x16xf16>,
        %get3A_468 = arith.constant 0 : index
        %get3A_469 = arith.constant 416 : index
        %get3A_470 = tpu.vector_load %arg8[%get3A_468, %get3A_469] {strides = array<i32>} : memref<2x1024xf16, #tpu.memory_space<vmem>>, vector<2x16xf16>,
        %get3A_471 = vector.shape_cast %get3A_470 : vector<2x16xf16> to vector<2x16xf16>
        %get3A_472 = arith.constant 0 : index
        %get3A_473 = arith.constant 416 : index
        %get3A_474 = tpu.vector_load %arg7[%get3A_472, %get3A_473] {strides = array<i32>} : memref<2x1024xf16, #tpu.memory_space<vmem>>, vector<2x16xf16>,
        %get3A_475 = vector.shape_cast %get3A_474 : vector<2x16xf16> to vector<2x16xf16>
        %select_n3A_476 = arith.select %ne3A, %get3A_471, %get3A_475 : vector<2x16xi1>, vector<2x16xf16>
        %mul3A_477 = arith.constant 2 : i32
        %mul3A_478 = arith.muli %mul3A_477, %scan3A_44 : i32
        %swap3A_479 = arith.index_cast %mul3A_478 : i32 to index
        %swap3A_480 = arith.constant 416 : index
        %swap3A_481 = tpu.vector_load %arg10[%swap3A_479, %swap3A_480] {strides = array<i32>} : memref<64x1024xf16, #tpu.memory_space<vmem>>, vector<2x16xf16>,
        %swap3A_482 = vector.shape_cast %swap3A_481 : vector<2x16xf16> to vector<2x16xf16>
        %swap3A_483 = vector.shape_cast %select_n3A_476 : vector<2x16xf16> to vector<2x16xf16>
        tpu.vector_store %arg10[%swap3A_479, %swap3A_480], %swap3A_483 {strides = array<i32>} : memref<64x1024xf16, #tpu.memory_space<vmem>>, vector<2x16xf16>,
        %get3A_484 = arith.constant 0 : index
        %get3A_485 = arith.constant 432 : index
        %get3A_486 = tpu.vector_load %arg8[%get3A_484, %get3A_485] {strides = array<i32>} : memref<2x1024xf16, #tpu.memory_space<vmem>>, vector<2x16xf16>,
        %get3A_487 = vector.shape_cast %get3A_486 : vector<2x16xf16> to vector<2x16xf16>
        %get3A_488 = arith.constant 0 : index
        %get3A_489 = arith.constant 432 : index
        %get3A_490 = tpu.vector_load %arg7[%get3A_488, %get3A_489] {strides = array<i32>} : memref<2x1024xf16, #tpu.memory_space<vmem>>, vector<2x16xf16>,
        %get3A_491 = vector.shape_cast %get3A_490 : vector<2x16xf16> to vector<2x16xf16>
        %select_n3A_492 = arith.select %ne3A, %get3A_487, %get3A_491 : vector<2x16xi1>, vector<2x16xf16>
        %mul3A_493 = arith.constant 2 : i32
        %mul3A_494 = arith.muli %mul3A_493, %scan3A_44 : i32
        %swap3A_495 = arith.index_cast %mul3A_494 : i32 to index
        %swap3A_496 = arith.constant 432 : index
        %swap3A_497 = tpu.vector_load %arg10[%swap3A_495, %swap3A_496] {strides = array<i32>} : memref<64x1024xf16, #tpu.memory_space<vmem>>, vector<2x16xf16>,
        %swap3A_498 = vector.shape_cast %swap3A_497 : vector<2x16xf16> to vector<2x16xf16>
        %swap3A_499 = vector.shape_cast %select_n3A_492 : vector<2x16xf16> to vector<2x16xf16>
        tpu.vector_store %arg10[%swap3A_495, %swap3A_496], %swap3A_499 {strides = array<i32>} : memref<64x1024xf16, #tpu.memory_space<vmem>>, vector<2x16xf16>,
        %get3A_500 = arith.constant 0 : index
        %get3A_501 = arith.constant 448 : index
        %get3A_502 = tpu.vector_load %arg8[%get3A_500, %get3A_501] {strides = array<i32>} : memref<2x1024xf16, #tpu.memory_space<vmem>>, vector<2x16xf16>,
        %get3A_503 = vector.shape_cast %get3A_502 : vector<2x16xf16> to vector<2x16xf16>
        %get3A_504 = arith.constant 0 : index
        %get3A_505 = arith.constant 448 : index
        %get3A_506 = tpu.vector_load %arg7[%get3A_504, %get3A_505] {strides = array<i32>} : memref<2x1024xf16, #tpu.memory_space<vmem>>, vector<2x16xf16>,
        %get3A_507 = vector.shape_cast %get3A_506 : vector<2x16xf16> to vector<2x16xf16>
        %select_n3A_508 = arith.select %ne3A, %get3A_503, %get3A_507 : vector<2x16xi1>, vector<2x16xf16>
        %mul3A_509 = arith.constant 2 : i32
        %mul3A_510 = arith.muli %mul3A_509, %scan3A_44 : i32
        %swap3A_511 = arith.index_cast %mul3A_510 : i32 to index
        %swap3A_512 = arith.constant 448 : index
        %swap3A_513 = tpu.vector_load %arg10[%swap3A_511, %swap3A_512] {strides = array<i32>} : memref<64x1024xf16, #tpu.memory_space<vmem>>, vector<2x16xf16>,
        %swap3A_514 = vector.shape_cast %swap3A_513 : vector<2x16xf16> to vector<2x16xf16>
        %swap3A_515 = vector.shape_cast %select_n3A_508 : vector<2x16xf16> to vector<2x16xf16>
        tpu.vector_store %arg10[%swap3A_511, %swap3A_512], %swap3A_515 {strides = array<i32>} : memref<64x1024xf16, #tpu.memory_space<vmem>>, vector<2x16xf16>,
        %get3A_516 = arith.constant 0 : index
        %get3A_517 = arith.constant 464 : index
        %get3A_518 = tpu.vector_load %arg8[%get3A_516, %get3A_517] {strides = array<i32>} : memref<2x1024xf16, #tpu.memory_space<vmem>>, vector<2x16xf16>,
        %get3A_519 = vector.shape_cast %get3A_518 : vector<2x16xf16> to vector<2x16xf16>
        %get3A_520 = arith.constant 0 : index
        %get3A_521 = arith.constant 464 : index
        %get3A_522 = tpu.vector_load %arg7[%get3A_520, %get3A_521] {strides = array<i32>} : memref<2x1024xf16, #tpu.memory_space<vmem>>, vector<2x16xf16>,
        %get3A_523 = vector.shape_cast %get3A_522 : vector<2x16xf16> to vector<2x16xf16>
        %select_n3A_524 = arith.select %ne3A, %get3A_519, %get3A_523 : vector<2x16xi1>, vector<2x16xf16>
        %mul3A_525 = arith.constant 2 : i32
        %mul3A_526 = arith.muli %mul3A_525, %scan3A_44 : i32
        %swap3A_527 = arith.index_cast %mul3A_526 : i32 to index
        %swap3A_528 = arith.constant 464 : index
        %swap3A_529 = tpu.vector_load %arg10[%swap3A_527, %swap3A_528] {strides = array<i32>} : memref<64x1024xf16, #tpu.memory_space<vmem>>, vector<2x16xf16>,
        %swap3A_530 = vector.shape_cast %swap3A_529 : vector<2x16xf16> to vector<2x16xf16>
        %swap3A_531 = vector.shape_cast %select_n3A_524 : vector<2x16xf16> to vector<2x16xf16>
        tpu.vector_store %arg10[%swap3A_527, %swap3A_528], %swap3A_531 {strides = array<i32>} : memref<64x1024xf16, #tpu.memory_space<vmem>>, vector<2x16xf16>,
        %get3A_532 = arith.constant 0 : index
        %get3A_533 = arith.constant 480 : index
        %get3A_534 = tpu.vector_load %arg8[%get3A_532, %get3A_533] {strides = array<i32>} : memref<2x1024xf16, #tpu.memory_space<vmem>>, vector<2x16xf16>,
        %get3A_535 = vector.shape_cast %get3A_534 : vector<2x16xf16> to vector<2x16xf16>
        %get3A_536 = arith.constant 0 : index
        %get3A_537 = arith.constant 480 : index
        %get3A_538 = tpu.vector_load %arg7[%get3A_536, %get3A_537] {strides = array<i32>} : memref<2x1024xf16, #tpu.memory_space<vmem>>, vector<2x16xf16>,
        %get3A_539 = vector.shape_cast %get3A_538 : vector<2x16xf16> to vector<2x16xf16>
        %select_n3A_540 = arith.select %ne3A, %get3A_535, %get3A_539 : vector<2x16xi1>, vector<2x16xf16>
        %mul3A_541 = arith.constant 2 : i32
        %mul3A_542 = arith.muli %mul3A_541, %scan3A_44 : i32
        %swap3A_543 = arith.index_cast %mul3A_542 : i32 to index
        %swap3A_544 = arith.constant 480 : index
        %swap3A_545 = tpu.vector_load %arg10[%swap3A_543, %swap3A_544] {strides = array<i32>} : memref<64x1024xf16, #tpu.memory_space<vmem>>, vector<2x16xf16>,
        %swap3A_546 = vector.shape_cast %swap3A_545 : vector<2x16xf16> to vector<2x16xf16>
        %swap3A_547 = vector.shape_cast %select_n3A_540 : vector<2x16xf16> to vector<2x16xf16>
        tpu.vector_store %arg10[%swap3A_543, %swap3A_544], %swap3A_547 {strides = array<i32>} : memref<64x1024xf16, #tpu.memory_space<vmem>>, vector<2x16xf16>,
        %get3A_548 = arith.constant 0 : index
        %get3A_549 = arith.constant 496 : index
        %get3A_550 = tpu.vector_load %arg8[%get3A_548, %get3A_549] {strides = array<i32>} : memref<2x1024xf16, #tpu.memory_space<vmem>>, vector<2x16xf16>,
        %get3A_551 = vector.shape_cast %get3A_550 : vector<2x16xf16> to vector<2x16xf16>
        %get3A_552 = arith.constant 0 : index
        %get3A_553 = arith.constant 496 : index
        %get3A_554 = tpu.vector_load %arg7[%get3A_552, %get3A_553] {strides = array<i32>} : memref<2x1024xf16, #tpu.memory_space<vmem>>, vector<2x16xf16>,
        %get3A_555 = vector.shape_cast %get3A_554 : vector<2x16xf16> to vector<2x16xf16>
        %select_n3A_556 = arith.select %ne3A, %get3A_551, %get3A_555 : vector<2x16xi1>, vector<2x16xf16>
        %mul3A_557 = arith.constant 2 : i32
        %mul3A_558 = arith.muli %mul3A_557, %scan3A_44 : i32
        %swap3A_559 = arith.index_cast %mul3A_558 : i32 to index
        %swap3A_560 = arith.constant 496 : index
        %swap3A_561 = tpu.vector_load %arg10[%swap3A_559, %swap3A_560] {strides = array<i32>} : memref<64x1024xf16, #tpu.memory_space<vmem>>, vector<2x16xf16>,
        %swap3A_562 = vector.shape_cast %swap3A_561 : vector<2x16xf16> to vector<2x16xf16>
        %swap3A_563 = vector.shape_cast %select_n3A_556 : vector<2x16xf16> to vector<2x16xf16>
        tpu.vector_store %arg10[%swap3A_559, %swap3A_560], %swap3A_563 {strides = array<i32>} : memref<64x1024xf16, #tpu.memory_space<vmem>>, vector<2x16xf16>,
        %get3A_564 = arith.constant 0 : index
        %get3A_565 = arith.constant 512 : index
        %get3A_566 = tpu.vector_load %arg8[%get3A_564, %get3A_565] {strides = array<i32>} : memref<2x1024xf16, #tpu.memory_space<vmem>>, vector<2x16xf16>,
        %get3A_567 = vector.shape_cast %get3A_566 : vector<2x16xf16> to vector<2x16xf16>
        %get3A_568 = arith.constant 0 : index
        %get3A_569 = arith.constant 512 : index
        %get3A_570 = tpu.vector_load %arg7[%get3A_568, %get3A_569] {strides = array<i32>} : memref<2x1024xf16, #tpu.memory_space<vmem>>, vector<2x16xf16>,
        %get3A_571 = vector.shape_cast %get3A_570 : vector<2x16xf16> to vector<2x16xf16>
        %select_n3A_572 = arith.select %ne3A, %get3A_567, %get3A_571 : vector<2x16xi1>, vector<2x16xf16>
        %mul3A_573 = arith.constant 2 : i32
        %mul3A_574 = arith.muli %mul3A_573, %scan3A_44 : i32
        %swap3A_575 = arith.index_cast %mul3A_574 : i32 to index
        %swap3A_576 = arith.constant 512 : index
        %swap3A_577 = tpu.vector_load %arg10[%swap3A_575, %swap3A_576] {strides = array<i32>} : memref<64x1024xf16, #tpu.memory_space<vmem>>, vector<2x16xf16>,
        %swap3A_578 = vector.shape_cast %swap3A_577 : vector<2x16xf16> to vector<2x16xf16>
        %swap3A_579 = vector.shape_cast %select_n3A_572 : vector<2x16xf16> to vector<2x16xf16>
        tpu.vector_store %arg10[%swap3A_575, %swap3A_576], %swap3A_579 {strides = array<i32>} : memref<64x1024xf16, #tpu.memory_space<vmem>>, vector<2x16xf16>,
        %get3A_580 = arith.constant 0 : index
        %get3A_581 = arith.constant 528 : index
        %get3A_582 = tpu.vector_load %arg8[%get3A_580, %get3A_581] {strides = array<i32>} : memref<2x1024xf16, #tpu.memory_space<vmem>>, vector<2x16xf16>,
        %get3A_583 = vector.shape_cast %get3A_582 : vector<2x16xf16> to vector<2x16xf16>
        %get3A_584 = arith.constant 0 : index
        %get3A_585 = arith.constant 528 : index
        %get3A_586 = tpu.vector_load %arg7[%get3A_584, %get3A_585] {strides = array<i32>} : memref<2x1024xf16, #tpu.memory_space<vmem>>, vector<2x16xf16>,
        %get3A_587 = vector.shape_cast %get3A_586 : vector<2x16xf16> to vector<2x16xf16>
        %select_n3A_588 = arith.select %ne3A, %get3A_583, %get3A_587 : vector<2x16xi1>, vector<2x16xf16>
        %mul3A_589 = arith.constant 2 : i32
        %mul3A_590 = arith.muli %mul3A_589, %scan3A_44 : i32
        %swap3A_591 = arith.index_cast %mul3A_590 : i32 to index
        %swap3A_592 = arith.constant 528 : index
        %swap3A_593 = tpu.vector_load %arg10[%swap3A_591, %swap3A_592] {strides = array<i32>} : memref<64x1024xf16, #tpu.memory_space<vmem>>, vector<2x16xf16>,
        %swap3A_594 = vector.shape_cast %swap3A_593 : vector<2x16xf16> to vector<2x16xf16>
        %swap3A_595 = vector.shape_cast %select_n3A_588 : vector<2x16xf16> to vector<2x16xf16>
        tpu.vector_store %arg10[%swap3A_591, %swap3A_592], %swap3A_595 {strides = array<i32>} : memref<64x1024xf16, #tpu.memory_space<vmem>>, vector<2x16xf16>,
        %get3A_596 = arith.constant 0 : index
        %get3A_597 = arith.constant 544 : index
        %get3A_598 = tpu.vector_load %arg8[%get3A_596, %get3A_597] {strides = array<i32>} : memref<2x1024xf16, #tpu.memory_space<vmem>>, vector<2x16xf16>,
        %get3A_599 = vector.shape_cast %get3A_598 : vector<2x16xf16> to vector<2x16xf16>
        %get3A_600 = arith.constant 0 : index
        %get3A_601 = arith.constant 544 : index
        %get3A_602 = tpu.vector_load %arg7[%get3A_600, %get3A_601] {strides = array<i32>} : memref<2x1024xf16, #tpu.memory_space<vmem>>, vector<2x16xf16>,
        %get3A_603 = vector.shape_cast %get3A_602 : vector<2x16xf16> to vector<2x16xf16>
        %select_n3A_604 = arith.select %ne3A, %get3A_599, %get3A_603 : vector<2x16xi1>, vector<2x16xf16>
        %mul3A_605 = arith.constant 2 : i32
        %mul3A_606 = arith.muli %mul3A_605, %scan3A_44 : i32
        %swap3A_607 = arith.index_cast %mul3A_606 : i32 to index
        %swap3A_608 = arith.constant 544 : index
        %swap3A_609 = tpu.vector_load %arg10[%swap3A_607, %swap3A_608] {strides = array<i32>} : memref<64x1024xf16, #tpu.memory_space<vmem>>, vector<2x16xf16>,
        %swap3A_610 = vector.shape_cast %swap3A_609 : vector<2x16xf16> to vector<2x16xf16>
        %swap3A_611 = vector.shape_cast %select_n3A_604 : vector<2x16xf16> to vector<2x16xf16>
        tpu.vector_store %arg10[%swap3A_607, %swap3A_608], %swap3A_611 {strides = array<i32>} : memref<64x1024xf16, #tpu.memory_space<vmem>>, vector<2x16xf16>,
        %get3A_612 = arith.constant 0 : index
        %get3A_613 = arith.constant 560 : index
        %get3A_614 = tpu.vector_load %arg8[%get3A_612, %get3A_613] {strides = array<i32>} : memref<2x1024xf16, #tpu.memory_space<vmem>>, vector<2x16xf16>,
        %get3A_615 = vector.shape_cast %get3A_614 : vector<2x16xf16> to vector<2x16xf16>
        %get3A_616 = arith.constant 0 : index
        %get3A_617 = arith.constant 560 : index
        %get3A_618 = tpu.vector_load %arg7[%get3A_616, %get3A_617] {strides = array<i32>} : memref<2x1024xf16, #tpu.memory_space<vmem>>, vector<2x16xf16>,
        %get3A_619 = vector.shape_cast %get3A_618 : vector<2x16xf16> to vector<2x16xf16>
        %select_n3A_620 = arith.select %ne3A, %get3A_615, %get3A_619 : vector<2x16xi1>, vector<2x16xf16>
        %mul3A_621 = arith.constant 2 : i32
        %mul3A_622 = arith.muli %mul3A_621, %scan3A_44 : i32
        %swap3A_623 = arith.index_cast %mul3A_622 : i32 to index
        %swap3A_624 = arith.constant 560 : index
        %swap3A_625 = tpu.vector_load %arg10[%swap3A_623, %swap3A_624] {strides = array<i32>} : memref<64x1024xf16, #tpu.memory_space<vmem>>, vector<2x16xf16>,
        %swap3A_626 = vector.shape_cast %swap3A_625 : vector<2x16xf16> to vector<2x16xf16>
        %swap3A_627 = vector.shape_cast %select_n3A_620 : vector<2x16xf16> to vector<2x16xf16>
        tpu.vector_store %arg10[%swap3A_623, %swap3A_624], %swap3A_627 {strides = array<i32>} : memref<64x1024xf16, #tpu.memory_space<vmem>>, vector<2x16xf16>,
        %get3A_628 = arith.constant 0 : index
        %get3A_629 = arith.constant 576 : index
        %get3A_630 = tpu.vector_load %arg8[%get3A_628, %get3A_629] {strides = array<i32>} : memref<2x1024xf16, #tpu.memory_space<vmem>>, vector<2x16xf16>,
        %get3A_631 = vector.shape_cast %get3A_630 : vector<2x16xf16> to vector<2x16xf16>
        %get3A_632 = arith.constant 0 : index
        %get3A_633 = arith.constant 576 : index
        %get3A_634 = tpu.vector_load %arg7[%get3A_632, %get3A_633] {strides = array<i32>} : memref<2x1024xf16, #tpu.memory_space<vmem>>, vector<2x16xf16>,
        %get3A_635 = vector.shape_cast %get3A_634 : vector<2x16xf16> to vector<2x16xf16>
        %select_n3A_636 = arith.select %ne3A, %get3A_631, %get3A_635 : vector<2x16xi1>, vector<2x16xf16>
        %mul3A_637 = arith.constant 2 : i32
        %mul3A_638 = arith.muli %mul3A_637, %scan3A_44 : i32
        %swap3A_639 = arith.index_cast %mul3A_638 : i32 to index
        %swap3A_640 = arith.constant 576 : index
        %swap3A_641 = tpu.vector_load %arg10[%swap3A_639, %swap3A_640] {strides = array<i32>} : memref<64x1024xf16, #tpu.memory_space<vmem>>, vector<2x16xf16>,
        %swap3A_642 = vector.shape_cast %swap3A_641 : vector<2x16xf16> to vector<2x16xf16>
        %swap3A_643 = vector.shape_cast %select_n3A_636 : vector<2x16xf16> to vector<2x16xf16>
        tpu.vector_store %arg10[%swap3A_639, %swap3A_640], %swap3A_643 {strides = array<i32>} : memref<64x1024xf16, #tpu.memory_space<vmem>>, vector<2x16xf16>,
        %get3A_644 = arith.constant 0 : index
        %get3A_645 = arith.constant 592 : index
        %get3A_646 = tpu.vector_load %arg8[%get3A_644, %get3A_645] {strides = array<i32>} : memref<2x1024xf16, #tpu.memory_space<vmem>>, vector<2x16xf16>,
        %get3A_647 = vector.shape_cast %get3A_646 : vector<2x16xf16> to vector<2x16xf16>
        %get3A_648 = arith.constant 0 : index
        %get3A_649 = arith.constant 592 : index
        %get3A_650 = tpu.vector_load %arg7[%get3A_648, %get3A_649] {strides = array<i32>} : memref<2x1024xf16, #tpu.memory_space<vmem>>, vector<2x16xf16>,
        %get3A_651 = vector.shape_cast %get3A_650 : vector<2x16xf16> to vector<2x16xf16>
        %select_n3A_652 = arith.select %ne3A, %get3A_647, %get3A_651 : vector<2x16xi1>, vector<2x16xf16>
        %mul3A_653 = arith.constant 2 : i32
        %mul3A_654 = arith.muli %mul3A_653, %scan3A_44 : i32
        %swap3A_655 = arith.index_cast %mul3A_654 : i32 to index
        %swap3A_656 = arith.constant 592 : index
        %swap3A_657 = tpu.vector_load %arg10[%swap3A_655, %swap3A_656] {strides = array<i32>} : memref<64x1024xf16, #tpu.memory_space<vmem>>, vector<2x16xf16>,
        %swap3A_658 = vector.shape_cast %swap3A_657 : vector<2x16xf16> to vector<2x16xf16>
        %swap3A_659 = vector.shape_cast %select_n3A_652 : vector<2x16xf16> to vector<2x16xf16>
        tpu.vector_store %arg10[%swap3A_655, %swap3A_656], %swap3A_659 {strides = array<i32>} : memref<64x1024xf16, #tpu.memory_space<vmem>>, vector<2x16xf16>,
        %get3A_660 = arith.constant 0 : index
        %get3A_661 = arith.constant 608 : index
        %get3A_662 = tpu.vector_load %arg8[%get3A_660, %get3A_661] {strides = array<i32>} : memref<2x1024xf16, #tpu.memory_space<vmem>>, vector<2x16xf16>,
        %get3A_663 = vector.shape_cast %get3A_662 : vector<2x16xf16> to vector<2x16xf16>
        %get3A_664 = arith.constant 0 : index
        %get3A_665 = arith.constant 608 : index
        %get3A_666 = tpu.vector_load %arg7[%get3A_664, %get3A_665] {strides = array<i32>} : memref<2x1024xf16, #tpu.memory_space<vmem>>, vector<2x16xf16>,
        %get3A_667 = vector.shape_cast %get3A_666 : vector<2x16xf16> to vector<2x16xf16>
        %select_n3A_668 = arith.select %ne3A, %get3A_663, %get3A_667 : vector<2x16xi1>, vector<2x16xf16>
        %mul3A_669 = arith.constant 2 : i32
        %mul3A_670 = arith.muli %mul3A_669, %scan3A_44 : i32
        %swap3A_671 = arith.index_cast %mul3A_670 : i32 to index
        %swap3A_672 = arith.constant 608 : index
        %swap3A_673 = tpu.vector_load %arg10[%swap3A_671, %swap3A_672] {strides = array<i32>} : memref<64x1024xf16, #tpu.memory_space<vmem>>, vector<2x16xf16>,
        %swap3A_674 = vector.shape_cast %swap3A_673 : vector<2x16xf16> to vector<2x16xf16>
        %swap3A_675 = vector.shape_cast %select_n3A_668 : vector<2x16xf16> to vector<2x16xf16>
        tpu.vector_store %arg10[%swap3A_671, %swap3A_672], %swap3A_675 {strides = array<i32>} : memref<64x1024xf16, #tpu.memory_space<vmem>>, vector<2x16xf16>,
        %get3A_676 = arith.constant 0 : index
        %get3A_677 = arith.constant 624 : index
        %get3A_678 = tpu.vector_load %arg8[%get3A_676, %get3A_677] {strides = array<i32>} : memref<2x1024xf16, #tpu.memory_space<vmem>>, vector<2x16xf16>,
        %get3A_679 = vector.shape_cast %get3A_678 : vector<2x16xf16> to vector<2x16xf16>
        %get3A_680 = arith.constant 0 : index
        %get3A_681 = arith.constant 624 : index
        %get3A_682 = tpu.vector_load %arg7[%get3A_680, %get3A_681] {strides = array<i32>} : memref<2x1024xf16, #tpu.memory_space<vmem>>, vector<2x16xf16>,
        %get3A_683 = vector.shape_cast %get3A_682 : vector<2x16xf16> to vector<2x16xf16>
        %select_n3A_684 = arith.select %ne3A, %get3A_679, %get3A_683 : vector<2x16xi1>, vector<2x16xf16>
        %mul3A_685 = arith.constant 2 : i32
        %mul3A_686 = arith.muli %mul3A_685, %scan3A_44 : i32
        %swap3A_687 = arith.index_cast %mul3A_686 : i32 to index
        %swap3A_688 = arith.constant 624 : index
        %swap3A_689 = tpu.vector_load %arg10[%swap3A_687, %swap3A_688] {strides = array<i32>} : memref<64x1024xf16, #tpu.memory_space<vmem>>, vector<2x16xf16>,
        %swap3A_690 = vector.shape_cast %swap3A_689 : vector<2x16xf16> to vector<2x16xf16>
        %swap3A_691 = vector.shape_cast %select_n3A_684 : vector<2x16xf16> to vector<2x16xf16>
        tpu.vector_store %arg10[%swap3A_687, %swap3A_688], %swap3A_691 {strides = array<i32>} : memref<64x1024xf16, #tpu.memory_space<vmem>>, vector<2x16xf16>,
        %get3A_692 = arith.constant 0 : index
        %get3A_693 = arith.constant 640 : index
        %get3A_694 = tpu.vector_load %arg8[%get3A_692, %get3A_693] {strides = array<i32>} : memref<2x1024xf16, #tpu.memory_space<vmem>>, vector<2x16xf16>,
        %get3A_695 = vector.shape_cast %get3A_694 : vector<2x16xf16> to vector<2x16xf16>
        %get3A_696 = arith.constant 0 : index
        %get3A_697 = arith.constant 640 : index
        %get3A_698 = tpu.vector_load %arg7[%get3A_696, %get3A_697] {strides = array<i32>} : memref<2x1024xf16, #tpu.memory_space<vmem>>, vector<2x16xf16>,
        %get3A_699 = vector.shape_cast %get3A_698 : vector<2x16xf16> to vector<2x16xf16>
        %select_n3A_700 = arith.select %ne3A, %get3A_695, %get3A_699 : vector<2x16xi1>, vector<2x16xf16>
        %mul3A_701 = arith.constant 2 : i32
        %mul3A_702 = arith.muli %mul3A_701, %scan3A_44 : i32
        %swap3A_703 = arith.index_cast %mul3A_702 : i32 to index
        %swap3A_704 = arith.constant 640 : index
        %swap3A_705 = tpu.vector_load %arg10[%swap3A_703, %swap3A_704] {strides = array<i32>} : memref<64x1024xf16, #tpu.memory_space<vmem>>, vector<2x16xf16>,
        %swap3A_706 = vector.shape_cast %swap3A_705 : vector<2x16xf16> to vector<2x16xf16>
        %swap3A_707 = vector.shape_cast %select_n3A_700 : vector<2x16xf16> to vector<2x16xf16>
        tpu.vector_store %arg10[%swap3A_703, %swap3A_704], %swap3A_707 {strides = array<i32>} : memref<64x1024xf16, #tpu.memory_space<vmem>>, vector<2x16xf16>,
        %get3A_708 = arith.constant 0 : index
        %get3A_709 = arith.constant 656 : index
        %get3A_710 = tpu.vector_load %arg8[%get3A_708, %get3A_709] {strides = array<i32>} : memref<2x1024xf16, #tpu.memory_space<vmem>>, vector<2x16xf16>,
        %get3A_711 = vector.shape_cast %get3A_710 : vector<2x16xf16> to vector<2x16xf16>
        %get3A_712 = arith.constant 0 : index
        %get3A_713 = arith.constant 656 : index
        %get3A_714 = tpu.vector_load %arg7[%get3A_712, %get3A_713] {strides = array<i32>} : memref<2x1024xf16, #tpu.memory_space<vmem>>, vector<2x16xf16>,
        %get3A_715 = vector.shape_cast %get3A_714 : vector<2x16xf16> to vector<2x16xf16>
        %select_n3A_716 = arith.select %ne3A, %get3A_711, %get3A_715 : vector<2x16xi1>, vector<2x16xf16>
        %mul3A_717 = arith.constant 2 : i32
        %mul3A_718 = arith.muli %mul3A_717, %scan3A_44 : i32
        %swap3A_719 = arith.index_cast %mul3A_718 : i32 to index
        %swap3A_720 = arith.constant 656 : index
        %swap3A_721 = tpu.vector_load %arg10[%swap3A_719, %swap3A_720] {strides = array<i32>} : memref<64x1024xf16, #tpu.memory_space<vmem>>, vector<2x16xf16>,
        %swap3A_722 = vector.shape_cast %swap3A_721 : vector<2x16xf16> to vector<2x16xf16>
        %swap3A_723 = vector.shape_cast %select_n3A_716 : vector<2x16xf16> to vector<2x16xf16>
        tpu.vector_store %arg10[%swap3A_719, %swap3A_720], %swap3A_723 {strides = array<i32>} : memref<64x1024xf16, #tpu.memory_space<vmem>>, vector<2x16xf16>,
        %get3A_724 = arith.constant 0 : index
        %get3A_725 = arith.constant 672 : index
        %get3A_726 = tpu.vector_load %arg8[%get3A_724, %get3A_725] {strides = array<i32>} : memref<2x1024xf16, #tpu.memory_space<vmem>>, vector<2x16xf16>,
        %get3A_727 = vector.shape_cast %get3A_726 : vector<2x16xf16> to vector<2x16xf16>
        %get3A_728 = arith.constant 0 : index
        %get3A_729 = arith.constant 672 : index
        %get3A_730 = tpu.vector_load %arg7[%get3A_728, %get3A_729] {strides = array<i32>} : memref<2x1024xf16, #tpu.memory_space<vmem>>, vector<2x16xf16>,
        %get3A_731 = vector.shape_cast %get3A_730 : vector<2x16xf16> to vector<2x16xf16>
        %select_n3A_732 = arith.select %ne3A, %get3A_727, %get3A_731 : vector<2x16xi1>, vector<2x16xf16>
        %mul3A_733 = arith.constant 2 : i32
        %mul3A_734 = arith.muli %mul3A_733, %scan3A_44 : i32
        %swap3A_735 = arith.index_cast %mul3A_734 : i32 to index
        %swap3A_736 = arith.constant 672 : index
        %swap3A_737 = tpu.vector_load %arg10[%swap3A_735, %swap3A_736] {strides = array<i32>} : memref<64x1024xf16, #tpu.memory_space<vmem>>, vector<2x16xf16>,
        %swap3A_738 = vector.shape_cast %swap3A_737 : vector<2x16xf16> to vector<2x16xf16>
        %swap3A_739 = vector.shape_cast %select_n3A_732 : vector<2x16xf16> to vector<2x16xf16>
        tpu.vector_store %arg10[%swap3A_735, %swap3A_736], %swap3A_739 {strides = array<i32>} : memref<64x1024xf16, #tpu.memory_space<vmem>>, vector<2x16xf16>,
        %get3A_740 = arith.constant 0 : index
        %get3A_741 = arith.constant 688 : index
        %get3A_742 = tpu.vector_load %arg8[%get3A_740, %get3A_741] {strides = array<i32>} : memref<2x1024xf16, #tpu.memory_space<vmem>>, vector<2x16xf16>,
        %get3A_743 = vector.shape_cast %get3A_742 : vector<2x16xf16> to vector<2x16xf16>
        %get3A_744 = arith.constant 0 : index
        %get3A_745 = arith.constant 688 : index
        %get3A_746 = tpu.vector_load %arg7[%get3A_744, %get3A_745] {strides = array<i32>} : memref<2x1024xf16, #tpu.memory_space<vmem>>, vector<2x16xf16>,
        %get3A_747 = vector.shape_cast %get3A_746 : vector<2x16xf16> to vector<2x16xf16>
        %select_n3A_748 = arith.select %ne3A, %get3A_743, %get3A_747 : vector<2x16xi1>, vector<2x16xf16>
        %mul3A_749 = arith.constant 2 : i32
        %mul3A_750 = arith.muli %mul3A_749, %scan3A_44 : i32
        %swap3A_751 = arith.index_cast %mul3A_750 : i32 to index
        %swap3A_752 = arith.constant 688 : index
        %swap3A_753 = tpu.vector_load %arg10[%swap3A_751, %swap3A_752] {strides = array<i32>} : memref<64x1024xf16, #tpu.memory_space<vmem>>, vector<2x16xf16>,
        %swap3A_754 = vector.shape_cast %swap3A_753 : vector<2x16xf16> to vector<2x16xf16>
        %swap3A_755 = vector.shape_cast %select_n3A_748 : vector<2x16xf16> to vector<2x16xf16>
        tpu.vector_store %arg10[%swap3A_751, %swap3A_752], %swap3A_755 {strides = array<i32>} : memref<64x1024xf16, #tpu.memory_space<vmem>>, vector<2x16xf16>,
        %get3A_756 = arith.constant 0 : index
        %get3A_757 = arith.constant 704 : index
        %get3A_758 = tpu.vector_load %arg8[%get3A_756, %get3A_757] {strides = array<i32>} : memref<2x1024xf16, #tpu.memory_space<vmem>>, vector<2x16xf16>,
        %get3A_759 = vector.shape_cast %get3A_758 : vector<2x16xf16> to vector<2x16xf16>
        %get3A_760 = arith.constant 0 : index
        %get3A_761 = arith.constant 704 : index
        %get3A_762 = tpu.vector_load %arg7[%get3A_760, %get3A_761] {strides = array<i32>} : memref<2x1024xf16, #tpu.memory_space<vmem>>, vector<2x16xf16>,
        %get3A_763 = vector.shape_cast %get3A_762 : vector<2x16xf16> to vector<2x16xf16>
        %select_n3A_764 = arith.select %ne3A, %get3A_759, %get3A_763 : vector<2x16xi1>, vector<2x16xf16>
        %mul3A_765 = arith.constant 2 : i32
        %mul3A_766 = arith.muli %mul3A_765, %scan3A_44 : i32
        %swap3A_767 = arith.index_cast %mul3A_766 : i32 to index
        %swap3A_768 = arith.constant 704 : index
        %swap3A_769 = tpu.vector_load %arg10[%swap3A_767, %swap3A_768] {strides = array<i32>} : memref<64x1024xf16, #tpu.memory_space<vmem>>, vector<2x16xf16>,
        %swap3A_770 = vector.shape_cast %swap3A_769 : vector<2x16xf16> to vector<2x16xf16>
        %swap3A_771 = vector.shape_cast %select_n3A_764 : vector<2x16xf16> to vector<2x16xf16>
        tpu.vector_store %arg10[%swap3A_767, %swap3A_768], %swap3A_771 {strides = array<i32>} : memref<64x1024xf16, #tpu.memory_space<vmem>>, vector<2x16xf16>,
        %get3A_772 = arith.constant 0 : index
        %get3A_773 = arith.constant 720 : index
        %get3A_774 = tpu.vector_load %arg8[%get3A_772, %get3A_773] {strides = array<i32>} : memref<2x1024xf16, #tpu.memory_space<vmem>>, vector<2x16xf16>,
        %get3A_775 = vector.shape_cast %get3A_774 : vector<2x16xf16> to vector<2x16xf16>
        %get3A_776 = arith.constant 0 : index
        %get3A_777 = arith.constant 720 : index
        %get3A_778 = tpu.vector_load %arg7[%get3A_776, %get3A_777] {strides = array<i32>} : memref<2x1024xf16, #tpu.memory_space<vmem>>, vector<2x16xf16>,
        %get3A_779 = vector.shape_cast %get3A_778 : vector<2x16xf16> to vector<2x16xf16>
        %select_n3A_780 = arith.select %ne3A, %get3A_775, %get3A_779 : vector<2x16xi1>, vector<2x16xf16>
        %mul3A_781 = arith.constant 2 : i32
        %mul3A_782 = arith.muli %mul3A_781, %scan3A_44 : i32
        %swap3A_783 = arith.index_cast %mul3A_782 : i32 to index
        %swap3A_784 = arith.constant 720 : index
        %swap3A_785 = tpu.vector_load %arg10[%swap3A_783, %swap3A_784] {strides = array<i32>} : memref<64x1024xf16, #tpu.memory_space<vmem>>, vector<2x16xf16>,
        %swap3A_786 = vector.shape_cast %swap3A_785 : vector<2x16xf16> to vector<2x16xf16>
        %swap3A_787 = vector.shape_cast %select_n3A_780 : vector<2x16xf16> to vector<2x16xf16>
        tpu.vector_store %arg10[%swap3A_783, %swap3A_784], %swap3A_787 {strides = array<i32>} : memref<64x1024xf16, #tpu.memory_space<vmem>>, vector<2x16xf16>,
        %get3A_788 = arith.constant 0 : index
        %get3A_789 = arith.constant 736 : index
        %get3A_790 = tpu.vector_load %arg8[%get3A_788, %get3A_789] {strides = array<i32>} : memref<2x1024xf16, #tpu.memory_space<vmem>>, vector<2x16xf16>,
        %get3A_791 = vector.shape_cast %get3A_790 : vector<2x16xf16> to vector<2x16xf16>
        %get3A_792 = arith.constant 0 : index
        %get3A_793 = arith.constant 736 : index
        %get3A_794 = tpu.vector_load %arg7[%get3A_792, %get3A_793] {strides = array<i32>} : memref<2x1024xf16, #tpu.memory_space<vmem>>, vector<2x16xf16>,
        %get3A_795 = vector.shape_cast %get3A_794 : vector<2x16xf16> to vector<2x16xf16>
        %select_n3A_796 = arith.select %ne3A, %get3A_791, %get3A_795 : vector<2x16xi1>, vector<2x16xf16>
        %mul3A_797 = arith.constant 2 : i32
        %mul3A_798 = arith.muli %mul3A_797, %scan3A_44 : i32
        %swap3A_799 = arith.index_cast %mul3A_798 : i32 to index
        %swap3A_800 = arith.constant 736 : index
        %swap3A_801 = tpu.vector_load %arg10[%swap3A_799, %swap3A_800] {strides = array<i32>} : memref<64x1024xf16, #tpu.memory_space<vmem>>, vector<2x16xf16>,
        %swap3A_802 = vector.shape_cast %swap3A_801 : vector<2x16xf16> to vector<2x16xf16>
        %swap3A_803 = vector.shape_cast %select_n3A_796 : vector<2x16xf16> to vector<2x16xf16>
        tpu.vector_store %arg10[%swap3A_799, %swap3A_800], %swap3A_803 {strides = array<i32>} : memref<64x1024xf16, #tpu.memory_space<vmem>>, vector<2x16xf16>,
        %get3A_804 = arith.constant 0 : index
        %get3A_805 = arith.constant 752 : index
        %get3A_806 = tpu.vector_load %arg8[%get3A_804, %get3A_805] {strides = array<i32>} : memref<2x1024xf16, #tpu.memory_space<vmem>>, vector<2x16xf16>,
        %get3A_807 = vector.shape_cast %get3A_806 : vector<2x16xf16> to vector<2x16xf16>
        %get3A_808 = arith.constant 0 : index
        %get3A_809 = arith.constant 752 : index
        %get3A_810 = tpu.vector_load %arg7[%get3A_808, %get3A_809] {strides = array<i32>} : memref<2x1024xf16, #tpu.memory_space<vmem>>, vector<2x16xf16>,
        %get3A_811 = vector.shape_cast %get3A_810 : vector<2x16xf16> to vector<2x16xf16>
        %select_n3A_812 = arith.select %ne3A, %get3A_807, %get3A_811 : vector<2x16xi1>, vector<2x16xf16>
        %mul3A_813 = arith.constant 2 : i32
        %mul3A_814 = arith.muli %mul3A_813, %scan3A_44 : i32
        %swap3A_815 = arith.index_cast %mul3A_814 : i32 to index
        %swap3A_816 = arith.constant 752 : index
        %swap3A_817 = tpu.vector_load %arg10[%swap3A_815, %swap3A_816] {strides = array<i32>} : memref<64x1024xf16, #tpu.memory_space<vmem>>, vector<2x16xf16>,
        %swap3A_818 = vector.shape_cast %swap3A_817 : vector<2x16xf16> to vector<2x16xf16>
        %swap3A_819 = vector.shape_cast %select_n3A_812 : vector<2x16xf16> to vector<2x16xf16>
        tpu.vector_store %arg10[%swap3A_815, %swap3A_816], %swap3A_819 {strides = array<i32>} : memref<64x1024xf16, #tpu.memory_space<vmem>>, vector<2x16xf16>,
        %get3A_820 = arith.constant 0 : index
        %get3A_821 = arith.constant 768 : index
        %get3A_822 = tpu.vector_load %arg8[%get3A_820, %get3A_821] {strides = array<i32>} : memref<2x1024xf16, #tpu.memory_space<vmem>>, vector<2x16xf16>,
        %get3A_823 = vector.shape_cast %get3A_822 : vector<2x16xf16> to vector<2x16xf16>
        %get3A_824 = arith.constant 0 : index
        %get3A_825 = arith.constant 768 : index
        %get3A_826 = tpu.vector_load %arg7[%get3A_824, %get3A_825] {strides = array<i32>} : memref<2x1024xf16, #tpu.memory_space<vmem>>, vector<2x16xf16>,
        %get3A_827 = vector.shape_cast %get3A_826 : vector<2x16xf16> to vector<2x16xf16>
        %select_n3A_828 = arith.select %ne3A, %get3A_823, %get3A_827 : vector<2x16xi1>, vector<2x16xf16>
        %mul3A_829 = arith.constant 2 : i32
        %mul3A_830 = arith.muli %mul3A_829, %scan3A_44 : i32
        %swap3A_831 = arith.index_cast %mul3A_830 : i32 to index
        %swap3A_832 = arith.constant 768 : index
        %swap3A_833 = tpu.vector_load %arg10[%swap3A_831, %swap3A_832] {strides = array<i32>} : memref<64x1024xf16, #tpu.memory_space<vmem>>, vector<2x16xf16>,
        %swap3A_834 = vector.shape_cast %swap3A_833 : vector<2x16xf16> to vector<2x16xf16>
        %swap3A_835 = vector.shape_cast %select_n3A_828 : vector<2x16xf16> to vector<2x16xf16>
        tpu.vector_store %arg10[%swap3A_831, %swap3A_832], %swap3A_835 {strides = array<i32>} : memref<64x1024xf16, #tpu.memory_space<vmem>>, vector<2x16xf16>,
        %get3A_836 = arith.constant 0 : index
        %get3A_837 = arith.constant 784 : index
        %get3A_838 = tpu.vector_load %arg8[%get3A_836, %get3A_837] {strides = array<i32>} : memref<2x1024xf16, #tpu.memory_space<vmem>>, vector<2x16xf16>,
        %get3A_839 = vector.shape_cast %get3A_838 : vector<2x16xf16> to vector<2x16xf16>
        %get3A_840 = arith.constant 0 : index
        %get3A_841 = arith.constant 784 : index
        %get3A_842 = tpu.vector_load %arg7[%get3A_840, %get3A_841] {strides = array<i32>} : memref<2x1024xf16, #tpu.memory_space<vmem>>, vector<2x16xf16>,
        %get3A_843 = vector.shape_cast %get3A_842 : vector<2x16xf16> to vector<2x16xf16>
        %select_n3A_844 = arith.select %ne3A, %get3A_839, %get3A_843 : vector<2x16xi1>, vector<2x16xf16>
        %mul3A_845 = arith.constant 2 : i32
        %mul3A_846 = arith.muli %mul3A_845, %scan3A_44 : i32
        %swap3A_847 = arith.index_cast %mul3A_846 : i32 to index
        %swap3A_848 = arith.constant 784 : index
        %swap3A_849 = tpu.vector_load %arg10[%swap3A_847, %swap3A_848] {strides = array<i32>} : memref<64x1024xf16, #tpu.memory_space<vmem>>, vector<2x16xf16>,
        %swap3A_850 = vector.shape_cast %swap3A_849 : vector<2x16xf16> to vector<2x16xf16>
        %swap3A_851 = vector.shape_cast %select_n3A_844 : vector<2x16xf16> to vector<2x16xf16>
        tpu.vector_store %arg10[%swap3A_847, %swap3A_848], %swap3A_851 {strides = array<i32>} : memref<64x1024xf16, #tpu.memory_space<vmem>>, vector<2x16xf16>,
        %get3A_852 = arith.constant 0 : index
        %get3A_853 = arith.constant 800 : index
        %get3A_854 = tpu.vector_load %arg8[%get3A_852, %get3A_853] {strides = array<i32>} : memref<2x1024xf16, #tpu.memory_space<vmem>>, vector<2x16xf16>,
        %get3A_855 = vector.shape_cast %get3A_854 : vector<2x16xf16> to vector<2x16xf16>
        %get3A_856 = arith.constant 0 : index
        %get3A_857 = arith.constant 800 : index
        %get3A_858 = tpu.vector_load %arg7[%get3A_856, %get3A_857] {strides = array<i32>} : memref<2x1024xf16, #tpu.memory_space<vmem>>, vector<2x16xf16>,
        %get3A_859 = vector.shape_cast %get3A_858 : vector<2x16xf16> to vector<2x16xf16>
        %select_n3A_860 = arith.select %ne3A, %get3A_855, %get3A_859 : vector<2x16xi1>, vector<2x16xf16>
        %mul3A_861 = arith.constant 2 : i32
        %mul3A_862 = arith.muli %mul3A_861, %scan3A_44 : i32
        %swap3A_863 = arith.index_cast %mul3A_862 : i32 to index
        %swap3A_864 = arith.constant 800 : index
        %swap3A_865 = tpu.vector_load %arg10[%swap3A_863, %swap3A_864] {strides = array<i32>} : memref<64x1024xf16, #tpu.memory_space<vmem>>, vector<2x16xf16>,
        %swap3A_866 = vector.shape_cast %swap3A_865 : vector<2x16xf16> to vector<2x16xf16>
        %swap3A_867 = vector.shape_cast %select_n3A_860 : vector<2x16xf16> to vector<2x16xf16>
        tpu.vector_store %arg10[%swap3A_863, %swap3A_864], %swap3A_867 {strides = array<i32>} : memref<64x1024xf16, #tpu.memory_space<vmem>>, vector<2x16xf16>,
        %get3A_868 = arith.constant 0 : index
        %get3A_869 = arith.constant 816 : index
        %get3A_870 = tpu.vector_load %arg8[%get3A_868, %get3A_869] {strides = array<i32>} : memref<2x1024xf16, #tpu.memory_space<vmem>>, vector<2x16xf16>,
        %get3A_871 = vector.shape_cast %get3A_870 : vector<2x16xf16> to vector<2x16xf16>
        %get3A_872 = arith.constant 0 : index
        %get3A_873 = arith.constant 816 : index
        %get3A_874 = tpu.vector_load %arg7[%get3A_872, %get3A_873] {strides = array<i32>} : memref<2x1024xf16, #tpu.memory_space<vmem>>, vector<2x16xf16>,
        %get3A_875 = vector.shape_cast %get3A_874 : vector<2x16xf16> to vector<2x16xf16>
        %select_n3A_876 = arith.select %ne3A, %get3A_871, %get3A_875 : vector<2x16xi1>, vector<2x16xf16>
        %mul3A_877 = arith.constant 2 : i32
        %mul3A_878 = arith.muli %mul3A_877, %scan3A_44 : i32
        %swap3A_879 = arith.index_cast %mul3A_878 : i32 to index
        %swap3A_880 = arith.constant 816 : index
        %swap3A_881 = tpu.vector_load %arg10[%swap3A_879, %swap3A_880] {strides = array<i32>} : memref<64x1024xf16, #tpu.memory_space<vmem>>, vector<2x16xf16>,
        %swap3A_882 = vector.shape_cast %swap3A_881 : vector<2x16xf16> to vector<2x16xf16>
        %swap3A_883 = vector.shape_cast %select_n3A_876 : vector<2x16xf16> to vector<2x16xf16>
        tpu.vector_store %arg10[%swap3A_879, %swap3A_880], %swap3A_883 {strides = array<i32>} : memref<64x1024xf16, #tpu.memory_space<vmem>>, vector<2x16xf16>,
        %get3A_884 = arith.constant 0 : index
        %get3A_885 = arith.constant 832 : index
        %get3A_886 = tpu.vector_load %arg8[%get3A_884, %get3A_885] {strides = array<i32>} : memref<2x1024xf16, #tpu.memory_space<vmem>>, vector<2x16xf16>,
        %get3A_887 = vector.shape_cast %get3A_886 : vector<2x16xf16> to vector<2x16xf16>
        %get3A_888 = arith.constant 0 : index
        %get3A_889 = arith.constant 832 : index
        %get3A_890 = tpu.vector_load %arg7[%get3A_888, %get3A_889] {strides = array<i32>} : memref<2x1024xf16, #tpu.memory_space<vmem>>, vector<2x16xf16>,
        %get3A_891 = vector.shape_cast %get3A_890 : vector<2x16xf16> to vector<2x16xf16>
        %select_n3A_892 = arith.select %ne3A, %get3A_887, %get3A_891 : vector<2x16xi1>, vector<2x16xf16>
        %mul3A_893 = arith.constant 2 : i32
        %mul3A_894 = arith.muli %mul3A_893, %scan3A_44 : i32
        %swap3A_895 = arith.index_cast %mul3A_894 : i32 to index
        %swap3A_896 = arith.constant 832 : index
        %swap3A_897 = tpu.vector_load %arg10[%swap3A_895, %swap3A_896] {strides = array<i32>} : memref<64x1024xf16, #tpu.memory_space<vmem>>, vector<2x16xf16>,
        %swap3A_898 = vector.shape_cast %swap3A_897 : vector<2x16xf16> to vector<2x16xf16>
        %swap3A_899 = vector.shape_cast %select_n3A_892 : vector<2x16xf16> to vector<2x16xf16>
        tpu.vector_store %arg10[%swap3A_895, %swap3A_896], %swap3A_899 {strides = array<i32>} : memref<64x1024xf16, #tpu.memory_space<vmem>>, vector<2x16xf16>,
        %get3A_900 = arith.constant 0 : index
        %get3A_901 = arith.constant 848 : index
        %get3A_902 = tpu.vector_load %arg8[%get3A_900, %get3A_901] {strides = array<i32>} : memref<2x1024xf16, #tpu.memory_space<vmem>>, vector<2x16xf16>,
        %get3A_903 = vector.shape_cast %get3A_902 : vector<2x16xf16> to vector<2x16xf16>
        %get3A_904 = arith.constant 0 : index
        %get3A_905 = arith.constant 848 : index
        %get3A_906 = tpu.vector_load %arg7[%get3A_904, %get3A_905] {strides = array<i32>} : memref<2x1024xf16, #tpu.memory_space<vmem>>, vector<2x16xf16>,
        %get3A_907 = vector.shape_cast %get3A_906 : vector<2x16xf16> to vector<2x16xf16>
        %select_n3A_908 = arith.select %ne3A, %get3A_903, %get3A_907 : vector<2x16xi1>, vector<2x16xf16>
        %mul3A_909 = arith.constant 2 : i32
        %mul3A_910 = arith.muli %mul3A_909, %scan3A_44 : i32
        %swap3A_911 = arith.index_cast %mul3A_910 : i32 to index
        %swap3A_912 = arith.constant 848 : index
        %swap3A_913 = tpu.vector_load %arg10[%swap3A_911, %swap3A_912] {strides = array<i32>} : memref<64x1024xf16, #tpu.memory_space<vmem>>, vector<2x16xf16>,
        %swap3A_914 = vector.shape_cast %swap3A_913 : vector<2x16xf16> to vector<2x16xf16>
        %swap3A_915 = vector.shape_cast %select_n3A_908 : vector<2x16xf16> to vector<2x16xf16>
        tpu.vector_store %arg10[%swap3A_911, %swap3A_912], %swap3A_915 {strides = array<i32>} : memref<64x1024xf16, #tpu.memory_space<vmem>>, vector<2x16xf16>,
        %get3A_916 = arith.constant 0 : index
        %get3A_917 = arith.constant 864 : index
        %get3A_918 = tpu.vector_load %arg8[%get3A_916, %get3A_917] {strides = array<i32>} : memref<2x1024xf16, #tpu.memory_space<vmem>>, vector<2x16xf16>,
        %get3A_919 = vector.shape_cast %get3A_918 : vector<2x16xf16> to vector<2x16xf16>
        %get3A_920 = arith.constant 0 : index
        %get3A_921 = arith.constant 864 : index
        %get3A_922 = tpu.vector_load %arg7[%get3A_920, %get3A_921] {strides = array<i32>} : memref<2x1024xf16, #tpu.memory_space<vmem>>, vector<2x16xf16>,
        %get3A_923 = vector.shape_cast %get3A_922 : vector<2x16xf16> to vector<2x16xf16>
        %select_n3A_924 = arith.select %ne3A, %get3A_919, %get3A_923 : vector<2x16xi1>, vector<2x16xf16>
        %mul3A_925 = arith.constant 2 : i32
        %mul3A_926 = arith.muli %mul3A_925, %scan3A_44 : i32
        %swap3A_927 = arith.index_cast %mul3A_926 : i32 to index
        %swap3A_928 = arith.constant 864 : index
        %swap3A_929 = tpu.vector_load %arg10[%swap3A_927, %swap3A_928] {strides = array<i32>} : memref<64x1024xf16, #tpu.memory_space<vmem>>, vector<2x16xf16>,
        %swap3A_930 = vector.shape_cast %swap3A_929 : vector<2x16xf16> to vector<2x16xf16>
        %swap3A_931 = vector.shape_cast %select_n3A_924 : vector<2x16xf16> to vector<2x16xf16>
        tpu.vector_store %arg10[%swap3A_927, %swap3A_928], %swap3A_931 {strides = array<i32>} : memref<64x1024xf16, #tpu.memory_space<vmem>>, vector<2x16xf16>,
        %get3A_932 = arith.constant 0 : index
        %get3A_933 = arith.constant 880 : index
        %get3A_934 = tpu.vector_load %arg8[%get3A_932, %get3A_933] {strides = array<i32>} : memref<2x1024xf16, #tpu.memory_space<vmem>>, vector<2x16xf16>,
        %get3A_935 = vector.shape_cast %get3A_934 : vector<2x16xf16> to vector<2x16xf16>
        %get3A_936 = arith.constant 0 : index
        %get3A_937 = arith.constant 880 : index
        %get3A_938 = tpu.vector_load %arg7[%get3A_936, %get3A_937] {strides = array<i32>} : memref<2x1024xf16, #tpu.memory_space<vmem>>, vector<2x16xf16>,
        %get3A_939 = vector.shape_cast %get3A_938 : vector<2x16xf16> to vector<2x16xf16>
        %select_n3A_940 = arith.select %ne3A, %get3A_935, %get3A_939 : vector<2x16xi1>, vector<2x16xf16>
        %mul3A_941 = arith.constant 2 : i32
        %mul3A_942 = arith.muli %mul3A_941, %scan3A_44 : i32
        %swap3A_943 = arith.index_cast %mul3A_942 : i32 to index
        %swap3A_944 = arith.constant 880 : index
        %swap3A_945 = tpu.vector_load %arg10[%swap3A_943, %swap3A_944] {strides = array<i32>} : memref<64x1024xf16, #tpu.memory_space<vmem>>, vector<2x16xf16>,
        %swap3A_946 = vector.shape_cast %swap3A_945 : vector<2x16xf16> to vector<2x16xf16>
        %swap3A_947 = vector.shape_cast %select_n3A_940 : vector<2x16xf16> to vector<2x16xf16>
        tpu.vector_store %arg10[%swap3A_943, %swap3A_944], %swap3A_947 {strides = array<i32>} : memref<64x1024xf16, #tpu.memory_space<vmem>>, vector<2x16xf16>,
        %get3A_948 = arith.constant 0 : index
        %get3A_949 = arith.constant 896 : index
        %get3A_950 = tpu.vector_load %arg8[%get3A_948, %get3A_949] {strides = array<i32>} : memref<2x1024xf16, #tpu.memory_space<vmem>>, vector<2x16xf16>,
        %get3A_951 = vector.shape_cast %get3A_950 : vector<2x16xf16> to vector<2x16xf16>
        %get3A_952 = arith.constant 0 : index
        %get3A_953 = arith.constant 896 : index
        %get3A_954 = tpu.vector_load %arg7[%get3A_952, %get3A_953] {strides = array<i32>} : memref<2x1024xf16, #tpu.memory_space<vmem>>, vector<2x16xf16>,
        %get3A_955 = vector.shape_cast %get3A_954 : vector<2x16xf16> to vector<2x16xf16>
        %select_n3A_956 = arith.select %ne3A, %get3A_951, %get3A_955 : vector<2x16xi1>, vector<2x16xf16>
        %mul3A_957 = arith.constant 2 : i32
        %mul3A_958 = arith.muli %mul3A_957, %scan3A_44 : i32
        %swap3A_959 = arith.index_cast %mul3A_958 : i32 to index
        %swap3A_960 = arith.constant 896 : index
        %swap3A_961 = tpu.vector_load %arg10[%swap3A_959, %swap3A_960] {strides = array<i32>} : memref<64x1024xf16, #tpu.memory_space<vmem>>, vector<2x16xf16>,
        %swap3A_962 = vector.shape_cast %swap3A_961 : vector<2x16xf16> to vector<2x16xf16>
        %swap3A_963 = vector.shape_cast %select_n3A_956 : vector<2x16xf16> to vector<2x16xf16>
        tpu.vector_store %arg10[%swap3A_959, %swap3A_960], %swap3A_963 {strides = array<i32>} : memref<64x1024xf16, #tpu.memory_space<vmem>>, vector<2x16xf16>,
        %get3A_964 = arith.constant 0 : index
        %get3A_965 = arith.constant 912 : index
        %get3A_966 = tpu.vector_load %arg8[%get3A_964, %get3A_965] {strides = array<i32>} : memref<2x1024xf16, #tpu.memory_space<vmem>>, vector<2x16xf16>,
        %get3A_967 = vector.shape_cast %get3A_966 : vector<2x16xf16> to vector<2x16xf16>
        %get3A_968 = arith.constant 0 : index
        %get3A_969 = arith.constant 912 : index
        %get3A_970 = tpu.vector_load %arg7[%get3A_968, %get3A_969] {strides = array<i32>} : memref<2x1024xf16, #tpu.memory_space<vmem>>, vector<2x16xf16>,
        %get3A_971 = vector.shape_cast %get3A_970 : vector<2x16xf16> to vector<2x16xf16>
        %select_n3A_972 = arith.select %ne3A, %get3A_967, %get3A_971 : vector<2x16xi1>, vector<2x16xf16>
        %mul3A_973 = arith.constant 2 : i32
        %mul3A_974 = arith.muli %mul3A_973, %scan3A_44 : i32
        %swap3A_975 = arith.index_cast %mul3A_974 : i32 to index
        %swap3A_976 = arith.constant 912 : index
        %swap3A_977 = tpu.vector_load %arg10[%swap3A_975, %swap3A_976] {strides = array<i32>} : memref<64x1024xf16, #tpu.memory_space<vmem>>, vector<2x16xf16>,
        %swap3A_978 = vector.shape_cast %swap3A_977 : vector<2x16xf16> to vector<2x16xf16>
        %swap3A_979 = vector.shape_cast %select_n3A_972 : vector<2x16xf16> to vector<2x16xf16>
        tpu.vector_store %arg10[%swap3A_975, %swap3A_976], %swap3A_979 {strides = array<i32>} : memref<64x1024xf16, #tpu.memory_space<vmem>>, vector<2x16xf16>,
        %get3A_980 = arith.constant 0 : index
        %get3A_981 = arith.constant 928 : index
        %get3A_982 = tpu.vector_load %arg8[%get3A_980, %get3A_981] {strides = array<i32>} : memref<2x1024xf16, #tpu.memory_space<vmem>>, vector<2x16xf16>,
        %get3A_983 = vector.shape_cast %get3A_982 : vector<2x16xf16> to vector<2x16xf16>
        %get3A_984 = arith.constant 0 : index
        %get3A_985 = arith.constant 928 : index
        %get3A_986 = tpu.vector_load %arg7[%get3A_984, %get3A_985] {strides = array<i32>} : memref<2x1024xf16, #tpu.memory_space<vmem>>, vector<2x16xf16>,
        %get3A_987 = vector.shape_cast %get3A_986 : vector<2x16xf16> to vector<2x16xf16>
        %select_n3A_988 = arith.select %ne3A, %get3A_983, %get3A_987 : vector<2x16xi1>, vector<2x16xf16>
        %mul3A_989 = arith.constant 2 : i32
        %mul3A_990 = arith.muli %mul3A_989, %scan3A_44 : i32
        %swap3A_991 = arith.index_cast %mul3A_990 : i32 to index
        %swap3A_992 = arith.constant 928 : index
        %swap3A_993 = tpu.vector_load %arg10[%swap3A_991, %swap3A_992] {strides = array<i32>} : memref<64x1024xf16, #tpu.memory_space<vmem>>, vector<2x16xf16>,
        %swap3A_994 = vector.shape_cast %swap3A_993 : vector<2x16xf16> to vector<2x16xf16>
        %swap3A_995 = vector.shape_cast %select_n3A_988 : vector<2x16xf16> to vector<2x16xf16>
        tpu.vector_store %arg10[%swap3A_991, %swap3A_992], %swap3A_995 {strides = array<i32>} : memref<64x1024xf16, #tpu.memory_space<vmem>>, vector<2x16xf16>,
        %get3A_996 = arith.constant 0 : index
        %get3A_997 = arith.constant 944 : index
        %get3A_998 = tpu.vector_load %arg8[%get3A_996, %get3A_997] {strides = array<i32>} : memref<2x1024xf16, #tpu.memory_space<vmem>>, vector<2x16xf16>,
        %get3A_999 = vector.shape_cast %get3A_998 : vector<2x16xf16> to vector<2x16xf16>
        %get3A_1000 = arith.constant 0 : index
        %get3A_1001 = arith.constant 944 : index
        %get3A_1002 = tpu.vector_load %arg7[%get3A_1000, %get3A_1001] {strides = array<i32>} : memref<2x1024xf16, #tpu.memory_space<vmem>>, vector<2x16xf16>,
        %get3A_1003 = vector.shape_cast %get3A_1002 : vector<2x16xf16> to vector<2x16xf16>
        %select_n3A_1004 = arith.select %ne3A, %get3A_999, %get3A_1003 : vector<2x16xi1>, vector<2x16xf16>
        %mul3A_1005 = arith.constant 2 : i32
        %mul3A_1006 = arith.muli %mul3A_1005, %scan3A_44 : i32
        %swap3A_1007 = arith.index_cast %mul3A_1006 : i32 to index
        %swap3A_1008 = arith.constant 944 : index
        %swap3A_1009 = tpu.vector_load %arg10[%swap3A_1007, %swap3A_1008] {strides = array<i32>} : memref<64x1024xf16, #tpu.memory_space<vmem>>, vector<2x16xf16>,
        %swap3A_1010 = vector.shape_cast %swap3A_1009 : vector<2x16xf16> to vector<2x16xf16>
        %swap3A_1011 = vector.shape_cast %select_n3A_1004 : vector<2x16xf16> to vector<2x16xf16>
        tpu.vector_store %arg10[%swap3A_1007, %swap3A_1008], %swap3A_1011 {strides = array<i32>} : memref<64x1024xf16, #tpu.memory_space<vmem>>, vector<2x16xf16>,
        %get3A_1012 = arith.constant 0 : index
        %get3A_1013 = arith.constant 960 : index
        %get3A_1014 = tpu.vector_load %arg8[%get3A_1012, %get3A_1013] {strides = array<i32>} : memref<2x1024xf16, #tpu.memory_space<vmem>>, vector<2x16xf16>,
        %get3A_1015 = vector.shape_cast %get3A_1014 : vector<2x16xf16> to vector<2x16xf16>
        %get3A_1016 = arith.constant 0 : index
        %get3A_1017 = arith.constant 960 : index
        %get3A_1018 = tpu.vector_load %arg7[%get3A_1016, %get3A_1017] {strides = array<i32>} : memref<2x1024xf16, #tpu.memory_space<vmem>>, vector<2x16xf16>,
        %get3A_1019 = vector.shape_cast %get3A_1018 : vector<2x16xf16> to vector<2x16xf16>
        %select_n3A_1020 = arith.select %ne3A, %get3A_1015, %get3A_1019 : vector<2x16xi1>, vector<2x16xf16>
        %mul3A_1021 = arith.constant 2 : i32
        %mul3A_1022 = arith.muli %mul3A_1021, %scan3A_44 : i32
        %swap3A_1023 = arith.index_cast %mul3A_1022 : i32 to index
        %swap3A_1024 = arith.constant 960 : index
        %swap3A_1025 = tpu.vector_load %arg10[%swap3A_1023, %swap3A_1024] {strides = array<i32>} : memref<64x1024xf16, #tpu.memory_space<vmem>>, vector<2x16xf16>,
        %swap3A_1026 = vector.shape_cast %swap3A_1025 : vector<2x16xf16> to vector<2x16xf16>
        %swap3A_1027 = vector.shape_cast %select_n3A_1020 : vector<2x16xf16> to vector<2x16xf16>
        tpu.vector_store %arg10[%swap3A_1023, %swap3A_1024], %swap3A_1027 {strides = array<i32>} : memref<64x1024xf16, #tpu.memory_space<vmem>>, vector<2x16xf16>,
        %get3A_1028 = arith.constant 0 : index
        %get3A_1029 = arith.constant 976 : index
        %get3A_1030 = tpu.vector_load %arg8[%get3A_1028, %get3A_1029] {strides = array<i32>} : memref<2x1024xf16, #tpu.memory_space<vmem>>, vector<2x16xf16>,
        %get3A_1031 = vector.shape_cast %get3A_1030 : vector<2x16xf16> to vector<2x16xf16>
        %get3A_1032 = arith.constant 0 : index
        %get3A_1033 = arith.constant 976 : index
        %get3A_1034 = tpu.vector_load %arg7[%get3A_1032, %get3A_1033] {strides = array<i32>} : memref<2x1024xf16, #tpu.memory_space<vmem>>, vector<2x16xf16>,
        %get3A_1035 = vector.shape_cast %get3A_1034 : vector<2x16xf16> to vector<2x16xf16>
        %select_n3A_1036 = arith.select %ne3A, %get3A_1031, %get3A_1035 : vector<2x16xi1>, vector<2x16xf16>
        %mul3A_1037 = arith.constant 2 : i32
        %mul3A_1038 = arith.muli %mul3A_1037, %scan3A_44 : i32
        %swap3A_1039 = arith.index_cast %mul3A_1038 : i32 to index
        %swap3A_1040 = arith.constant 976 : index
        %swap3A_1041 = tpu.vector_load %arg10[%swap3A_1039, %swap3A_1040] {strides = array<i32>} : memref<64x1024xf16, #tpu.memory_space<vmem>>, vector<2x16xf16>,
        %swap3A_1042 = vector.shape_cast %swap3A_1041 : vector<2x16xf16> to vector<2x16xf16>
        %swap3A_1043 = vector.shape_cast %select_n3A_1036 : vector<2x16xf16> to vector<2x16xf16>
        tpu.vector_store %arg10[%swap3A_1039, %swap3A_1040], %swap3A_1043 {strides = array<i32>} : memref<64x1024xf16, #tpu.memory_space<vmem>>, vector<2x16xf16>,
        %get3A_1044 = arith.constant 0 : index
        %get3A_1045 = arith.constant 992 : index
        %get3A_1046 = tpu.vector_load %arg8[%get3A_1044, %get3A_1045] {strides = array<i32>} : memref<2x1024xf16, #tpu.memory_space<vmem>>, vector<2x16xf16>,
        %get3A_1047 = vector.shape_cast %get3A_1046 : vector<2x16xf16> to vector<2x16xf16>
        %get3A_1048 = arith.constant 0 : index
        %get3A_1049 = arith.constant 992 : index
        %get3A_1050 = tpu.vector_load %arg7[%get3A_1048, %get3A_1049] {strides = array<i32>} : memref<2x1024xf16, #tpu.memory_space<vmem>>, vector<2x16xf16>,
        %get3A_1051 = vector.shape_cast %get3A_1050 : vector<2x16xf16> to vector<2x16xf16>
        %select_n3A_1052 = arith.select %ne3A, %get3A_1047, %get3A_1051 : vector<2x16xi1>, vector<2x16xf16>
        %mul3A_1053 = arith.constant 2 : i32
        %mul3A_1054 = arith.muli %mul3A_1053, %scan3A_44 : i32
        %swap3A_1055 = arith.index_cast %mul3A_1054 : i32 to index
        %swap3A_1056 = arith.constant 992 : index
        %swap3A_1057 = tpu.vector_load %arg10[%swap3A_1055, %swap3A_1056] {strides = array<i32>} : memref<64x1024xf16, #tpu.memory_space<vmem>>, vector<2x16xf16>,
        %swap3A_1058 = vector.shape_cast %swap3A_1057 : vector<2x16xf16> to vector<2x16xf16>
        %swap3A_1059 = vector.shape_cast %select_n3A_1052 : vector<2x16xf16> to vector<2x16xf16>
        tpu.vector_store %arg10[%swap3A_1055, %swap3A_1056], %swap3A_1059 {strides = array<i32>} : memref<64x1024xf16, #tpu.memory_space<vmem>>, vector<2x16xf16>,
        %get3A_1060 = arith.constant 0 : index
        %get3A_1061 = arith.constant 1008 : index
        %get3A_1062 = tpu.vector_load %arg8[%get3A_1060, %get3A_1061] {strides = array<i32>} : memref<2x1024xf16, #tpu.memory_space<vmem>>, vector<2x16xf16>,
        %get3A_1063 = vector.shape_cast %get3A_1062 : vector<2x16xf16> to vector<2x16xf16>
        %get3A_1064 = arith.constant 0 : index
        %get3A_1065 = arith.constant 1008 : index
        %get3A_1066 = tpu.vector_load %arg7[%get3A_1064, %get3A_1065] {strides = array<i32>} : memref<2x1024xf16, #tpu.memory_space<vmem>>, vector<2x16xf16>,
        %get3A_1067 = vector.shape_cast %get3A_1066 : vector<2x16xf16> to vector<2x16xf16>
        %select_n3A_1068 = arith.select %ne3A, %get3A_1063, %get3A_1067 : vector<2x16xi1>, vector<2x16xf16>
        %mul3A_1069 = arith.constant 2 : i32
        %mul3A_1070 = arith.muli %mul3A_1069, %scan3A_44 : i32
        %swap3A_1071 = arith.index_cast %mul3A_1070 : i32 to index
        %swap3A_1072 = arith.constant 1008 : index
        %swap3A_1073 = tpu.vector_load %arg10[%swap3A_1071, %swap3A_1072] {strides = array<i32>} : memref<64x1024xf16, #tpu.memory_space<vmem>>, vector<2x16xf16>,
        %swap3A_1074 = vector.shape_cast %swap3A_1073 : vector<2x16xf16> to vector<2x16xf16>
        %swap3A_1075 = vector.shape_cast %select_n3A_1068 : vector<2x16xf16> to vector<2x16xf16>
        tpu.vector_store %arg10[%swap3A_1071, %swap3A_1072], %swap3A_1075 {strides = array<i32>} : memref<64x1024xf16, #tpu.memory_space<vmem>>, vector<2x16xf16>,
      }
      %scan3A_37 = arith.constant 32 : i32
      %mul3A_38 = arith.constant 64 : i32
      %mul3A_39 = arith.muli %add3A_29, %mul3A_38 : i32
      %add3A_40 = arith.addi %mul3A_2, %mul3A_39 : i32
      %dma_start3A = arith.constant 0 : i32
      %dma_start3A_41 = tpu.memref_slice %arg5[%add3A_40, %dma_start3A] : memref<16384x1024xf16, #tpu.memory_space<hbm>> -> memref<64x1024xf16, #tpu.memory_space<hbm>>
      %dma_start3A_42 = arith.constant 0 : i32
      %dma_start3A_43 = tpu.memref_slice %arg5[%add3A_40, %dma_start3A_42] : memref<16384x1024xf16, #tpu.memory_space<hbm>> -> memref<64x1024xf16, #tpu.memory_space<hbm>>
      tpu.enqueue_dma source(%arg10 : memref<64x1024xf16, #tpu.memory_space<vmem>>) target(%dma_start3A_43 : memref<64x1024xf16, #tpu.memory_space<hbm>>) target_semaphore(%arg12 : memref<!tpu.dma_semaphore, #tpu.memory_space<semaphore_mem>>)
    }
    %scan3A_13 = arith.constant 4 : i32
    %dma_wait3A = arith.constant 0 : i32
    %dma_wait3A_14 = arith.constant 0 : i32
    %dma_wait3A_15 = tpu.memref_slice %arg5[%dma_wait3A, %dma_wait3A_14] : memref<16384x1024xf16, #tpu.memory_space<hbm>> -> memref<64x1024xf16, #tpu.memory_space<hbm>>
    %dma_wait3A_16 = arith.constant 0 : i32
    %dma_wait3A_17 = arith.constant 0 : i32
    %dma_wait3A_18 = tpu.memref_slice %arg5[%dma_wait3A_16, %dma_wait3A_17] : memref<16384x1024xf16, #tpu.memory_space<hbm>> -> memref<64x1024xf16, #tpu.memory_space<hbm>>
    tpu.wait_dma2 semaphore(%arg11 : memref<!tpu.dma_semaphore, #tpu.memory_space<semaphore_mem>>) src(%arg9 : memref<64x1024xf16, #tpu.memory_space<vmem>>) dst(%dma_wait3A_18 : memref<64x1024xf16, #tpu.memory_space<hbm>>)
    %dma_wait3A_19 = arith.constant 0 : i32
    %dma_wait3A_20 = arith.constant 0 : i32
    %dma_wait3A_21 = tpu.memref_slice %arg5[%dma_wait3A_19, %dma_wait3A_20] : memref<16384x1024xf16, #tpu.memory_space<hbm>> -> memref<64x1024xf16, #tpu.memory_space<hbm>>
    %dma_wait3A_22 = arith.constant 0 : i32
    %dma_wait3A_23 = arith.constant 0 : i32
    %dma_wait3A_24 = tpu.memref_slice %arg5[%dma_wait3A_22, %dma_wait3A_23] : memref<16384x1024xf16, #tpu.memory_space<hbm>> -> memref<64x1024xf16, #tpu.memory_space<hbm>>
    tpu.wait_dma2 semaphore(%arg12 : memref<!tpu.dma_semaphore, #tpu.memory_space<semaphore_mem>>) src(%arg10 : memref<64x1024xf16, #tpu.memory_space<vmem>>) dst(%dma_wait3A_24 : memref<64x1024xf16, #tpu.memory_space<hbm>>)
    return
  }
}

</mosaic_0001>

<sc_bundles>
// kernel: kernel.3.cloned.1.call-start
scs
__scs_entry_jumppad:
0x0: {  	(pc) =	sbr.rel $0x88, $3  }
0x1: {  	(tag) =	ssettag $0x0;
	lr =	simm.s32 $0x1  }
0x2: {  	[smem:$0x3F9F] =	sst lr;
	_ =	strace $0xD0000000  }
0x3: {  	_ = 	snop  }
0x4: {  	_ = 	snop  }
0x5: {  	_ = 	snop  }
0x6: {  	_ = 	snop  }
0x7: {  	_ = 	snop  }
__scs_overlays_trampoline_lowered:
0x8: {  	[smem:$0x3FAE] =	sst s0  }
0x9: {  	[smem:$0x3FAF] =	sst s1  }
0xa: {  	[smem:$0x3FB0] =	sst s2  }
0xb: {  	[smem:$0x3FB1] =	sst s3  }
0xc: {  	[smem:$0x3FB2] =	sst s4  }
0xd: {  	[smem:$0x3FB3] =	sst s5  }
0xe: {  	[smem:$0x3FB4] =	sst s6  }
0xf: {  	[smem:$0x3FB5] =	sst s7  }
0x10: {  	[smem:$0x3FB6] =	sst s8  }
0x11: {  	[smem:$0x3FB7] =	sst s9;
	s0 =	simm.s32 @!p0 $0x0  }
0x12: {  	s1 =	sld [smem:$0x3F9D];
	s0 =	simm.s32 @p0 $0x1  }
0x13: {  	[smem:$0x3FB8] =	sst s0;
	s0 =	simm.s32 @!p1 $0x0  }
0x14: {  	s2 =	sld [smem:$0x3F9C];
	s0 =	simm.s32 @p1 $0x1  }
0x15: {  	[smem:$0x3FB9] =	sst s0;
	s0 =	simm.s32 @!p2 $0x0  }
0x16: {  	s3 =	sld [smem:$0x3FDB];
	s0 =	simm.s32 @p2 $0x1  }
0x17: {  	s4 =	simm.s32 $0x1BF5;
	[smem:$0x3FBB] =	sst s0  }
0x18: {  	s0 =	sld [smem:$0x3F9E];
	_ =	swait.ge [sflag:s4], $0x0  }
0x19: {  	s7 =	sld [smem:$0x3F9F]  }
0x1a: {  	s8 =	sadd.s32 $0xFFFFE003, lr  }
0x1b: {  	s9 =	sadd.s32 $0xFFFFFEF7, lr;
	s5 =	simm.s32 $0xFFFFFFFF;
	p2 =	slt.u32 s8, $0xFFFFF086  }
0x1c: {  	p1 =	slt.u32 s9, $0xF7A;
	s5 =	simm.s32 @!p2 $0x0  }
0x1d: {  	s5 =	simm.s32 @p1 $0x1;
	p0 =	seq.s32 s7, s2  }
0x1e: {  	s7 =	smul.u32 @!p0 $0xF7A, s2;
	p2 =	seq.s32 @!p0 s5, $0x0  }
0x1f: {  	s9 =	smul.u32 $0xF7A, s1;
	s8 =	simm.s32 @!p0 $0x1BF5;
	p2 =	por !p2, p0  }
0x20: {  	[sflag:s8] =	ssyncset.s32 @!p0 $0xFFFFF086;
	s6 =	sadd.s32 @!p0 s3, s7;
	s7 =	simm.s32 @!p0 $0x108  }
0x21: {  	s3 =	sadd.s32 s3, s9;
	s6 =	sadd.s32 @!p0 $0x88, s6;
	s7 =	simm.s32 @p2 $0x1082  }
0x22: {  	[simem:s7], [sflag:s8] =	dma.local @!p0 [hbm:s6], $0xF7A  }
0x23: {  	s9 =	sor.u32 $0xD0000000, s2;
	s6 =	simm.s32 $0x108;
	_ =	swait.ge @!p0 [sflag:s8], $0x0  }
0x24: {  	s3 =	sadd.s32 $0x88, s3;
	s6 =	simm.s32 @!p1 $0x1082;
	[sflag:s4] =	ssyncset.s32 $0xFFFFF086  }
0x25: {  	[simem:s6], [sflag:s4] =	dma.local [hbm:s3], $0xF7A  }
0x26: {  	[smem:$0x3F9F] =	sst s1;
	(tag) =	ssettag s2;
	_ =	strace s9  }
0x27: {  	s1 =	sld [smem:$0x3FAF]  }
0x28: {  	s2 =	sld [smem:$0x3FB0]  }
0x29: {  	s4 =	sld [smem:$0x3FB2]  }
0x2a: {  	p0 =	seq.s32 s5, $0x0;
	s5 =	sld [smem:$0x3FB3]  }
0x2b: {  	s6 =	sld [smem:$0x3FB4]  }
0x2c: {  	s7 =	sld [smem:$0x3FB5]  }
0x2d: {  	s3 =	simm.s32 $0x108;
	s8 =	sld [smem:$0x3FB6]  }
0x2e: {  	s3 =	simm.s32 @!p0 $0x1082;
	s9 =	sld [smem:$0x3FB7]  }
0x2f: {  	lr =	sadd.s32 s0, s3;
	s0 =	sld [smem:$0x3FAE]  }
0x30: {  	s3 =	sld [smem:$0x3FB1]  }
0x31: {  	[smem:$0x3FBA] =	sst s10  }
0x32: {  	s10 =	sld [smem:$0x3FB8];
	_ =	sdelay $0x3  }
0x33: {  	p0 =	seq.s32 s10, $0x1;
	s10 =	sld [smem:$0x3FBA];
	_ =	sdelay $0x3  }
0x34: {  	[smem:$0x3FBA] =	sst s10  }
0x35: {  	s10 =	sld [smem:$0x3FB9];
	_ =	sdelay $0x3  }
0x36: {  	p1 =	seq.s32 s10, $0x1;
	s10 =	sld [smem:$0x3FBA];
	_ =	sdelay $0x3  }
0x37: {  	[smem:$0x3FBA] =	sst s10  }
0x38: {  	s10 =	sld [smem:$0x3FBB]  }
0x39: {  	_ = 	snop;
	(pc) =	sbr.ind lr, $3  }
0x3a: {  	_ = 	snop  }
0x3b: {  	_ = 	snop  }
0x3c: {  	p2 =	seq.s32 s10, $0x1;
	s10 =	sld [smem:$0x3FBA]  }
0x3d: {  	_ =	shalt  }
0x3e: {  	_ =	shalt  }
0x3f: {  	_ =	shalt  }
0x40: {  	_ =	shalt  }
0x41: {  	_ =	shalt  }
0x42: {  	_ =	shalt  }
0x43: {  	_ =	shalt  }
0x44: {  	_ =	shalt  }
0x45: {  	_ =	shalt  }
0x46: {  	_ =	shalt  }
0x47: {  	_ =	shalt  }
0x48: {  	_ =	shalt  }
0x49: {  	_ =	shalt  }
0x4a: {  	_ =	shalt  }
0x4b: {  	_ =	shalt  }
0x4c: {  	_ =	shalt  }
0x4d: {  	_ =	shalt  }
0x4e: {  	_ =	shalt  }
0x4f: {  	_ =	shalt  }
0x50: {  	_ =	shalt  }
0x51: {  	_ =	shalt  }
0x52: {  	_ =	shalt  }
0x53: {  	_ =	shalt  }
0x54: {  	_ =	shalt  }
0x55: {  	_ =	shalt  }
0x56: {  	_ =	shalt  }
0x57: {  	_ =	shalt  }
0x58: {  	_ =	shalt  }
0x59: {  	_ =	shalt  }
0x5a: {  	_ =	shalt  }
0x5b: {  	_ =	shalt  }
0x5c: {  	_ =	shalt  }
0x5d: {  	_ =	shalt  }
0x5e: {  	_ =	shalt  }
0x5f: {  	_ =	shalt  }
0x60: {  	_ =	shalt  }
0x61: {  	_ =	shalt  }
0x62: {  	_ =	shalt  }
0x63: {  	_ =	shalt  }
0x64: {  	_ =	shalt  }
0x65: {  	_ =	shalt  }
0x66: {  	_ =	shalt  }
0x67: {  	_ =	shalt  }
0x68: {  	_ =	shalt  }
0x69: {  	_ =	shalt  }
0x6a: {  	_ =	shalt  }
0x6b: {  	_ =	shalt  }
0x6c: {  	_ =	shalt  }
0x6d: {  	_ =	shalt  }
0x6e: {  	_ =	shalt  }
0x6f: {  	_ =	shalt  }
0x70: {  	_ =	shalt  }
0x71: {  	_ =	shalt  }
0x72: {  	_ =	shalt  }
0x73: {  	_ =	shalt  }
0x74: {  	_ =	shalt  }
0x75: {  	_ =	shalt  }
0x76: {  	_ =	shalt  }
0x77: {  	_ =	shalt  }
0x78: {  	_ =	shalt  }
0x79: {  	_ =	shalt  }
0x7a: {  	_ =	shalt  }
0x7b: {  	_ =	shalt  }
0x7c: {  	_ =	shalt  }
0x7d: {  	_ =	shalt  }
0x7e: {  	_ =	shalt  }
0x7f: {  	_ =	shalt  }
0x80: {  	_ =	shalt  }
0x81: {  	_ =	shalt  }
0x82: {  	_ =	shalt  }
0x83: {  	_ =	shalt  }
0x84: {  	_ =	shalt  }
0x85: {  	_ =	shalt  }
0x86: {  	_ =	shalt  }
0x87: {  	_ =	shalt  }
.Lfunc_end0:
.L_simem_size_0:
called_computation_lowered:
.L_overlay_start_0:
0x88: {  	s2 =	sld [smem:$0x3FD9]  }
0x89: {  	s3 =	sld [smem:$0x3FFE];
	_ =	sdelay $0x1  }
0x8a: {  	s1 =	srdreg.scid  }
0x8b: {  	s0 =	sand.u32 $0x1, s1  }
0x8c: {  	s17 =	sshll.u32 s0, $0xA;
	s2 =	sadd.s32 s3, s2  }
0x8d: {  	s2 =	sadd.s32 s2, s17  }
0x8e: {  	[smem:$0x3FC6] =	sst s2  }
0x8f: {  	_ = 	snop  }
0x90: {  	s2 =	sld [smem:$0x3FD0];
	(tm) =	ssettm $0x1  }
0x91: {  	s18 =	sld [smem:$0x3FFB];
	_ =	sdelay $0x3  }
0x92: {  	_ =	strace s18  }
0x93: {  	s3 =	sld [smem:$0x3FFC];
	_ =	sdelay $0x3  }
0x94: {  	_ =	strace s3  }
0x95: {  	s3 =	sld [smem:$0x3FFD];
	_ =	sdelay $0x3  }
0x96: {  	_ =	strace s3  }
0x97: {  	_ =	strace $0x8FFFFFFF  }
0x98: {  	s19 =	sld [smem:$0x3FDB];
	_ =	sdelay $0x1  }
0x99: {  	s4 =	simm.s32 $_scs_section_size  }
0x9a: {  	s5 =	simm.s32 $_size__tile_overlayer_lowered;
	s6 =	simm.s32 $_tile_overlayer_lowered  }
0x9b: {  	s22 =	simm.s32 $0x1BFF;
	s21 =	sshll.u32 s6, $0x1;
	s3 =	sadd.s32 s4, s19  }
0x9c: {  	s7 =	simm.s32 $0x0;
	s20 =	sshll.u32 s5, $0x1;
	s5 =	sadd.s32 s21, s3  }
0x9d: {  	[timem:s7], [sflag:s22] =	dma.local [hbm:s5], s20  }
0x9e: {  	_ =	swait.ge [sflag:s22], s20  }
0x9f: {  	s4 =	ssub.s32 $0x0, s20;
	[sflag:s22] =	ssyncset.done $0x0  }
0xa0: {  	[sflag:s22] =	ssyncadd.s32 s4;
	_ =	sdelay $0x1  }
0xa1: {  	s23 =	simm.s32 $0x1B8B  }
0xa2: {  	_ =	swait.ge [sflag:s23], $0x1  }
0xa3: {  	[sflag:s23] =	ssyncset.done $0x0  }
0xa4: {  	s25 =	simm.s32 $0x1B8E;
	s24 =	sld [smem:$0x3FFE];
	[sflag:s23] =	ssyncadd.s32 $0xFFFFFFFF  }
0xa5: {  	s26 =	simm.s32 $execute0_lowered;
	[smem:$0x3FD2] =	sst s25  }
0xa6: {  	s5 =	sshll.u32 s26, $0x1;
	_ =	strace $0x80000046;
	[dreg:$0x1] =	wrdreg $0xFFFFFFFF  }
0xa7: {  	s28 =	simm.s32 $_size_execute0_lowered;
	s3 =	sadd.s32 s3, s5;
	[dreg:$0x0] =	wrdreg $0x0  }
0xa8: {  	s5 =	sshll.u32 s28, $0x1;
	[dreg:$0x2] =	wrdreg s3  }
0xa9: {  	[dreg:$0x3] =	wrdreg s5  }
0xaa: {  	[dreg:$0x4] =	wrdreg $0xC0  }
0xab: {  	_ =	task [dreg:s7], $0x5FFFF  }
0xac: {  	[dreg:$0x1] =	wrdreg $0xFFFFFFFF  }
0xad: {  	[dreg:$0x0] =	wrdreg $0x60  }
0xae: {  	[dreg:$0x2] =	wrdreg s24  }
0xaf: {  	[dreg:$0x3] =	wrdreg s2  }
0xb0: {  	[dreg:$0x4] =	wrdreg $0x9  }
0xb1: {  	_ =	task.clear_ibuf [dreg:s7], $0x5FFFF;
	_ =	strace $0x90000046  }
0xb2: {  	s29 =	simm.s32 $0x9;
	_ =	strace $0x80000048  }
0xb3: {  	_ =	swait.ge [sflag:s29], $0x1  }
0xb4: {  	[sflag:s29] =	ssyncadd.s32 $0xFFFFFFFF  }
0xb5: {  	_ =	strace $0x90000048  }
0xb6: {  	_ =	sfence  }
0xb7: {  	s30 =	sld [smem:$0x0];
	_ =	sdelay $0x2  }
0xb8: {  	s31 =	sshll.u32 s1, $0xD;
	s1 =	sshrl.u32 s1, $0x2  }
0xb9: {  	s3 =	sand.u32 $0x4000, s31;
	s1 =	sadd.s32 s1, s30  }
0xba: {  	s0 =	sor.u32 s3, s0;
	s1 =	sshll.u32 s1, $0x11  }
0xbb: {  	s0 =	sor.u32 s1, s0  }
0xbc: {  	s0 =	sadd.s32 $0x8F2B, s0  }
0xbd: {  	[sflag:s0] =	ssyncadd.remote.s32 $0x1  }
0xbe: {  	_ =	sfence.sel $0xFFFF  }
0xbf: {  	[dreg:$0x0] =	wrdreg $0xFFFFFFFF;
	(pc) =	sbr.abs _section_cstart, $3  }
0xc0: {  	[dreg:$0x1] =	wrdreg $0xFFFFFFFF  }
0xc1: {  	_ =	task.clear_ibuf [dreg:s7], $0x2FFFF;
	_ =	strace $0x9FFFFFFF  }
0xc2: {  	(tm) =	ssettm $0x7FFFFFFF  }
0xc3: {  	_ =	shalt  }
tec
execute0_lowered:
.L_overlay_start_1:
0x0: {  	(tag) =	ssettag $0x1  }
0x1: {  	s1 =	srdreg.scid  }
0x2: {  	s2 =	rddreg [dreg:$0x0];
	s0 =	stileid.u32  }
0x3: {  	s6 =	rddreg [dreg:$0x1];
	s3 =	simm.s32 $0x0;
	s11 =	simm.s32 $0x200  }
0x4: {  	s12 =	simm.s32 $0x1000;
	s13 =	simm.s32 $0x1;
	s14 =	simm.s32 $0x2  }
0x5: {  	s15 =	simm.s32 $0x0;
	s4 =	sand.u32 $0x1, s1;
	s1 =	rddreg [dreg:$0x2]  }
0x6: {  	s5 =	sshll.u32 s0, $0xA;
	[smem:$0x7FF] =	sst s3;
	s7 =	sshll.u32 s4, $0x9  }
0x7: {  	_ =	strace $0x80000047;
	s8 =	ssub.s32 $0x2, s4;
	s5 =	sor.u32 s7, s5  }
0x8: {  	s4 =	sadd.s32 $0x200, s2;
	s9 =	sshrl.u32 s8, $0x1;
	s7 =	sshll.u32 s5, $0x3  }
0x9: {  	s10 =	sshll.u32 s5, $0x6;
	s8 =	ssub.s32 s8, s9;
	s9 =	simm.s32 $0x8000  }
0xa: {  	v0 =	vimm.f32 $0.0e+00;
	s7 =	sadd.s32 s7, s2;
	s6 =	sadd.s32 s6, s10;
	s10 =	simm.s32 $0x8400  }
0xb: {  	v0 =	vpack.c.f32.bf16 v0, v0;
	s5 =	sadd.s32 $0x400, s7;
	s7 =	smax.u32 s8, $0x1;
	s8 =	simm.s32 $0x3  }
.LBB2_1:
0xc: {  	[tilespmem:s3], [sflag:$0x3] =	stream.linear.gather [hbm4b:s5+s3], $0x8000, $0x38;
	[tilespmem:$0x18800] =	vst v63  }
0xd: {  	_ =	swait.ge [sflag:s8], $0x8000  }
0xe: {  	[sflag:s8] =	ssyncset.done $0x0  }
0xf: {  	[sflag:s8] =	ssyncadd.s32 $0xFFFF8000  }
0x10: {  	[tilespmem:s9], [sflag:$0x3] =	stream.linear.gather [hbm4b:s4+s3], $0x400, $0x38;
	[tilespmem:$0x18800] =	vst v63  }
0x11: {  	_ =	swait.ge [sflag:s8], $0x400  }
0x12: {  	[sflag:s8] =	ssyncset.done $0x0  }
0x13: {  	[sflag:s8] =	ssyncadd.s32 $0xFFFFFC00  }
0x14: {  	[tilespmem:s10], [sflag:$0x3] =	stream.linear.gather [hbm4b:s2+s3], $0x400, $0x38;
	[tilespmem:$0x18800] =	vst v63  }
0x15: {  	_ =	swait.ge [sflag:s8], $0x400  }
0x16: {  	[sflag:s8] =	ssyncset.done $0x0  }
0x17: {  	s17 =	simm.s32 $0x0;
	[sflag:s8] =	ssyncadd.s32 $0xFFFFFC00  }
.LBB2_2:
0x18: {  	p0 =	seq.s32 s17, $0x0  }
0x19: {  	s18 =	simm.s32 @!p0 $0x1  }
0x1a: {  	s16 =	sshll.u32 s17, $0xD;
	_ =	swait.ge @!p0 [sflag:s18], $0x8000  }
0x1b: {  	s19 =	simm.s32 $0x0;
	s20 =	simm.s32 $0x0;
	[sflag:s18] =	ssyncset.done @!p0 $0x0  }
0x1c: {  	s21 =	simm.s32 $0x0;
	[sflag:s18] =	ssyncadd.s32 @!p0 $0xFFFF8000;
	s18 =	sand.u32 $0x3FFFE000, s16  }
.LBB2_3:
0x1d: {  	s22 =	sand.u32 $0x1800, s21  }
0x1e: {  	s23 =	sshrl.u32 s21, $0x1;
	s22 =	sshrl.u32 s22, $0x1  }
0x1f: {  	s23 =	sand.u32 $0x380, s23;
	s22 =	sadd.s32 s22, s18  }
0x20: {  	s22 =	sadd.s32 s23, s22  }
0x21: {  	v1 =	vld [tilespmem:s22+$0x0];
	_ =	sdelay $0x4  }
0x22: {  	v3 =	vld [tilespmem:$0x8400];
	v2 =	vunpack.c.u.hf16.f32 v1;
	v1 =	vunpack.c.l.hf16.f32 v1  }
0x23: {  	v4 =	vld [tilespmem:$0x8000]  }
0x24: {  	v1 =	vpack.c.f32.bf16 v2, v1;
	_ =	sdelay $0x1  }
0x25: {  	s31 =	sand.u32 $0xC000, s20;
	vm0 =	vlt.bf16 v1, v0;
	vm1 =	vgt.bf16 v1, v0  }
0x26: {  	s22 =	sshrl.u32 s31, $0x1;
	vm0 =	vmor vm1, vm0  }
0x27: {  	s22 =	sor.u32 s23, s22;
	v1 =	vsel vm0, v3, v4  }
0x28: {  	[tilespmem:s22+$0x8800] =	vst v1  }
0x29: {  	v1 =	vld [tilespmem:$0x8410]  }
0x2a: {  	v2 =	vld [tilespmem:$0x8010];
	_ =	sdelay $0x4  }
0x2b: {  	v1 =	vsel vm0, v1, v2  }
0x2c: {  	[tilespmem:s22+$0x8810] =	vst v1  }
0x2d: {  	v1 =	vld [tilespmem:$0x8420]  }
0x2e: {  	v2 =	vld [tilespmem:$0x8020];
	_ =	sdelay $0x4  }
0x2f: {  	v1 =	vsel vm0, v1, v2  }
0x30: {  	[tilespmem:s22+$0x8820] =	vst v1  }
0x31: {  	v1 =	vld [tilespmem:$0x8430]  }
0x32: {  	v2 =	vld [tilespmem:$0x8030];
	_ =	sdelay $0x4  }
0x33: {  	v1 =	vsel vm0, v1, v2  }
0x34: {  	[tilespmem:s22+$0x8830] =	vst v1  }
0x35: {  	v1 =	vld [tilespmem:$0x8440]  }
0x36: {  	v2 =	vld [tilespmem:$0x8040];
	_ =	sdelay $0x4  }
0x37: {  	v1 =	vsel vm0, v1, v2  }
0x38: {  	[tilespmem:s22+$0x8840] =	vst v1  }
0x39: {  	v1 =	vld [tilespmem:$0x8450]  }
0x3a: {  	v2 =	vld [tilespmem:$0x8050];
	_ =	sdelay $0x4  }
0x3b: {  	v1 =	vsel vm0, v1, v2  }
0x3c: {  	[tilespmem:s22+$0x8850] =	vst v1  }
0x3d: {  	v1 =	vld [tilespmem:$0x8460]  }
0x3e: {  	v2 =	vld [tilespmem:$0x8060];
	_ =	sdelay $0x4  }
0x3f: {  	v1 =	vsel vm0, v1, v2  }
0x40: {  	[tilespmem:s22+$0x8860] =	vst v1  }
0x41: {  	v1 =	vld [tilespmem:$0x8470]  }
0x42: {  	v2 =	vld [tilespmem:$0x8070];
	_ =	sdelay $0x4  }
0x43: {  	v1 =	vsel vm0, v1, v2  }
0x44: {  	[tilespmem:s22+$0x8870] =	vst v1  }
0x45: {  	v1 =	vld [tilespmem:$0x8480]  }
0x46: {  	v2 =	vld [tilespmem:$0x8080];
	_ =	sdelay $0x4  }
0x47: {  	v1 =	vsel vm0, v1, v2  }
0x48: {  	[tilespmem:s22+$0x8C00] =	vst v1  }
0x49: {  	v1 =	vld [tilespmem:$0x8490]  }
0x4a: {  	v2 =	vld [tilespmem:$0x8090];
	_ =	sdelay $0x4  }
0x4b: {  	v1 =	vsel vm0, v1, v2  }
0x4c: {  	[tilespmem:s22+$0x8C10] =	vst v1  }
0x4d: {  	v1 =	vld [tilespmem:$0x84A0]  }
0x4e: {  	v2 =	vld [tilespmem:$0x80A0];
	_ =	sdelay $0x4  }
0x4f: {  	v1 =	vsel vm0, v1, v2  }
0x50: {  	[tilespmem:s22+$0x8C20] =	vst v1  }
0x51: {  	v1 =	vld [tilespmem:$0x84B0]  }
0x52: {  	v2 =	vld [tilespmem:$0x80B0];
	_ =	sdelay $0x4  }
0x53: {  	v1 =	vsel vm0, v1, v2  }
0x54: {  	[tilespmem:s22+$0x8C30] =	vst v1  }
0x55: {  	v1 =	vld [tilespmem:$0x84C0]  }
0x56: {  	v2 =	vld [tilespmem:$0x80C0];
	_ =	sdelay $0x4  }
0x57: {  	v1 =	vsel vm0, v1, v2  }
0x58: {  	[tilespmem:s22+$0x8C40] =	vst v1  }
0x59: {  	v1 =	vld [tilespmem:$0x84D0]  }
0x5a: {  	v2 =	vld [tilespmem:$0x80D0];
	_ =	sdelay $0x4  }
0x5b: {  	v1 =	vsel vm0, v1, v2  }
0x5c: {  	[tilespmem:s22+$0x8C50] =	vst v1  }
0x5d: {  	v1 =	vld [tilespmem:$0x84E0]  }
0x5e: {  	v2 =	vld [tilespmem:$0x80E0];
	_ =	sdelay $0x4  }
0x5f: {  	v1 =	vsel vm0, v1, v2  }
0x60: {  	[tilespmem:s22+$0x8C60] =	vst v1  }
0x61: {  	v1 =	vld [tilespmem:$0x84F0]  }
0x62: {  	v2 =	vld [tilespmem:$0x80F0];
	_ =	sdelay $0x4  }
0x63: {  	v1 =	vsel vm0, v1, v2  }
0x64: {  	[tilespmem:s22+$0x8C70] =	vst v1  }
0x65: {  	v1 =	vld [tilespmem:$0x8500]  }
0x66: {  	v2 =	vld [tilespmem:$0x8100];
	_ =	sdelay $0x4  }
0x67: {  	v1 =	vsel vm0, v1, v2  }
0x68: {  	[tilespmem:s22+$0x9000] =	vst v1  }
0x69: {  	v1 =	vld [tilespmem:$0x8510]  }
0x6a: {  	v2 =	vld [tilespmem:$0x8110];
	_ =	sdelay $0x4  }
0x6b: {  	v1 =	vsel vm0, v1, v2  }
0x6c: {  	[tilespmem:s22+$0x9010] =	vst v1  }
0x6d: {  	v1 =	vld [tilespmem:$0x8520]  }
0x6e: {  	v2 =	vld [tilespmem:$0x8120];
	_ =	sdelay $0x4  }
0x6f: {  	v1 =	vsel vm0, v1, v2  }
0x70: {  	[tilespmem:s22+$0x9020] =	vst v1  }
0x71: {  	v1 =	vld [tilespmem:$0x8530]  }
0x72: {  	v2 =	vld [tilespmem:$0x8130];
	_ =	sdelay $0x4  }
0x73: {  	v1 =	vsel vm0, v1, v2  }
0x74: {  	[tilespmem:s22+$0x9030] =	vst v1  }
0x75: {  	v1 =	vld [tilespmem:$0x8540]  }
0x76: {  	v2 =	vld [tilespmem:$0x8140];
	_ =	sdelay $0x4  }
0x77: {  	v1 =	vsel vm0, v1, v2  }
0x78: {  	[tilespmem:s22+$0x9040] =	vst v1  }
0x79: {  	v1 =	vld [tilespmem:$0x8550]  }
0x7a: {  	v2 =	vld [tilespmem:$0x8150];
	_ =	sdelay $0x4  }
0x7b: {  	v1 =	vsel vm0, v1, v2  }
0x7c: {  	[tilespmem:s22+$0x9050] =	vst v1  }
0x7d: {  	v1 =	vld [tilespmem:$0x8560]  }
0x7e: {  	v2 =	vld [tilespmem:$0x8160];
	_ =	sdelay $0x4  }
0x7f: {  	v1 =	vsel vm0, v1, v2  }
0x80: {  	[tilespmem:s22+$0x9060] =	vst v1  }
0x81: {  	v1 =	vld [tilespmem:$0x8570]  }
0x82: {  	v2 =	vld [tilespmem:$0x8170];
	_ =	sdelay $0x4  }
0x83: {  	v1 =	vsel vm0, v1, v2  }
0x84: {  	[tilespmem:s22+$0x9070] =	vst v1  }
0x85: {  	v1 =	vld [tilespmem:$0x8580]  }
0x86: {  	v2 =	vld [tilespmem:$0x8180];
	_ =	sdelay $0x4  }
0x87: {  	v1 =	vsel vm0, v1, v2  }
0x88: {  	[tilespmem:s22+$0x9400] =	vst v1  }
0x89: {  	v1 =	vld [tilespmem:$0x8590]  }
0x8a: {  	v2 =	vld [tilespmem:$0x8190];
	_ =	sdelay $0x4  }
0x8b: {  	v1 =	vsel vm0, v1, v2  }
0x8c: {  	[tilespmem:s22+$0x9410] =	vst v1  }
0x8d: {  	v1 =	vld [tilespmem:$0x85A0]  }
0x8e: {  	v2 =	vld [tilespmem:$0x81A0];
	_ =	sdelay $0x4  }
0x8f: {  	v1 =	vsel vm0, v1, v2  }
0x90: {  	[tilespmem:s22+$0x9420] =	vst v1  }
0x91: {  	v1 =	vld [tilespmem:$0x85B0]  }
0x92: {  	v2 =	vld [tilespmem:$0x81B0];
	_ =	sdelay $0x4  }
0x93: {  	v1 =	vsel vm0, v1, v2  }
0x94: {  	[tilespmem:s22+$0x9430] =	vst v1  }
0x95: {  	v1 =	vld [tilespmem:$0x85C0]  }
0x96: {  	v2 =	vld [tilespmem:$0x81C0];
	_ =	sdelay $0x4  }
0x97: {  	v1 =	vsel vm0, v1, v2  }
0x98: {  	[tilespmem:s22+$0x9440] =	vst v1  }
0x99: {  	v1 =	vld [tilespmem:$0x85D0]  }
0x9a: {  	v2 =	vld [tilespmem:$0x81D0];
	_ =	sdelay $0x4  }
0x9b: {  	v1 =	vsel vm0, v1, v2  }
0x9c: {  	[tilespmem:s22+$0x9450] =	vst v1  }
0x9d: {  	v1 =	vld [tilespmem:$0x85E0]  }
0x9e: {  	v2 =	vld [tilespmem:$0x81E0];
	_ =	sdelay $0x4  }
0x9f: {  	v1 =	vsel vm0, v1, v2  }
0xa0: {  	[tilespmem:s22+$0x9460] =	vst v1  }
0xa1: {  	v1 =	vld [tilespmem:$0x85F0]  }
0xa2: {  	v2 =	vld [tilespmem:$0x81F0];
	_ =	sdelay $0x4  }
0xa3: {  	v1 =	vsel vm0, v1, v2  }
0xa4: {  	[tilespmem:s22+$0x9470] =	vst v1  }
0xa5: {  	v1 =	vld [tilespmem:$0x8600]  }
0xa6: {  	v2 =	vld [tilespmem:$0x8200];
	_ =	sdelay $0x4  }
0xa7: {  	v1 =	vsel vm0, v1, v2  }
0xa8: {  	[tilespmem:s22+$0x9800] =	vst v1  }
0xa9: {  	v1 =	vld [tilespmem:$0x8610]  }
0xaa: {  	v2 =	vld [tilespmem:$0x8210];
	_ =	sdelay $0x4  }
0xab: {  	v1 =	vsel vm0, v1, v2  }
0xac: {  	[tilespmem:s22+$0x9810] =	vst v1  }
0xad: {  	v1 =	vld [tilespmem:$0x8620]  }
0xae: {  	v2 =	vld [tilespmem:$0x8220];
	_ =	sdelay $0x4  }
0xaf: {  	v1 =	vsel vm0, v1, v2  }
0xb0: {  	[tilespmem:s22+$0x9820] =	vst v1  }
0xb1: {  	v1 =	vld [tilespmem:$0x8630]  }
0xb2: {  	v2 =	vld [tilespmem:$0x8230];
	_ =	sdelay $0x4  }
0xb3: {  	v1 =	vsel vm0, v1, v2  }
0xb4: {  	[tilespmem:s22+$0x9830] =	vst v1  }
0xb5: {  	v1 =	vld [tilespmem:$0x8640]  }
0xb6: {  	v2 =	vld [tilespmem:$0x8240];
	_ =	sdelay $0x4  }
0xb7: {  	v1 =	vsel vm0, v1, v2  }
0xb8: {  	[tilespmem:s22+$0x9840] =	vst v1  }
0xb9: {  	v1 =	vld [tilespmem:$0x8650]  }
0xba: {  	v2 =	vld [tilespmem:$0x8250];
	_ =	sdelay $0x4  }
0xbb: {  	v1 =	vsel vm0, v1, v2  }
0xbc: {  	[tilespmem:s22+$0x9850] =	vst v1  }
0xbd: {  	v1 =	vld [tilespmem:$0x8660]  }
0xbe: {  	v2 =	vld [tilespmem:$0x8260];
	_ =	sdelay $0x4  }
0xbf: {  	v1 =	vsel vm0, v1, v2  }
0xc0: {  	[tilespmem:s22+$0x9860] =	vst v1  }
0xc1: {  	v1 =	vld [tilespmem:$0x8670]  }
0xc2: {  	v2 =	vld [tilespmem:$0x8270];
	_ =	sdelay $0x4  }
0xc3: {  	v1 =	vsel vm0, v1, v2  }
0xc4: {  	[tilespmem:s22+$0x9870] =	vst v1  }
0xc5: {  	v1 =	vld [tilespmem:$0x8680]  }
0xc6: {  	v2 =	vld [tilespmem:$0x8280];
	_ =	sdelay $0x4  }
0xc7: {  	v1 =	vsel vm0, v1, v2  }
0xc8: {  	[tilespmem:s22+$0x9C00] =	vst v1  }
0xc9: {  	v1 =	vld [tilespmem:$0x8690]  }
0xca: {  	v2 =	vld [tilespmem:$0x8290];
	_ =	sdelay $0x4  }
0xcb: {  	v1 =	vsel vm0, v1, v2  }
0xcc: {  	[tilespmem:s22+$0x9C10] =	vst v1  }
0xcd: {  	v1 =	vld [tilespmem:$0x86A0]  }
0xce: {  	v2 =	vld [tilespmem:$0x82A0];
	_ =	sdelay $0x4  }
0xcf: {  	v1 =	vsel vm0, v1, v2  }
0xd0: {  	[tilespmem:s22+$0x9C20] =	vst v1  }
0xd1: {  	v1 =	vld [tilespmem:$0x86B0]  }
0xd2: {  	v2 =	vld [tilespmem:$0x82B0];
	_ =	sdelay $0x4  }
0xd3: {  	v1 =	vsel vm0, v1, v2  }
0xd4: {  	[tilespmem:s22+$0x9C30] =	vst v1  }
0xd5: {  	v1 =	vld [tilespmem:$0x86C0]  }
0xd6: {  	v2 =	vld [tilespmem:$0x82C0];
	_ =	sdelay $0x4  }
0xd7: {  	v1 =	vsel vm0, v1, v2  }
0xd8: {  	[tilespmem:s22+$0x9C40] =	vst v1  }
0xd9: {  	v1 =	vld [tilespmem:$0x86D0]  }
0xda: {  	v2 =	vld [tilespmem:$0x82D0];
	_ =	sdelay $0x4  }
0xdb: {  	v1 =	vsel vm0, v1, v2  }
0xdc: {  	[tilespmem:s22+$0x9C50] =	vst v1  }
0xdd: {  	v1 =	vld [tilespmem:$0x86E0]  }
0xde: {  	v2 =	vld [tilespmem:$0x82E0];
	_ =	sdelay $0x4  }
0xdf: {  	v1 =	vsel vm0, v1, v2  }
0xe0: {  	[tilespmem:s22+$0x9C60] =	vst v1  }
0xe1: {  	v1 =	vld [tilespmem:$0x86F0]  }
0xe2: {  	v2 =	vld [tilespmem:$0x82F0];
	_ =	sdelay $0x4  }
0xe3: {  	v1 =	vsel vm0, v1, v2  }
0xe4: {  	[tilespmem:s22+$0x9C70] =	vst v1  }
0xe5: {  	v1 =	vld [tilespmem:$0x8700]  }
0xe6: {  	v2 =	vld [tilespmem:$0x8300];
	_ =	sdelay $0x4  }
0xe7: {  	v1 =	vsel vm0, v1, v2  }
0xe8: {  	[tilespmem:s22+$0xA000] =	vst v1  }
0xe9: {  	v1 =	vld [tilespmem:$0x8710]  }
0xea: {  	v2 =	vld [tilespmem:$0x8310];
	_ =	sdelay $0x4  }
0xeb: {  	v1 =	vsel vm0, v1, v2  }
0xec: {  	[tilespmem:s22+$0xA010] =	vst v1  }
0xed: {  	v1 =	vld [tilespmem:$0x8720]  }
0xee: {  	v2 =	vld [tilespmem:$0x8320];
	_ =	sdelay $0x4  }
0xef: {  	v1 =	vsel vm0, v1, v2  }
0xf0: {  	[tilespmem:s22+$0xA020] =	vst v1  }
0xf1: {  	v1 =	vld [tilespmem:$0x8730]  }
0xf2: {  	v2 =	vld [tilespmem:$0x8330];
	_ =	sdelay $0x4  }
0xf3: {  	v1 =	vsel vm0, v1, v2  }
0xf4: {  	[tilespmem:s22+$0xA030] =	vst v1  }
0xf5: {  	v1 =	vld [tilespmem:$0x8740]  }
0xf6: {  	v2 =	vld [tilespmem:$0x8340];
	_ =	sdelay $0x4  }
0xf7: {  	v1 =	vsel vm0, v1, v2  }
0xf8: {  	[tilespmem:s22+$0xA040] =	vst v1  }
0xf9: {  	v1 =	vld [tilespmem:$0x8750]  }
0xfa: {  	v2 =	vld [tilespmem:$0x8350];
	_ =	sdelay $0x4  }
0xfb: {  	v1 =	vsel vm0, v1, v2  }
0xfc: {  	[tilespmem:s22+$0xA050] =	vst v1  }
0xfd: {  	v1 =	vld [tilespmem:$0x8760]  }
0xfe: {  	v2 =	vld [tilespmem:$0x8360];
	_ =	sdelay $0x4  }
0xff: {  	v1 =	vsel vm0, v1, v2  }
0x100: {  	[tilespmem:s22+$0xA060] =	vst v1  }
0x101: {  	v1 =	vld [tilespmem:$0x8770]  }
0x102: {  	v2 =	vld [tilespmem:$0x8370];
	_ =	sdelay $0x4  }
0x103: {  	v1 =	vsel vm0, v1, v2  }
0x104: {  	[tilespmem:s22+$0xA070] =	vst v1  }
0x105: {  	v1 =	vld [tilespmem:$0x8780]  }
0x106: {  	v2 =	vld [tilespmem:$0x8380]  }
0x107: {  	s23 =	sand.u32 $0x7, s19  }
0x108: {  	s22 =	sshll.u32 s23, $0x8  }
0x109: {  	s22 =	sadd.s32 s22, s20  }
0x10a: {  	s24 =	sor.u32 $0x3800, s22  }
0x10b: {  	s23 =	sshra.s32 s24, $0x1;
	v1 =	vsel vm0, v1, v2  }
0x10c: {  	[tilespmem:s23+$0x8800] =	vst v1  }
0x10d: {  	v1 =	vld [tilespmem:$0x8790]  }
0x10e: {  	v2 =	vld [tilespmem:$0x8390];
	_ =	sdelay $0x3  }
0x10f: {  	s25 =	sor.u32 $0x3820, s22  }
0x110: {  	s23 =	sshra.s32 s25, $0x1;
	v1 =	vsel vm0, v1, v2  }
0x111: {  	[tilespmem:s23+$0x8800] =	vst v1  }
0x112: {  	v1 =	vld [tilespmem:$0x87A0]  }
0x113: {  	v2 =	vld [tilespmem:$0x83A0];
	_ =	sdelay $0x3  }
0x114: {  	s26 =	sor.u32 $0x3840, s22  }
0x115: {  	s23 =	sshra.s32 s26, $0x1;
	v1 =	vsel vm0, v1, v2  }
0x116: {  	[tilespmem:s23+$0x8800] =	vst v1  }
0x117: {  	v1 =	vld [tilespmem:$0x87B0]  }
0x118: {  	v2 =	vld [tilespmem:$0x83B0];
	_ =	sdelay $0x3  }
0x119: {  	s28 =	sor.u32 $0x3860, s22  }
0x11a: {  	s23 =	sshra.s32 s28, $0x1;
	v1 =	vsel vm0, v1, v2  }
0x11b: {  	[tilespmem:s23+$0x8800] =	vst v1  }
0x11c: {  	v1 =	vld [tilespmem:$0x87C0]  }
0x11d: {  	v2 =	vld [tilespmem:$0x83C0];
	_ =	sdelay $0x3  }
0x11e: {  	s29 =	sor.u32 $0x3880, s22  }
0x11f: {  	s23 =	sshra.s32 s29, $0x1;
	v1 =	vsel vm0, v1, v2  }
0x120: {  	[tilespmem:s23+$0x8800] =	vst v1  }
0x121: {  	v1 =	vld [tilespmem:$0x87D0]  }
0x122: {  	v2 =	vld [tilespmem:$0x83D0];
	_ =	sdelay $0x3  }
0x123: {  	s30 =	sor.u32 $0x38A0, s22  }
0x124: {  	s23 =	sshra.s32 s30, $0x1;
	v1 =	vsel vm0, v1, v2  }
0x125: {  	[tilespmem:s23+$0x8800] =	vst v1  }
0x126: {  	v1 =	vld [tilespmem:$0x87E0]  }
0x127: {  	v2 =	vld [tilespmem:$0x83E0];
	_ =	sdelay $0x3  }
0x128: {  	s31 =	sor.u32 $0x38C0, s22  }
0x129: {  	s23 =	sshra.s32 s31, $0x1;
	v1 =	vsel vm0, v1, v2  }
0x12a: {  	[tilespmem:s23+$0x8800] =	vst v1  }
0x12b: {  	v1 =	vld [tilespmem:$0x87F0]  }
0x12c: {  	v2 =	vld [tilespmem:$0x83F0]  }
0x12d: {  	p0 =	sne.s32 s21, $0x1F00  }
.Ltmp0:
0x12e: {  	_ = 	snop;
	(pc) =	sbr.rel @p0 .LBB2_3-.Ltmp0, $4  }
0x12f: {  	_ = 	snop  }
0x130: {  	s22 =	sor.u32 $0x38E0, s22  }
0x131: {  	s22 =	sshra.s32 s22, $0x1;
	v1 =	vsel vm0, v1, v2  }
0x132: {  	s21 =	sadd.s32 $0x100, s21;
	s19 =	sadd.s32 $0x1, s19;
	s20 =	sadd.s32 $0x800, s20;
	[tilespmem:s22+$0x8800] =	vst v1  }
0x133: {  	s18 =	sadd.s32 s16, s6;
	s19 =	simm.s32 $0x8800  }
0x134: {  	[hbm4b:s18+s11] =	stream.strided.scatter [tilespmem:s19], [sflag:$0x1], $0x400, s12, s11, $0x38;
	[tilespmem:$0x18800] =	vst v63  }
0x135: {  	s20 =	simm.s32 $0x8C00;
	s19 =	sadd.s32 $0x40, s18  }
0x136: {  	[hbm4b:s19+s11] =	stream.strided.scatter [tilespmem:s20], [sflag:$0x1], $0x400, s12, s11, $0x38;
	[tilespmem:$0x18800] =	vst v63  }
0x137: {  	s21 =	simm.s32 $0x9000;
	s23 =	simm.s32 $0x9400;
	s22 =	sadd.s32 $0x80, s18  }
0x138: {  	[hbm4b:s22+s11] =	stream.strided.scatter [tilespmem:s21], [sflag:$0x1], $0x400, s12, s11, $0x38;
	[tilespmem:$0x18800] =	vst v63  }
0x139: {  	s25 =	simm.s32 $0x9800;
	s28 =	simm.s32 $0x9C00;
	s24 =	sadd.s32 $0xC0, s18  }
0x13a: {  	[hbm4b:s24+s11] =	stream.strided.scatter [tilespmem:s23], [sflag:$0x1], $0x400, s12, s11, $0x38;
	[tilespmem:$0x18800] =	vst v63  }
0x13b: {  	s30 =	simm.s32 $0xA000;
	s16 =	simm.s32 $0x2000;
	s26 =	sadd.s32 $0x100, s18  }
0x13c: {  	[hbm4b:s26+s11] =	stream.strided.scatter [tilespmem:s25], [sflag:$0x1], $0x400, s12, s11, $0x38;
	[tilespmem:$0x18800] =	vst v63  }
0x13d: {  	s29 =	sadd.s32 $0x140, s18;
	s31 =	sadd.s32 $0x180, s18;
	s19 =	simm.s32 $0x10000  }
0x13e: {  	[hbm4b:s29+s11] =	stream.strided.scatter [tilespmem:s28], [sflag:$0x1], $0x400, s12, s11, $0x38;
	[tilespmem:$0x18800] =	vst v63  }
0x13f: {  	s20 =	simm.s32 $0xA400;
	s21 =	sadd.s32 $0x1C0, s18;
	s18 =	sadd.s32 $0x400, s18  }
0x140: {  	[hbm4b:s31+s11] =	stream.strided.scatter [tilespmem:s30], [sflag:$0x1], $0x400, s12, s11, $0x38;
	[tilespmem:$0x18800] =	vst v63  }
.LBB2_5:
0x141: {  	[hbm4b:s21+s11] =	stream.strided.scatter [tilespmem:s20], [sflag:$0x1], $0x400, s12, s11, $0x38;
	[tilespmem:$0x18800] =	vst v63  }
0x142: {  	s20 =	smov.u32 s16;
	s16 =	smov.u32 s19  }
0x143: {  	s22 =	sadd.s32 $0x8000, s19;
	s16 =	sshra.s32 s16, $0x2;
	s21 =	sadd.s32 $0x8800, s20  }
0x144: {  	[hbm4b:s18+s11] =	stream.strided.scatter [tilespmem:s21], [sflag:$0x1], $0x400, s12, s11, $0x38;
	[tilespmem:$0x18800] =	vst v63  }
0x145: {  	p0 =	sne.s32 s19, $0x18000;
	s19 =	sadd.s32 $0x8C00, s20;
	s21 =	sadd.s32 $0x40, s18  }
0x146: {  	[hbm4b:s21+s11] =	stream.strided.scatter [tilespmem:s19], [sflag:$0x1], $0x400, s12, s11, $0x38;
	[tilespmem:$0x18800] =	vst v63  }
0x147: {  	s19 =	sadd.s32 $0x9000, s20;
	s21 =	sadd.s32 $0x80, s18  }
0x148: {  	[hbm4b:s21+s11] =	stream.strided.scatter [tilespmem:s19], [sflag:$0x1], $0x400, s12, s11, $0x38;
	[tilespmem:$0x18800] =	vst v63  }
0x149: {  	s19 =	sadd.s32 $0x9400, s20;
	s21 =	sadd.s32 $0xC0, s18  }
0x14a: {  	[hbm4b:s21+s11] =	stream.strided.scatter [tilespmem:s19], [sflag:$0x1], $0x400, s12, s11, $0x38;
	[tilespmem:$0x18800] =	vst v63  }
0x14b: {  	s19 =	sadd.s32 $0x9800, s20;
	s21 =	sadd.s32 $0x100, s18  }
0x14c: {  	[hbm4b:s21+s11] =	stream.strided.scatter [tilespmem:s19], [sflag:$0x1], $0x400, s12, s11, $0x38;
	[tilespmem:$0x18800] =	vst v63  }
.Ltmp1:
0x14d: {  	s19 =	sadd.s32 $0x9C00, s20;
	s21 =	sadd.s32 $0x140, s18;
	(pc) =	sbr.rel @p0 .LBB2_5-.Ltmp1, $4  }
0x14e: {  	[hbm4b:s21+s11] =	stream.strided.scatter [tilespmem:s19], [sflag:$0x1], $0x400, s12, s11, $0x38;
	[tilespmem:$0x18800] =	vst v63  }
0x14f: {  	s19 =	sadd.s32 $0xA000, s20;
	s21 =	sadd.s32 $0x180, s18;
	s20 =	sadd.s32 $0xA400, s20  }
0x150: {  	[hbm4b:s21+s11] =	stream.strided.scatter [tilespmem:s19], [sflag:$0x1], $0x400, s12, s11, $0x38;
	[tilespmem:$0x18800] =	vst v63  }
0x151: {  	s21 =	sadd.s32 $0x1C0, s18;
	s18 =	sadd.s32 $0x400, s18;
	s19 =	smov.u32 s22  }
0x152: {  	[hbm4b:s21+s11] =	stream.strided.scatter [tilespmem:s20], [sflag:$0x1], $0x400, s12, s11, $0x38;
	[tilespmem:$0x18800] =	vst v63  }
0x153: {  	s19 =	sadd.s32 $0x8800, s16  }
0x154: {  	[hbm4b:s18+s11] =	stream.strided.scatter [tilespmem:s19], [sflag:$0x1], $0x400, s12, s11, $0x38;
	[tilespmem:$0x18800] =	vst v63  }
0x155: {  	s28 =	sadd.s32 $0x8C00, s16;
	s29 =	sadd.s32 $0x40, s18  }
0x156: {  	[hbm4b:s29+s11] =	stream.strided.scatter [tilespmem:s28], [sflag:$0x1], $0x400, s12, s11, $0x38;
	[tilespmem:$0x18800] =	vst v63  }
0x157: {  	s30 =	sadd.s32 $0x9000, s16;
	s31 =	sadd.s32 $0x80, s18  }
0x158: {  	[hbm4b:s31+s11] =	stream.strided.scatter [tilespmem:s30], [sflag:$0x1], $0x400, s12, s11, $0x38;
	[tilespmem:$0x18800] =	vst v63  }
0x159: {  	s21 =	sadd.s32 $0x9400, s16;
	s22 =	sadd.s32 $0xC0, s18  }
0x15a: {  	[hbm4b:s22+s11] =	stream.strided.scatter [tilespmem:s21], [sflag:$0x1], $0x400, s12, s11, $0x38;
	[tilespmem:$0x18800] =	vst v63  }
0x15b: {  	s23 =	sadd.s32 $0x9800, s16;
	s24 =	sadd.s32 $0x100, s18;
	s17 =	sadd.s32 $0x1, s17  }
0x15c: {  	[hbm4b:s24+s11] =	stream.strided.scatter [tilespmem:s23], [sflag:$0x1], $0x400, s12, s11, $0x38;
	[tilespmem:$0x18800] =	vst v63  }
0x15d: {  	s25 =	sadd.s32 $0x9C00, s16;
	s26 =	sadd.s32 $0x140, s18;
	p0 =	sne.s32 s17, $0x4  }
0x15e: {  	[hbm4b:s26+s11] =	stream.strided.scatter [tilespmem:s25], [sflag:$0x1], $0x400, s12, s11, $0x38;
	[tilespmem:$0x18800] =	vst v63  }
.Ltmp2:
0x15f: {  	_ = 	snop;
	(pc) =	sbr.rel @p0 .LBB2_2-.Ltmp2, $4  }
0x160: {  	s28 =	sadd.s32 $0xA000, s16;
	s29 =	sadd.s32 $0x180, s18  }
0x161: {  	[hbm4b:s29+s11] =	stream.strided.scatter [tilespmem:s28], [sflag:$0x1], $0x400, s12, s11, $0x38;
	[tilespmem:$0x18800] =	vst v63  }
0x162: {  	s30 =	sadd.s32 $0xA400, s16;
	s31 =	sadd.s32 $0x1C0, s18;
	s16 =	simm.s32 $0x0  }
0x163: {  	[hbm4b:s31+s11] =	stream.strided.scatter [tilespmem:s30], [sflag:$0x1], $0x400, s12, s11, $0x38;
	[tilespmem:$0x18800] =	vst v63  }
.LBB2_7:
0x164: {  	p0 =	seq.s32 s16, $0x0  }
0x165: {  	s18 =	simm.s32 @!p0 $0x2  }
0x166: {  	s17 =	sshllo.u32 s16, $0x1;
	s19 =	simm.s32 $0x0;
	_ =	swait.ge @!p0 [sflag:s18], $0x8000  }
0x167: {  	s20 =	simm.s32 $0x0;
	s17 =	sshll.u32 s17, $0xC;
	[sflag:s18] =	ssyncset.done @!p0 $0x0  }
0x168: {  	s21 =	simm.s32 $0x0;
	[sflag:s18] =	ssyncadd.s32 @!p0 $0xFFFF8000;
	s18 =	sand.u32 $0x3FFFF000, s17  }
.LBB2_8:
0x169: {  	s22 =	sand.u32 $0x1800, s21  }
0x16a: {  	s23 =	sshrl.u32 s21, $0x1;
	s22 =	sshrl.u32 s22, $0x1  }
0x16b: {  	s23 =	sand.u32 $0x380, s23;
	s22 =	sadd.s32 s22, s18  }
0x16c: {  	s22 =	sadd.s32 s23, s22  }
0x16d: {  	v1 =	vld [tilespmem:s22+$0x0];
	_ =	sdelay $0x4  }
0x16e: {  	v3 =	vld [tilespmem:$0x8400];
	v2 =	vunpack.c.u.hf16.f32 v1;
	v1 =	vunpack.c.l.hf16.f32 v1  }
0x16f: {  	v4 =	vld [tilespmem:$0x8000]  }
0x170: {  	v1 =	vpack.c.f32.bf16 v2, v1;
	_ =	sdelay $0x1  }
0x171: {  	s31 =	sand.u32 $0xC000, s20;
	vm0 =	vlt.bf16 v1, v0;
	vm1 =	vgt.bf16 v1, v0  }
0x172: {  	s22 =	sshrl.u32 s31, $0x1;
	vm0 =	vmor vm1, vm0  }
0x173: {  	s22 =	sor.u32 s23, s22;
	v1 =	vsel vm0, v3, v4  }
0x174: {  	[tilespmem:s22+$0x10800] =	vst v1  }
0x175: {  	v1 =	vld [tilespmem:$0x8410]  }
0x176: {  	v2 =	vld [tilespmem:$0x8010];
	_ =	sdelay $0x4  }
0x177: {  	v1 =	vsel vm0, v1, v2  }
0x178: {  	[tilespmem:s22+$0x10810] =	vst v1  }
0x179: {  	v1 =	vld [tilespmem:$0x8420]  }
0x17a: {  	v2 =	vld [tilespmem:$0x8020];
	_ =	sdelay $0x4  }
0x17b: {  	v1 =	vsel vm0, v1, v2  }
0x17c: {  	[tilespmem:s22+$0x10820] =	vst v1  }
0x17d: {  	v1 =	vld [tilespmem:$0x8430]  }
0x17e: {  	v2 =	vld [tilespmem:$0x8030];
	_ =	sdelay $0x4  }
0x17f: {  	v1 =	vsel vm0, v1, v2  }
0x180: {  	[tilespmem:s22+$0x10830] =	vst v1  }
0x181: {  	v1 =	vld [tilespmem:$0x8440]  }
0x182: {  	v2 =	vld [tilespmem:$0x8040];
	_ =	sdelay $0x4  }
0x183: {  	v1 =	vsel vm0, v1, v2  }
0x184: {  	[tilespmem:s22+$0x10840] =	vst v1  }
0x185: {  	v1 =	vld [tilespmem:$0x8450]  }
0x186: {  	v2 =	vld [tilespmem:$0x8050];
	_ =	sdelay $0x4  }
0x187: {  	v1 =	vsel vm0, v1, v2  }
0x188: {  	[tilespmem:s22+$0x10850] =	vst v1  }
0x189: {  	v1 =	vld [tilespmem:$0x8460]  }
0x18a: {  	v2 =	vld [tilespmem:$0x8060];
	_ =	sdelay $0x4  }
0x18b: {  	v1 =	vsel vm0, v1, v2  }
0x18c: {  	[tilespmem:s22+$0x10860] =	vst v1  }
0x18d: {  	v1 =	vld [tilespmem:$0x8470]  }
0x18e: {  	v2 =	vld [tilespmem:$0x8070];
	_ =	sdelay $0x4  }
0x18f: {  	v1 =	vsel vm0, v1, v2  }
0x190: {  	[tilespmem:s22+$0x10870] =	vst v1  }
0x191: {  	v1 =	vld [tilespmem:$0x8480]  }
0x192: {  	v2 =	vld [tilespmem:$0x8080];
	_ =	sdelay $0x4  }
0x193: {  	v1 =	vsel vm0, v1, v2  }
0x194: {  	[tilespmem:s22+$0x10C00] =	vst v1  }
0x195: {  	v1 =	vld [tilespmem:$0x8490]  }
0x196: {  	v2 =	vld [tilespmem:$0x8090];
	_ =	sdelay $0x4  }
0x197: {  	v1 =	vsel vm0, v1, v2  }
0x198: {  	[tilespmem:s22+$0x10C10] =	vst v1  }
0x199: {  	v1 =	vld [tilespmem:$0x84A0]  }
0x19a: {  	v2 =	vld [tilespmem:$0x80A0];
	_ =	sdelay $0x4  }
0x19b: {  	v1 =	vsel vm0, v1, v2  }
0x19c: {  	[tilespmem:s22+$0x10C20] =	vst v1  }
0x19d: {  	v1 =	vld [tilespmem:$0x84B0]  }
0x19e: {  	v2 =	vld [tilespmem:$0x80B0];
	_ =	sdelay $0x4  }
0x19f: {  	v1 =	vsel vm0, v1, v2  }
0x1a0: {  	[tilespmem:s22+$0x10C30] =	vst v1  }
0x1a1: {  	v1 =	vld [tilespmem:$0x84C0]  }
0x1a2: {  	v2 =	vld [tilespmem:$0x80C0];
	_ =	sdelay $0x4  }
0x1a3: {  	v1 =	vsel vm0, v1, v2  }
0x1a4: {  	[tilespmem:s22+$0x10C40] =	vst v1  }
0x1a5: {  	v1 =	vld [tilespmem:$0x84D0]  }
0x1a6: {  	v2 =	vld [tilespmem:$0x80D0];
	_ =	sdelay $0x4  }
0x1a7: {  	v1 =	vsel vm0, v1, v2  }
0x1a8: {  	[tilespmem:s22+$0x10C50] =	vst v1  }
0x1a9: {  	v1 =	vld [tilespmem:$0x84E0]  }
0x1aa: {  	v2 =	vld [tilespmem:$0x80E0];
	_ =	sdelay $0x4  }
0x1ab: {  	v1 =	vsel vm0, v1, v2  }
0x1ac: {  	[tilespmem:s22+$0x10C60] =	vst v1  }
0x1ad: {  	v1 =	vld [tilespmem:$0x84F0]  }
0x1ae: {  	v2 =	vld [tilespmem:$0x80F0];
	_ =	sdelay $0x4  }
0x1af: {  	v1 =	vsel vm0, v1, v2  }
0x1b0: {  	[tilespmem:s22+$0x10C70] =	vst v1  }
0x1b1: {  	v1 =	vld [tilespmem:$0x8500]  }
0x1b2: {  	v2 =	vld [tilespmem:$0x8100];
	_ =	sdelay $0x4  }
0x1b3: {  	v1 =	vsel vm0, v1, v2  }
0x1b4: {  	[tilespmem:s22+$0x11000] =	vst v1  }
0x1b5: {  	v1 =	vld [tilespmem:$0x8510]  }
0x1b6: {  	v2 =	vld [tilespmem:$0x8110];
	_ =	sdelay $0x4  }
0x1b7: {  	v1 =	vsel vm0, v1, v2  }
0x1b8: {  	[tilespmem:s22+$0x11010] =	vst v1  }
0x1b9: {  	v1 =	vld [tilespmem:$0x8520]  }
0x1ba: {  	v2 =	vld [tilespmem:$0x8120];
	_ =	sdelay $0x4  }
0x1bb: {  	v1 =	vsel vm0, v1, v2  }
0x1bc: {  	[tilespmem:s22+$0x11020] =	vst v1  }
0x1bd: {  	v1 =	vld [tilespmem:$0x8530]  }
0x1be: {  	v2 =	vld [tilespmem:$0x8130];
	_ =	sdelay $0x4  }
0x1bf: {  	v1 =	vsel vm0, v1, v2  }
0x1c0: {  	[tilespmem:s22+$0x11030] =	vst v1  }
0x1c1: {  	v1 =	vld [tilespmem:$0x8540]  }
0x1c2: {  	v2 =	vld [tilespmem:$0x8140];
	_ =	sdelay $0x4  }
0x1c3: {  	v1 =	vsel vm0, v1, v2  }
0x1c4: {  	[tilespmem:s22+$0x11040] =	vst v1  }
0x1c5: {  	v1 =	vld [tilespmem:$0x8550]  }
0x1c6: {  	v2 =	vld [tilespmem:$0x8150];
	_ =	sdelay $0x4  }
0x1c7: {  	v1 =	vsel vm0, v1, v2  }
0x1c8: {  	[tilespmem:s22+$0x11050] =	vst v1  }
0x1c9: {  	v1 =	vld [tilespmem:$0x8560]  }
0x1ca: {  	v2 =	vld [tilespmem:$0x8160];
	_ =	sdelay $0x4  }
0x1cb: {  	v1 =	vsel vm0, v1, v2  }
0x1cc: {  	[tilespmem:s22+$0x11060] =	vst v1  }
0x1cd: {  	v1 =	vld [tilespmem:$0x8570]  }
0x1ce: {  	v2 =	vld [tilespmem:$0x8170];
	_ =	sdelay $0x4  }
0x1cf: {  	v1 =	vsel vm0, v1, v2  }
0x1d0: {  	[tilespmem:s22+$0x11070] =	vst v1  }
0x1d1: {  	v1 =	vld [tilespmem:$0x8580]  }
0x1d2: {  	v2 =	vld [tilespmem:$0x8180];
	_ =	sdelay $0x4  }
0x1d3: {  	v1 =	vsel vm0, v1, v2  }
0x1d4: {  	[tilespmem:s22+$0x11400] =	vst v1  }
0x1d5: {  	v1 =	vld [tilespmem:$0x8590]  }
0x1d6: {  	v2 =	vld [tilespmem:$0x8190];
	_ =	sdelay $0x4  }
0x1d7: {  	v1 =	vsel vm0, v1, v2  }
0x1d8: {  	[tilespmem:s22+$0x11410] =	vst v1  }
0x1d9: {  	v1 =	vld [tilespmem:$0x85A0]  }
0x1da: {  	v2 =	vld [tilespmem:$0x81A0];
	_ =	sdelay $0x4  }
0x1db: {  	v1 =	vsel vm0, v1, v2  }
0x1dc: {  	[tilespmem:s22+$0x11420] =	vst v1  }
0x1dd: {  	v1 =	vld [tilespmem:$0x85B0]  }
0x1de: {  	v2 =	vld [tilespmem:$0x81B0];
	_ =	sdelay $0x4  }
0x1df: {  	v1 =	vsel vm0, v1, v2  }
0x1e0: {  	[tilespmem:s22+$0x11430] =	vst v1  }
0x1e1: {  	v1 =	vld [tilespmem:$0x85C0]  }
0x1e2: {  	v2 =	vld [tilespmem:$0x81C0];
	_ =	sdelay $0x4  }
0x1e3: {  	v1 =	vsel vm0, v1, v2  }
0x1e4: {  	[tilespmem:s22+$0x11440] =	vst v1  }
0x1e5: {  	v1 =	vld [tilespmem:$0x85D0]  }
0x1e6: {  	v2 =	vld [tilespmem:$0x81D0];
	_ =	sdelay $0x4  }
0x1e7: {  	v1 =	vsel vm0, v1, v2  }
0x1e8: {  	[tilespmem:s22+$0x11450] =	vst v1  }
0x1e9: {  	v1 =	vld [tilespmem:$0x85E0]  }
0x1ea: {  	v2 =	vld [tilespmem:$0x81E0];
	_ =	sdelay $0x4  }
0x1eb: {  	v1 =	vsel vm0, v1, v2  }
0x1ec: {  	[tilespmem:s22+$0x11460] =	vst v1  }
0x1ed: {  	v1 =	vld [tilespmem:$0x85F0]  }
0x1ee: {  	v2 =	vld [tilespmem:$0x81F0];
	_ =	sdelay $0x4  }
0x1ef: {  	v1 =	vsel vm0, v1, v2  }
0x1f0: {  	[tilespmem:s22+$0x11470] =	vst v1  }
0x1f1: {  	v1 =	vld [tilespmem:$0x8600]  }
0x1f2: {  	v2 =	vld [tilespmem:$0x8200];
	_ =	sdelay $0x4  }
0x1f3: {  	v1 =	vsel vm0, v1, v2  }
0x1f4: {  	[tilespmem:s22+$0x11800] =	vst v1  }
0x1f5: {  	v1 =	vld [tilespmem:$0x8610]  }
0x1f6: {  	v2 =	vld [tilespmem:$0x8210];
	_ =	sdelay $0x4  }
0x1f7: {  	v1 =	vsel vm0, v1, v2  }
0x1f8: {  	[tilespmem:s22+$0x11810] =	vst v1  }
0x1f9: {  	v1 =	vld [tilespmem:$0x8620]  }
0x1fa: {  	v2 =	vld [tilespmem:$0x8220];
	_ =	sdelay $0x4  }
0x1fb: {  	v1 =	vsel vm0, v1, v2  }
0x1fc: {  	[tilespmem:s22+$0x11820] =	vst v1  }
0x1fd: {  	v1 =	vld [tilespmem:$0x8630]  }
0x1fe: {  	v2 =	vld [tilespmem:$0x8230];
	_ =	sdelay $0x4  }
0x1ff: {  	v1 =	vsel vm0, v1, v2  }
0x200: {  	[tilespmem:s22+$0x11830] =	vst v1  }
0x201: {  	v1 =	vld [tilespmem:$0x8640]  }
0x202: {  	v2 =	vld [tilespmem:$0x8240];
	_ =	sdelay $0x4  }
0x203: {  	v1 =	vsel vm0, v1, v2  }
0x204: {  	[tilespmem:s22+$0x11840] =	vst v1  }
0x205: {  	v1 =	vld [tilespmem:$0x8650]  }
0x206: {  	v2 =	vld [tilespmem:$0x8250];
	_ =	sdelay $0x4  }
0x207: {  	v1 =	vsel vm0, v1, v2  }
0x208: {  	[tilespmem:s22+$0x11850] =	vst v1  }
0x209: {  	v1 =	vld [tilespmem:$0x8660]  }
0x20a: {  	v2 =	vld [tilespmem:$0x8260];
	_ =	sdelay $0x4  }
0x20b: {  	v1 =	vsel vm0, v1, v2  }
0x20c: {  	[tilespmem:s22+$0x11860] =	vst v1  }
0x20d: {  	v1 =	vld [tilespmem:$0x8670]  }
0x20e: {  	v2 =	vld [tilespmem:$0x8270];
	_ =	sdelay $0x4  }
0x20f: {  	v1 =	vsel vm0, v1, v2  }
0x210: {  	[tilespmem:s22+$0x11870] =	vst v1  }
0x211: {  	v1 =	vld [tilespmem:$0x8680]  }
0x212: {  	v2 =	vld [tilespmem:$0x8280];
	_ =	sdelay $0x4  }
0x213: {  	v1 =	vsel vm0, v1, v2  }
0x214: {  	[tilespmem:s22+$0x11C00] =	vst v1  }
0x215: {  	v1 =	vld [tilespmem:$0x8690]  }
0x216: {  	v2 =	vld [tilespmem:$0x8290];
	_ =	sdelay $0x4  }
0x217: {  	v1 =	vsel vm0, v1, v2  }
0x218: {  	[tilespmem:s22+$0x11C10] =	vst v1  }
0x219: {  	v1 =	vld [tilespmem:$0x86A0]  }
0x21a: {  	v2 =	vld [tilespmem:$0x82A0];
	_ =	sdelay $0x4  }
0x21b: {  	v1 =	vsel vm0, v1, v2  }
0x21c: {  	[tilespmem:s22+$0x11C20] =	vst v1  }
0x21d: {  	v1 =	vld [tilespmem:$0x86B0]  }
0x21e: {  	v2 =	vld [tilespmem:$0x82B0];
	_ =	sdelay $0x4  }
0x21f: {  	v1 =	vsel vm0, v1, v2  }
0x220: {  	[tilespmem:s22+$0x11C30] =	vst v1  }
0x221: {  	v1 =	vld [tilespmem:$0x86C0]  }
0x222: {  	v2 =	vld [tilespmem:$0x82C0];
	_ =	sdelay $0x4  }
0x223: {  	v1 =	vsel vm0, v1, v2  }
0x224: {  	[tilespmem:s22+$0x11C40] =	vst v1  }
0x225: {  	v1 =	vld [tilespmem:$0x86D0]  }
0x226: {  	v2 =	vld [tilespmem:$0x82D0];
	_ =	sdelay $0x4  }
0x227: {  	v1 =	vsel vm0, v1, v2  }
0x228: {  	[tilespmem:s22+$0x11C50] =	vst v1  }
0x229: {  	v1 =	vld [tilespmem:$0x86E0]  }
0x22a: {  	v2 =	vld [tilespmem:$0x82E0];
	_ =	sdelay $0x4  }
0x22b: {  	v1 =	vsel vm0, v1, v2  }
0x22c: {  	[tilespmem:s22+$0x11C60] =	vst v1  }
0x22d: {  	v1 =	vld [tilespmem:$0x86F0]  }
0x22e: {  	v2 =	vld [tilespmem:$0x82F0];
	_ =	sdelay $0x4  }
0x22f: {  	v1 =	vsel vm0, v1, v2  }
0x230: {  	[tilespmem:s22+$0x11C70] =	vst v1  }
0x231: {  	v1 =	vld [tilespmem:$0x8700]  }
0x232: {  	v2 =	vld [tilespmem:$0x8300];
	_ =	sdelay $0x4  }
0x233: {  	v1 =	vsel vm0, v1, v2  }
0x234: {  	[tilespmem:s22+$0x12000] =	vst v1  }
0x235: {  	v1 =	vld [tilespmem:$0x8710]  }
0x236: {  	v2 =	vld [tilespmem:$0x8310];
	_ =	sdelay $0x4  }
0x237: {  	v1 =	vsel vm0, v1, v2  }
0x238: {  	[tilespmem:s22+$0x12010] =	vst v1  }
0x239: {  	v1 =	vld [tilespmem:$0x8720]  }
0x23a: {  	v2 =	vld [tilespmem:$0x8320];
	_ =	sdelay $0x4  }
0x23b: {  	v1 =	vsel vm0, v1, v2  }
0x23c: {  	[tilespmem:s22+$0x12020] =	vst v1  }
0x23d: {  	v1 =	vld [tilespmem:$0x8730]  }
0x23e: {  	v2 =	vld [tilespmem:$0x8330];
	_ =	sdelay $0x4  }
0x23f: {  	v1 =	vsel vm0, v1, v2  }
0x240: {  	[tilespmem:s22+$0x12030] =	vst v1  }
0x241: {  	v1 =	vld [tilespmem:$0x8740]  }
0x242: {  	v2 =	vld [tilespmem:$0x8340];
	_ =	sdelay $0x4  }
0x243: {  	v1 =	vsel vm0, v1, v2  }
0x244: {  	[tilespmem:s22+$0x12040] =	vst v1  }
0x245: {  	v1 =	vld [tilespmem:$0x8750]  }
0x246: {  	v2 =	vld [tilespmem:$0x8350];
	_ =	sdelay $0x4  }
0x247: {  	v1 =	vsel vm0, v1, v2  }
0x248: {  	[tilespmem:s22+$0x12050] =	vst v1  }
0x249: {  	v1 =	vld [tilespmem:$0x8760]  }
0x24a: {  	v2 =	vld [tilespmem:$0x8360];
	_ =	sdelay $0x4  }
0x24b: {  	v1 =	vsel vm0, v1, v2  }
0x24c: {  	[tilespmem:s22+$0x12060] =	vst v1  }
0x24d: {  	v1 =	vld [tilespmem:$0x8770]  }
0x24e: {  	v2 =	vld [tilespmem:$0x8370];
	_ =	sdelay $0x4  }
0x24f: {  	v1 =	vsel vm0, v1, v2  }
0x250: {  	[tilespmem:s22+$0x12070] =	vst v1  }
0x251: {  	v1 =	vld [tilespmem:$0x8780]  }
0x252: {  	v2 =	vld [tilespmem:$0x8380]  }
0x253: {  	s23 =	sand.u32 $0x7, s19  }
0x254: {  	s22 =	sshll.u32 s23, $0x8  }
0x255: {  	s22 =	sadd.s32 s22, s20  }
0x256: {  	s24 =	sor.u32 $0x3800, s22  }
0x257: {  	s23 =	sshra.s32 s24, $0x1;
	v1 =	vsel vm0, v1, v2  }
0x258: {  	[tilespmem:s23+$0x10800] =	vst v1  }
0x259: {  	v1 =	vld [tilespmem:$0x8790]  }
0x25a: {  	v2 =	vld [tilespmem:$0x8390];
	_ =	sdelay $0x3  }
0x25b: {  	s25 =	sor.u32 $0x3820, s22  }
0x25c: {  	s23 =	sshra.s32 s25, $0x1;
	v1 =	vsel vm0, v1, v2  }
0x25d: {  	[tilespmem:s23+$0x10800] =	vst v1  }
0x25e: {  	v1 =	vld [tilespmem:$0x87A0]  }
0x25f: {  	v2 =	vld [tilespmem:$0x83A0];
	_ =	sdelay $0x3  }
0x260: {  	s26 =	sor.u32 $0x3840, s22  }
0x261: {  	s23 =	sshra.s32 s26, $0x1;
	v1 =	vsel vm0, v1, v2  }
0x262: {  	[tilespmem:s23+$0x10800] =	vst v1  }
0x263: {  	v1 =	vld [tilespmem:$0x87B0]  }
0x264: {  	v2 =	vld [tilespmem:$0x83B0];
	_ =	sdelay $0x3  }
0x265: {  	s28 =	sor.u32 $0x3860, s22  }
0x266: {  	s23 =	sshra.s32 s28, $0x1;
	v1 =	vsel vm0, v1, v2  }
0x267: {  	[tilespmem:s23+$0x10800] =	vst v1  }
0x268: {  	v1 =	vld [tilespmem:$0x87C0]  }
0x269: {  	v2 =	vld [tilespmem:$0x83C0];
	_ =	sdelay $0x3  }
0x26a: {  	s29 =	sor.u32 $0x3880, s22  }
0x26b: {  	s23 =	sshra.s32 s29, $0x1;
	v1 =	vsel vm0, v1, v2  }
0x26c: {  	[tilespmem:s23+$0x10800] =	vst v1  }
0x26d: {  	v1 =	vld [tilespmem:$0x87D0]  }
0x26e: {  	v2 =	vld [tilespmem:$0x83D0];
	_ =	sdelay $0x3  }
0x26f: {  	s30 =	sor.u32 $0x38A0, s22  }
0x270: {  	s23 =	sshra.s32 s30, $0x1;
	v1 =	vsel vm0, v1, v2  }
0x271: {  	[tilespmem:s23+$0x10800] =	vst v1  }
0x272: {  	v1 =	vld [tilespmem:$0x87E0]  }
0x273: {  	v2 =	vld [tilespmem:$0x83E0];
	_ =	sdelay $0x3  }
0x274: {  	s31 =	sor.u32 $0x38C0, s22  }
0x275: {  	s23 =	sshra.s32 s31, $0x1;
	v1 =	vsel vm0, v1, v2  }
0x276: {  	[tilespmem:s23+$0x10800] =	vst v1  }
0x277: {  	v1 =	vld [tilespmem:$0x87F0]  }
0x278: {  	v2 =	vld [tilespmem:$0x83F0]  }
0x279: {  	p0 =	sne.s32 s21, $0x1F00  }
.Ltmp3:
0x27a: {  	_ = 	snop;
	(pc) =	sbr.rel @p0 .LBB2_8-.Ltmp3, $4  }
0x27b: {  	_ = 	snop  }
0x27c: {  	s22 =	sor.u32 $0x38E0, s22  }
0x27d: {  	s22 =	sshra.s32 s22, $0x1;
	v1 =	vsel vm0, v1, v2  }
0x27e: {  	s21 =	sadd.s32 $0x100, s21;
	s19 =	sadd.s32 $0x1, s19;
	s20 =	sadd.s32 $0x800, s20;
	[tilespmem:s22+$0x10800] =	vst v1  }
0x27f: {  	s18 =	sadd.s32 s17, s6;
	s19 =	simm.s32 $0x10800  }
0x280: {  	[hbm4b:s18+s11] =	stream.strided.scatter [tilespmem:s19], [sflag:$0x2], $0x400, s12, s11, $0x38;
	[tilespmem:$0x18800] =	vst v63  }
0x281: {  	s20 =	simm.s32 $0x10C00;
	s19 =	sadd.s32 $0x40, s18  }
0x282: {  	[hbm4b:s19+s11] =	stream.strided.scatter [tilespmem:s20], [sflag:$0x2], $0x400, s12, s11, $0x38;
	[tilespmem:$0x18800] =	vst v63  }
0x283: {  	s21 =	simm.s32 $0x11000;
	s23 =	simm.s32 $0x11400;
	s22 =	sadd.s32 $0x80, s18  }
0x284: {  	[hbm4b:s22+s11] =	stream.strided.scatter [tilespmem:s21], [sflag:$0x2], $0x400, s12, s11, $0x38;
	[tilespmem:$0x18800] =	vst v63  }
0x285: {  	s25 =	simm.s32 $0x11800;
	s28 =	simm.s32 $0x11C00;
	s24 =	sadd.s32 $0xC0, s18  }
0x286: {  	[hbm4b:s24+s11] =	stream.strided.scatter [tilespmem:s23], [sflag:$0x2], $0x400, s12, s11, $0x38;
	[tilespmem:$0x18800] =	vst v63  }
0x287: {  	s30 =	simm.s32 $0x12000;
	s17 =	simm.s32 $0x2000;
	s26 =	sadd.s32 $0x100, s18  }
0x288: {  	[hbm4b:s26+s11] =	stream.strided.scatter [tilespmem:s25], [sflag:$0x2], $0x400, s12, s11, $0x38;
	[tilespmem:$0x18800] =	vst v63  }
0x289: {  	s29 =	sadd.s32 $0x140, s18;
	s31 =	sadd.s32 $0x180, s18;
	s19 =	simm.s32 $0x10000  }
0x28a: {  	[hbm4b:s29+s11] =	stream.strided.scatter [tilespmem:s28], [sflag:$0x2], $0x400, s12, s11, $0x38;
	[tilespmem:$0x18800] =	vst v63  }
0x28b: {  	s20 =	simm.s32 $0x12400;
	s21 =	sadd.s32 $0x1C0, s18;
	s18 =	sadd.s32 $0x400, s18  }
0x28c: {  	[hbm4b:s31+s11] =	stream.strided.scatter [tilespmem:s30], [sflag:$0x2], $0x400, s12, s11, $0x38;
	[tilespmem:$0x18800] =	vst v63  }
.LBB2_10:
0x28d: {  	[hbm4b:s21+s11] =	stream.strided.scatter [tilespmem:s20], [sflag:$0x2], $0x400, s12, s11, $0x38;
	[tilespmem:$0x18800] =	vst v63  }
0x28e: {  	s20 =	smov.u32 s17;
	s17 =	smov.u32 s19  }
0x28f: {  	s22 =	sadd.s32 $0x8000, s19;
	s17 =	sshra.s32 s17, $0x2;
	s21 =	sadd.s32 $0x10800, s20  }
0x290: {  	[hbm4b:s18+s11] =	stream.strided.scatter [tilespmem:s21], [sflag:$0x2], $0x400, s12, s11, $0x38;
	[tilespmem:$0x18800] =	vst v63  }
0x291: {  	p0 =	sne.s32 s19, $0x18000;
	s19 =	sadd.s32 $0x10C00, s20;
	s21 =	sadd.s32 $0x40, s18  }
0x292: {  	[hbm4b:s21+s11] =	stream.strided.scatter [tilespmem:s19], [sflag:$0x2], $0x400, s12, s11, $0x38;
	[tilespmem:$0x18800] =	vst v63  }
0x293: {  	s19 =	sadd.s32 $0x11000, s20;
	s21 =	sadd.s32 $0x80, s18  }
0x294: {  	[hbm4b:s21+s11] =	stream.strided.scatter [tilespmem:s19], [sflag:$0x2], $0x400, s12, s11, $0x38;
	[tilespmem:$0x18800] =	vst v63  }
0x295: {  	s19 =	sadd.s32 $0x11400, s20;
	s21 =	sadd.s32 $0xC0, s18  }
0x296: {  	[hbm4b:s21+s11] =	stream.strided.scatter [tilespmem:s19], [sflag:$0x2], $0x400, s12, s11, $0x38;
	[tilespmem:$0x18800] =	vst v63  }
0x297: {  	s19 =	sadd.s32 $0x11800, s20;
	s21 =	sadd.s32 $0x100, s18  }
0x298: {  	[hbm4b:s21+s11] =	stream.strided.scatter [tilespmem:s19], [sflag:$0x2], $0x400, s12, s11, $0x38;
	[tilespmem:$0x18800] =	vst v63  }
.Ltmp4:
0x299: {  	s19 =	sadd.s32 $0x11C00, s20;
	s21 =	sadd.s32 $0x140, s18;
	(pc) =	sbr.rel @p0 .LBB2_10-.Ltmp4, $4  }
0x29a: {  	[hbm4b:s21+s11] =	stream.strided.scatter [tilespmem:s19], [sflag:$0x2], $0x400, s12, s11, $0x38;
	[tilespmem:$0x18800] =	vst v63  }
0x29b: {  	s19 =	sadd.s32 $0x12000, s20;
	s21 =	sadd.s32 $0x180, s18;
	s20 =	sadd.s32 $0x12400, s20  }
0x29c: {  	[hbm4b:s21+s11] =	stream.strided.scatter [tilespmem:s19], [sflag:$0x2], $0x400, s12, s11, $0x38;
	[tilespmem:$0x18800] =	vst v63  }
0x29d: {  	s21 =	sadd.s32 $0x1C0, s18;
	s18 =	sadd.s32 $0x400, s18;
	s19 =	smov.u32 s22  }
0x29e: {  	[hbm4b:s21+s11] =	stream.strided.scatter [tilespmem:s20], [sflag:$0x2], $0x400, s12, s11, $0x38;
	[tilespmem:$0x18800] =	vst v63  }
0x29f: {  	s19 =	sadd.s32 $0x10800, s17  }
0x2a0: {  	[hbm4b:s18+s11] =	stream.strided.scatter [tilespmem:s19], [sflag:$0x2], $0x400, s12, s11, $0x38;
	[tilespmem:$0x18800] =	vst v63  }
0x2a1: {  	s28 =	sadd.s32 $0x10C00, s17;
	s29 =	sadd.s32 $0x40, s18  }
0x2a2: {  	[hbm4b:s29+s11] =	stream.strided.scatter [tilespmem:s28], [sflag:$0x2], $0x400, s12, s11, $0x38;
	[tilespmem:$0x18800] =	vst v63  }
0x2a3: {  	s30 =	sadd.s32 $0x11000, s17;
	s31 =	sadd.s32 $0x80, s18  }
0x2a4: {  	[hbm4b:s31+s11] =	stream.strided.scatter [tilespmem:s30], [sflag:$0x2], $0x400, s12, s11, $0x38;
	[tilespmem:$0x18800] =	vst v63  }
0x2a5: {  	s21 =	sadd.s32 $0x11400, s17;
	s22 =	sadd.s32 $0xC0, s18  }
0x2a6: {  	[hbm4b:s22+s11] =	stream.strided.scatter [tilespmem:s21], [sflag:$0x2], $0x400, s12, s11, $0x38;
	[tilespmem:$0x18800] =	vst v63  }
0x2a7: {  	s23 =	sadd.s32 $0x11800, s17;
	s24 =	sadd.s32 $0x100, s18;
	s16 =	sadd.s32 $0x1, s16  }
0x2a8: {  	[hbm4b:s24+s11] =	stream.strided.scatter [tilespmem:s23], [sflag:$0x2], $0x400, s12, s11, $0x38;
	[tilespmem:$0x18800] =	vst v63  }
0x2a9: {  	s25 =	sadd.s32 $0x11C00, s17;
	s26 =	sadd.s32 $0x140, s18;
	p0 =	sne.s32 s16, $0x4  }
0x2aa: {  	[hbm4b:s26+s11] =	stream.strided.scatter [tilespmem:s25], [sflag:$0x2], $0x400, s12, s11, $0x38;
	[tilespmem:$0x18800] =	vst v63  }
.Ltmp5:
0x2ab: {  	_ = 	snop;
	(pc) =	sbr.rel @p0 .LBB2_7-.Ltmp5, $4  }
0x2ac: {  	s28 =	sadd.s32 $0x12000, s17;
	s29 =	sadd.s32 $0x180, s18  }
0x2ad: {  	[hbm4b:s29+s11] =	stream.strided.scatter [tilespmem:s28], [sflag:$0x2], $0x400, s12, s11, $0x38;
	[tilespmem:$0x18800] =	vst v63  }
0x2ae: {  	s30 =	sadd.s32 $0x12400, s17;
	s31 =	sadd.s32 $0x1C0, s18  }
0x2af: {  	[hbm4b:s31+s11] =	stream.strided.scatter [tilespmem:s30], [sflag:$0x2], $0x400, s12, s11, $0x38;
	[tilespmem:$0x18800] =	vst v63  }
0x2b0: {  	s15 =	sadd.s32 $0x1, s15  }
0x2b1: {  	_ =	swait.ge [sflag:s13], $0x8000;
	p0 =	sne.s32 s15, s7  }
.Ltmp6:
0x2b2: {  	[sflag:s13] =	ssyncset.done $0x0;
	(pc) =	sbr.rel @p0 .LBB2_1-.Ltmp6, $4  }
0x2b3: {  	[sflag:s13] =	ssyncadd.s32 $0xFFFF8000  }
0x2b4: {  	_ =	swait.ge [sflag:s14], $0x8000  }
0x2b5: {  	[sflag:s14] =	ssyncset.done $0x0  }
0x2b6: {  	[sflag:s14] =	ssyncadd.s32 $0xFFFF8000  }
0x2b7: {  	_ =	sfence.sel $0x180000  }
0x2b8: {  	[bflag:$0x0] =	sbarrier.arrive $0xFFFF  }
0x2b9: {  	p0 =	sne.s32 s0, $0x0;
	_ =	strace $0x90000047  }
0x2ba: {  	s0 =	sadd.s32 @!p0 $0x100000, s1;
	[bflag:$0x2] =	sbarrier.arrive $0xFFFF  }
0x2bb: {  	[sflag:s0] =	ssyncadd.tile.s32 @!p0 $0x1;
	_ =	shalt  }
.Lfunc_end2:
_tile_overlayer_lowered:
.L_overlay_start_2:
0x2bc: {  	(tag) =	ssettag $0x2  }
0x2bd: {  	s0 =	rddreg [dreg:$0x0];
	s2 =	stileid.u32  }
0x2be: {  	s1 =	rddreg [dreg:$0x1];
	p0 =	sne.s32 s2, $0x0  }
0x2bf: {  	s3 =	rddreg [dreg:$0x2];
	[bflag:$0x3] =	sbarrier.arrive $0xFFFF;
	s2 =	simm.s32 @!p0 $0x1C03  }
0x2c0: {  	[timem:s3], [sflag:s2] =	dma.local @!p0 [hbm:s0], s1  }
0x2c1: {  	s0 =	simm.s32 @!p0 $0x3  }
0x2c2: {  	_ =	swait.ge @!p0 [sflag:s0], s1  }
0x2c3: {  	s1 =	ssub.s32 @!p0 $0x0, s1;
	[sflag:s0] =	ssyncset.done @!p0 $0x0  }
0x2c4: {  	[sflag:s0] =	ssyncadd.s32 @!p0 s1  }
0x2c5: {  	[bflag:$0x3] =	sbarrier.arrive $0xFFFF  }
0x2c6: {  	_ =	shalt  }

</sc_bundles>
